<compile_context>
chip_gen: v7x
topology: tpu7x:2x2x1
jax: 0.10.2.dev20260603
libtpu: 0.0.44.dev20260713+nightly
codegen_flags: <defaults>
</compile_context>

<pallas_src>
import functools

import jax
import jax.numpy as jnp
from jax import lax
from jax.experimental import pallas as pl
from jax.experimental.pallas import tpu as pltpu
from jax.experimental.pallas import tpu_sc as plsc

N_NODES = 100000
N_EDGES = 1600000
N_GRAPHS = 256
DN = 64
DE = 32
DOUT = 128

NC = 2
NS = 16
NW = NC * NS

EC = 512
N_ECHUNK = N_EDGES // EC
N_PAD = 100096
XC = 256
N_XCHUNK = N_PAD // XC
N_BP = 25024

_mesh = plsc.VectorSubcoreMesh(
    core_axis_name="c", subcore_axis_name="s", num_cores=NC, num_subcores=NS
)


@functools.partial(
    pl.kernel,
    out_type=(
        jax.ShapeDtypeStruct((NW, N_GRAPHS * DN), jnp.float32),
        jax.ShapeDtypeStruct((NW, N_GRAPHS * DE), jnp.float32),
    ),
    mesh=_mesh,
    compiler_params=pltpu.CompilerParams(needs_layout_passes=False),
    scratch_types=(
        pltpu.VMEM((N_BP,), jnp.int32),
        pltpu.VMEM((EC,), jnp.int32),
        pltpu.VMEM((EC,), jnp.int32),
        pltpu.VMEM((EC * DE,), jnp.float32),
        pltpu.VMEM((EC * DE,), jnp.float32),
        pltpu.VMEM((XC,), jnp.int32),
        pltpu.VMEM((XC,), jnp.int32),
        pltpu.VMEM((XC * DN,), jnp.float32),
        pltpu.VMEM((XC * DN,), jnp.float32),
        pltpu.VMEM((N_GRAPHS * DN,), jnp.float32),
        pltpu.VMEM((N_GRAPHS * DE,), jnp.float32),
        pltpu.SemaphoreType.DMA,
        pltpu.SemaphoreType.DMA,
    ),
)
def _sc_aggregate(
    x_hbm, batch_hbm, col_hbm, attr_hbm, bp_hbm,
    node_out, edge_out,
    bp_v, col_a, col_b, erows_a, erows_b, nseg_a, nseg_b, xrows_a, xrows_b,
    nacc_v, eacc_v, sem_a, sem_b,
):
    c = lax.axis_index("c")
    s = lax.axis_index("s")
    wid = c * NS + s
    zv = jnp.zeros((16,), jnp.float32)
    iota = lax.iota(jnp.int32, 16)
    lane64 = lax.mul(iota, 64)
    lane32 = lax.mul(iota, 32)

    def z64(i, carry):
        nacc_v[pl.ds(pl.multiple_of(i * 16, 16), 16)] = zv
        return carry

    lax.fori_loop(0, N_GRAPHS * DN // 16, z64, 0)

    def z32(i, carry):
        eacc_v[pl.ds(pl.multiple_of(i * 16, 16), 16)] = zv
        return carry

    lax.fori_loop(0, N_GRAPHS * DE // 16, z32, 0)

    pltpu.sync_copy(bp_hbm, bp_v)

    def nstart(cid, seg_buf, row_buf, sem):
        @pl.when(cid < N_XCHUNK)
        def _():
            pltpu.async_copy(batch_hbm.at[pl.ds(cid * XC, XC)], seg_buf, sem)
            pltpu.async_copy(
                x_hbm.at[pl.ds(cid * XC * DN, XC * DN)], row_buf, sem
            )

    def ncompute(cid, seg_buf, row_buf, sem):
        @pl.when(cid < N_XCHUNK)
        def _():
            pltpu.make_async_copy(
                batch_hbm.at[pl.ds(cid * XC, XC)], seg_buf, sem
            ).wait()
            pltpu.make_async_copy(
                x_hbm.at[pl.ds(cid * XC * DN, XC * DN)], row_buf, sem
            ).wait()

            def group(g, carry2):
                seg16 = seg_buf[pl.ds(pl.multiple_of(g * 16, 16), 16)]
                nidx = lax.mul(seg16, DN)
                gbase = g * (16 * DN)
                for k in range(16):
                    sk = nidx[k]
                    for h in range(DN // 16):
                        row = row_buf[
                            pl.ds(
                                pl.multiple_of(gbase + (k * DN + h * 16), 16),
                                16,
                            )
                        ]
                        plsc.addupdate_scatter(
                            nacc_v, [iota + (sk + h * 16)], row
                        )
                return carry2

            lax.fori_loop(0, XC // 16, group, 0)

    nstart(wid, nseg_a, xrows_a, sem_a)

    def node_body(t, carry):
        cid_a = wid + NW * (2 * t)
        cid_b = wid + NW * (2 * t + 1)
        cid_n = wid + NW * (2 * t + 2)
        nstart(cid_b, nseg_b, xrows_b, sem_b)
        ncompute(cid_a, nseg_a, xrows_a, sem_a)
        nstart(cid_n, nseg_a, xrows_a, sem_a)
        ncompute(cid_b, nseg_b, xrows_b, sem_b)
        return carry

    lax.fori_loop(0, (N_XCHUNK + 2 * NW - 1) // (2 * NW), node_body, 0)

    def estart(cid, col_buf, row_buf, sem):
        @pl.when(cid < N_ECHUNK)
        def _():
            pltpu.async_copy(col_hbm.at[pl.ds(cid * EC, EC)], col_buf, sem)
            pltpu.async_copy(
                attr_hbm.at[pl.ds(cid * EC * DE, EC * DE)], row_buf, sem
            )

    def ecompute(cid, col_buf, row_buf, sem):
        @pl.when(cid < N_ECHUNK)
        def _():
            pltpu.make_async_copy(
                col_hbm.at[pl.ds(cid * EC, EC)], col_buf, sem
            ).wait()
            pltpu.make_async_copy(
                attr_hbm.at[pl.ds(cid * EC * DE, EC * DE)], row_buf, sem
            ).wait()

            def group(g, carry2):
                cvec = col_buf[pl.ds(pl.multiple_of(g * 16, 16), 16)]
                word = plsc.load_gather(
                    bp_v, [lax.shift_right_logical(cvec, 2)]
                )
                sh = lax.shift_left(jnp.bitwise_and(cvec, 3), 3)
                seg16 = jnp.bitwise_and(
                    lax.shift_right_logical(word, sh), 255
                )
                eidx = lax.mul(seg16, DE)
                gbase = g * (16 * DE)
                for k in range(16):
                    sk = eidx[k]
                    for h in range(DE // 16):
                        row = row_buf[
                            pl.ds(
                                pl.multiple_of(gbase + (k * DE + h * 16), 16),
                                16,
                            )
                        ]
                        plsc.addupdate_scatter(
                            eacc_v, [iota + (sk + h * 16)], row
                        )
                return carry2

            lax.fori_loop(0, EC // 16, group, 0)

    estart(wid, col_a, erows_a, sem_a)

    def edge_body(t, carry):
        cid_a = wid + NW * (2 * t)
        cid_b = wid + NW * (2 * t + 1)
        cid_n = wid + NW * (2 * t + 2)
        estart(cid_b, col_b, erows_b, sem_b)
        ecompute(cid_a, col_a, erows_a, sem_a)
        estart(cid_n, col_a, erows_a, sem_a)
        ecompute(cid_b, col_b, erows_b, sem_b)
        return carry

    lax.fori_loop(0, (N_ECHUNK + 2 * NW - 1) // (2 * NW), edge_body, 0)

    pltpu.sync_copy(nacc_v, node_out.at[wid])
    pltpu.sync_copy(eacc_v, edge_out.at[wid])


def _mm_body(npar_ref, epar_ref, wn_ref, we_ref, b_ref, o_ref):
    na = jnp.sum(npar_ref[...], axis=0)
    ea = jnp.sum(epar_ref[...], axis=0)
    o_ref[...] = (
        jnp.dot(na, wn_ref[...], preferred_element_type=jnp.float32)
        + jnp.dot(ea, we_ref[...], preferred_element_type=jnp.float32)
        + b_ref[...]
    )


_mm = pl.pallas_call(
    _mm_body,
    out_shape=jax.ShapeDtypeStruct((N_GRAPHS, DOUT), jnp.float32),
)


def kernel(x, edge_index, edge_attr, u, batch, W, b):
    del u
    col = edge_index[1].astype(jnp.int32)
    batch_i32 = batch.astype(jnp.int32)
    bp = lax.bitcast_convert_type(
        batch_i32.astype(jnp.uint8).reshape(N_NODES // 4, 4), jnp.int32
    )
    bp = jnp.pad(bp, (0, N_BP - N_NODES // 4))
    batch_pad = jnp.pad(batch_i32, (0, N_PAD - N_NODES))
    x_flat = jnp.pad(x, ((0, N_PAD - N_NODES), (0, 0))).reshape(N_PAD * DN)
    attr_flat = edge_attr.reshape(N_EDGES * DE)
    node_parts, edge_parts = _sc_aggregate(
        x_flat, batch_pad, col, attr_flat, bp
    )
    return _mm(
        node_parts.reshape(NW, N_GRAPHS, DN),
        edge_parts.reshape(NW, N_GRAPHS, DE),
        W[:DN],
        W[DN:],
        b.reshape(1, DOUT),
    )

# --- scband reference (transcript-rebuilt; emitter-appended) ---
"""Pipeline reference for scband-global-model-one-10393820857013 (READ-ONLY COPY).

The authoritative reference and input builder live on the scoring server;
editing this copy changes nothing except your own understanding.
"""

import jax, jax.numpy as jnp
import numpy as np

N_NODES = 100000
N_EDGES = 1600000
N_GRAPHS = 256
ENCODING_NODE_1 = 64
ENCODING_EDGE_1 = 32
NO_GRAPH_FEATURES_ONE = 128


def setup_inputs(seed: int = 0) -> dict:
    key = jax.random.key(seed)
    k1, k2, k3, k4, k5, k6 = jax.random.split(key, 6)
    x = jax.random.normal(k1, (N_NODES, ENCODING_NODE_1), dtype=jnp.float32)
    edge_index = jax.random.randint(k2, (2, N_EDGES), 0, N_NODES, dtype=jnp.int64)
    edge_attr = jax.random.normal(k3, (N_EDGES, ENCODING_EDGE_1), dtype=jnp.float32)
    u = jax.random.normal(k4, (N_GRAPHS, NO_GRAPH_FEATURES_ONE), dtype=jnp.float32)
    batch = jnp.sort(jax.random.randint(k5, (N_NODES,), 0, N_GRAPHS, dtype=jnp.int64))
    in_channels = ENCODING_NODE_1 + ENCODING_EDGE_1
    # xavier_uniform init for the Linear weight, bias filled with 0.01
    limit = float(np.sqrt(6.0 / (in_channels + NO_GRAPH_FEATURES_ONE)))
    W = jax.random.uniform(k6, (in_channels, NO_GRAPH_FEATURES_ONE), dtype=jnp.float32, minval=-limit, maxval=limit)
    b = jnp.full((NO_GRAPH_FEATURES_ONE,), 0.01, dtype=jnp.float32)
    return {"x": x, "edge_index": edge_index, "edge_attr": edge_attr, "u": u, "batch": batch, "W": W, "b": b}


def reference(x, edge_index, edge_attr, u, batch, W, b):
    row, col = edge_index[0], edge_index[1]
    # scatter_add(x, batch, dim=0) -> per-graph node aggregation
    node_aggregate = jax.ops.segment_sum(x, batch, num_segments=N_GRAPHS)
    # scatter_add(edge_attr, batch[col], dim=0) -> per-graph edge aggregation
    edge_aggregate = jax.ops.segment_sum(edge_attr, batch[col], num_segments=N_GRAPHS)
    out = jnp.concatenate([node_aggregate, edge_aggregate], axis=1)
    return out @ W + b

if __name__ == "__main__":
    import jax
    _d = setup_inputs()
    print(jax.jit(kernel)(*tuple(_d.values())))

</pallas_src>

<mosaic_0001>
#map = affine_map<(d0, d1) -> (0)>
#map1 = affine_map<(d0, d1) -> (0, 0)>
module attributes {stable_mosaic.version = 14 : i64} {
  func.func @_sc_aggregate(%arg0: i32, %arg1: i32, %arg2: memref<6406144xf32, #tpu.memory_space<hbm>>, %arg3: memref<100096xi32, #tpu.memory_space<hbm>>, %arg4: memref<1600000xi32, #tpu.memory_space<hbm>>, %arg5: memref<51200000xf32, #tpu.memory_space<hbm>>, %arg6: memref<25024xi32, #tpu.memory_space<hbm>>, %arg7: memref<32x16384xf32, #tpu.memory_space<hbm>>, %arg8: memref<32x8192xf32, #tpu.memory_space<hbm>>, %arg9: memref<25024xi32, #tpu.memory_space<vmem>>, %arg10: memref<512xi32, #tpu.memory_space<vmem>>, %arg11: memref<512xi32, #tpu.memory_space<vmem>>, %arg12: memref<16384xf32, #tpu.memory_space<vmem>>, %arg13: memref<16384xf32, #tpu.memory_space<vmem>>, %arg14: memref<256xi32, #tpu.memory_space<vmem>>, %arg15: memref<256xi32, #tpu.memory_space<vmem>>, %arg16: memref<16384xf32, #tpu.memory_space<vmem>>, %arg17: memref<16384xf32, #tpu.memory_space<vmem>>, %arg18: memref<16384xf32, #tpu.memory_space<vmem>>, %arg19: memref<8192xf32, #tpu.memory_space<vmem>>, %arg20: memref<!tpu.dma_semaphore, #tpu.memory_space<semaphore_mem>>, %arg21: memref<!tpu.dma_semaphore, #tpu.memory_space<semaphore_mem>>) attributes {dimension_semantics = [#tpu.dimension_semantics<core_parallel>, #tpu.dimension_semantics<subcore_parallel>], iteration_bounds = array<i64: 2, 16>, scalar_prefetch = 0 : i64, scratch_operands = 13 : i64, tpu.core_type = #tpu.core_type<sc_vector_subcore>, window_params = [{transform_indices = #map}, {transform_indices = #map}, {transform_indices = #map}, {transform_indices = #map}, {transform_indices = #map}, {transform_indices = #map1}, {transform_indices = #map1}]} {
    %mul3A = arith.constant 16 : i32
    %mul3A_0 = arith.muli %arg0, %mul3A : i32
    %add3A = arith.addi %mul3A_0, %arg1 : i32
    %broadcast_in_dim3A = arith.constant 0.000000e+00 : f32
    %broadcast_in_dim3A_1 = vector.broadcast %broadcast_in_dim3A : f32 to vector<16xf32>
    %iota3A = tpu.iota {dimensions = array<i32: 0>} : vector<16xi32>
    %mul3A_2 = arith.constant 64 : i32
    %mul3A_3 = vector.broadcast %mul3A_2 : i32 to vector<16xi32>
    %mul3A_4 = arith.muli %iota3A, %mul3A_3 : vector<16xi32>
    %mul3A_5 = arith.constant 32 : i32
    %mul3A_6 = vector.broadcast %mul3A_5 : i32 to vector<16xi32>
    %mul3A_7 = arith.muli %iota3A, %mul3A_6 : vector<16xi32>
    %scan3A = arith.constant 0 : i32
    %scan3A_8 = arith.constant 0 : i32
    %scan3A_9 = arith.constant 1024 : i32
    %scan3A_10 = arith.addi %scan3A_8, %scan3A_9 : i32
    %scan3A_11 = arith.constant 1 : i32
    scf.for %scan3A_38 = %scan3A_8 to %scan3A_10 step %scan3A_11  : i32 {
      %mul3A_39 = arith.constant 16 : i32
      %mul3A_40 = arith.muli %scan3A_38, %mul3A_39 : i32
      %multiple_of3A = tpu.assume_multiple %mul3A_40, 16 : i32
      %swap3A = arith.index_cast %multiple_of3A : i32 to index
      %swap3A_41 = tpu.vector_load %arg18[%swap3A] {strides = array<i32>} : memref<16384xf32, #tpu.memory_space<vmem>>, vector<16xf32>,
      tpu.vector_store %arg18[%swap3A], %broadcast_in_dim3A_1 {strides = array<i32>} : memref<16384xf32, #tpu.memory_space<vmem>>, vector<16xf32>,
    }
    %scan3A_12 = arith.constant 1024 : i32
    %scan3A_13 = arith.constant 0 : i32
    %scan3A_14 = arith.constant 0 : i32
    %scan3A_15 = arith.constant 512 : i32
    %scan3A_16 = arith.addi %scan3A_14, %scan3A_15 : i32
    %scan3A_17 = arith.constant 1 : i32
    scf.for %scan3A_38 = %scan3A_14 to %scan3A_16 step %scan3A_17  : i32 {
      %mul3A_39 = arith.constant 16 : i32
      %mul3A_40 = arith.muli %scan3A_38, %mul3A_39 : i32
      %multiple_of3A = tpu.assume_multiple %mul3A_40, 16 : i32
      %swap3A = arith.index_cast %multiple_of3A : i32 to index
      %swap3A_41 = tpu.vector_load %arg19[%swap3A] {strides = array<i32>} : memref<8192xf32, #tpu.memory_space<vmem>>, vector<16xf32>,
      tpu.vector_store %arg19[%swap3A], %broadcast_in_dim3A_1 {strides = array<i32>} : memref<8192xf32, #tpu.memory_space<vmem>>, vector<16xf32>,
    }
    %scan3A_18 = arith.constant 512 : i32
    "tpu.region"() ({
      %run_scoped3A = tpu.sem_alloc : memref<!tpu.dma_semaphore, #tpu.memory_space<semaphore_mem>>
      tpu.enqueue_dma source(%arg6 : memref<25024xi32, #tpu.memory_space<hbm>>) target(%arg9 : memref<25024xi32, #tpu.memory_space<vmem>>) target_semaphore(%run_scoped3A : memref<!tpu.dma_semaphore, #tpu.memory_space<semaphore_mem>>)
      tpu.wait_dma2 semaphore(%run_scoped3A : memref<!tpu.dma_semaphore, #tpu.memory_space<semaphore_mem>>) src(%arg6 : memref<25024xi32, #tpu.memory_space<hbm>>) dst(%arg9 : memref<25024xi32, #tpu.memory_space<vmem>>)
      tpu.yield
    }) : () -> ()
    %lt3A = arith.constant 391 : i32
    %lt3A_19 = arith.cmpi slt, %add3A, %lt3A : i32
    %convert_element_type3A = arith.extui %lt3A_19 : i1 to i32
    %cond3A = arith.constant 0 : i32
    %cond3A_20 = arith.cmpi ne, %convert_element_type3A, %cond3A : i32
    scf.if %cond3A_20 {
      %mul3A_38 = arith.constant 256 : i32
      %mul3A_39 = arith.muli %add3A, %mul3A_38 : i32
      %dma_start3A = tpu.memref_slice %arg3[%mul3A_39] : memref<100096xi32, #tpu.memory_space<hbm>> -> memref<256xi32, #tpu.memory_space<hbm>>
      %dma_start3A_40 = tpu.memref_slice %arg3[%mul3A_39] : memref<100096xi32, #tpu.memory_space<hbm>> -> memref<256xi32, #tpu.memory_space<hbm>>
      tpu.enqueue_dma source(%dma_start3A_40 : memref<256xi32, #tpu.memory_space<hbm>>) target(%arg14 : memref<256xi32, #tpu.memory_space<vmem>>) target_semaphore(%arg20 : memref<!tpu.dma_semaphore, #tpu.memory_space<semaphore_mem>>)
      %mul3A_41 = arith.constant 256 : i32
      %mul3A_42 = arith.muli %add3A, %mul3A_41 : i32
      %mul3A_43 = arith.constant 64 : i32
      %mul3A_44 = arith.muli %mul3A_42, %mul3A_43 : i32
      %dma_start3A_45 = tpu.memref_slice %arg2[%mul3A_44] : memref<6406144xf32, #tpu.memory_space<hbm>> -> memref<16384xf32, #tpu.memory_space<hbm>>
      %dma_start3A_46 = tpu.memref_slice %arg2[%mul3A_44] : memref<6406144xf32, #tpu.memory_space<hbm>> -> memref<16384xf32, #tpu.memory_space<hbm>>
      tpu.enqueue_dma source(%dma_start3A_46 : memref<16384xf32, #tpu.memory_space<hbm>>) target(%arg16 : memref<16384xf32, #tpu.memory_space<vmem>>) target_semaphore(%arg20 : memref<!tpu.dma_semaphore, #tpu.memory_space<semaphore_mem>>)
    } else {
    }
    %scan3A_21 = arith.constant 0 : i32
    %scan3A_22 = arith.constant 0 : i32
    %scan3A_23 = arith.constant 7 : i32
    %scan3A_24 = arith.addi %scan3A_22, %scan3A_23 : i32
    %scan3A_25 = arith.constant 1 : i32
    scf.for %scan3A_38 = %scan3A_22 to %scan3A_24 step %scan3A_25  : i32 {
      %mul3A_39 = arith.constant 2 : i32
      %mul3A_40 = arith.muli %mul3A_39, %scan3A_38 : i32
      %mul3A_41 = arith.constant 32 : i32
      %mul3A_42 = arith.muli %mul3A_41, %mul3A_40 : i32
      %add3A_43 = arith.addi %add3A, %mul3A_42 : i32
      %mul3A_44 = arith.constant 2 : i32
      %mul3A_45 = arith.muli %mul3A_44, %scan3A_38 : i32
      %add3A_46 = arith.constant 1 : i32
      %add3A_47 = arith.addi %mul3A_45, %add3A_46 : i32
      %mul3A_48 = arith.constant 32 : i32
      %mul3A_49 = arith.muli %mul3A_48, %add3A_47 : i32
      %add3A_50 = arith.addi %add3A, %mul3A_49 : i32
      %mul3A_51 = arith.constant 2 : i32
      %mul3A_52 = arith.muli %mul3A_51, %scan3A_38 : i32
      %add3A_53 = arith.constant 2 : i32
      %add3A_54 = arith.addi %mul3A_52, %add3A_53 : i32
      %mul3A_55 = arith.constant 32 : i32
      %mul3A_56 = arith.muli %mul3A_55, %add3A_54 : i32
      %add3A_57 = arith.addi %add3A, %mul3A_56 : i32
      %lt3A_58 = arith.constant 391 : i32
      %lt3A_59 = arith.cmpi slt, %add3A_50, %lt3A_58 : i32
      %convert_element_type3A_60 = arith.extui %lt3A_59 : i1 to i32
      %cond3A_61 = arith.constant 0 : i32
      %cond3A_62 = arith.cmpi ne, %convert_element_type3A_60, %cond3A_61 : i32
      scf.if %cond3A_62 {
        %mul3A_78 = arith.constant 256 : i32
        %mul3A_79 = arith.muli %add3A_50, %mul3A_78 : i32
        %dma_start3A = tpu.memref_slice %arg3[%mul3A_79] : memref<100096xi32, #tpu.memory_space<hbm>> -> memref<256xi32, #tpu.memory_space<hbm>>
        %dma_start3A_80 = tpu.memref_slice %arg3[%mul3A_79] : memref<100096xi32, #tpu.memory_space<hbm>> -> memref<256xi32, #tpu.memory_space<hbm>>
        tpu.enqueue_dma source(%dma_start3A_80 : memref<256xi32, #tpu.memory_space<hbm>>) target(%arg15 : memref<256xi32, #tpu.memory_space<vmem>>) target_semaphore(%arg21 : memref<!tpu.dma_semaphore, #tpu.memory_space<semaphore_mem>>)
        %mul3A_81 = arith.constant 256 : i32
        %mul3A_82 = arith.muli %add3A_50, %mul3A_81 : i32
        %mul3A_83 = arith.constant 64 : i32
        %mul3A_84 = arith.muli %mul3A_82, %mul3A_83 : i32
        %dma_start3A_85 = tpu.memref_slice %arg2[%mul3A_84] : memref<6406144xf32, #tpu.memory_space<hbm>> -> memref<16384xf32, #tpu.memory_space<hbm>>
        %dma_start3A_86 = tpu.memref_slice %arg2[%mul3A_84] : memref<6406144xf32, #tpu.memory_space<hbm>> -> memref<16384xf32, #tpu.memory_space<hbm>>
        tpu.enqueue_dma source(%dma_start3A_86 : memref<16384xf32, #tpu.memory_space<hbm>>) target(%arg17 : memref<16384xf32, #tpu.memory_space<vmem>>) target_semaphore(%arg21 : memref<!tpu.dma_semaphore, #tpu.memory_space<semaphore_mem>>)
      } else {
      }
      %lt3A_63 = arith.constant 391 : i32
      %lt3A_64 = arith.cmpi slt, %add3A_43, %lt3A_63 : i32
      %convert_element_type3A_65 = arith.extui %lt3A_64 : i1 to i32
      %cond3A_66 = arith.constant 0 : i32
      %cond3A_67 = arith.cmpi ne, %convert_element_type3A_65, %cond3A_66 : i32
      scf.if %cond3A_67 {
        %mul3A_78 = arith.constant 256 : i32
        %mul3A_79 = arith.muli %add3A_43, %mul3A_78 : i32
        %dma_wait3A = tpu.memref_slice %arg3[%mul3A_79] : memref<100096xi32, #tpu.memory_space<hbm>> -> memref<256xi32, #tpu.memory_space<hbm>>
        %dma_wait3A_80 = tpu.memref_slice %arg3[%mul3A_79] : memref<100096xi32, #tpu.memory_space<hbm>> -> memref<256xi32, #tpu.memory_space<hbm>>
        tpu.wait_dma2 semaphore(%arg20 : memref<!tpu.dma_semaphore, #tpu.memory_space<semaphore_mem>>) src(%dma_wait3A_80 : memref<256xi32, #tpu.memory_space<hbm>>) dst(%arg14 : memref<256xi32, #tpu.memory_space<vmem>>)
        %mul3A_81 = arith.constant 256 : i32
        %mul3A_82 = arith.muli %add3A_43, %mul3A_81 : i32
        %mul3A_83 = arith.constant 64 : i32
        %mul3A_84 = arith.muli %mul3A_82, %mul3A_83 : i32
        %dma_wait3A_85 = tpu.memref_slice %arg2[%mul3A_84] : memref<6406144xf32, #tpu.memory_space<hbm>> -> memref<16384xf32, #tpu.memory_space<hbm>>
        %dma_wait3A_86 = tpu.memref_slice %arg2[%mul3A_84] : memref<6406144xf32, #tpu.memory_space<hbm>> -> memref<16384xf32, #tpu.memory_space<hbm>>
        tpu.wait_dma2 semaphore(%arg20 : memref<!tpu.dma_semaphore, #tpu.memory_space<semaphore_mem>>) src(%dma_wait3A_86 : memref<16384xf32, #tpu.memory_space<hbm>>) dst(%arg16 : memref<16384xf32, #tpu.memory_space<vmem>>)
        %scan3A_87 = arith.constant 0 : i32
        %scan3A_88 = arith.constant 0 : i32
        %scan3A_89 = arith.constant 16 : i32
        %scan3A_90 = arith.addi %scan3A_88, %scan3A_89 : i32
        %scan3A_91 = arith.constant 1 : i32
        scf.for %scan3A_93 = %scan3A_88 to %scan3A_90 step %scan3A_91  : i32 {
          %mul3A_94 = arith.constant 16 : i32
          %mul3A_95 = arith.muli %scan3A_93, %mul3A_94 : i32
          %multiple_of3A = tpu.assume_multiple %mul3A_95, 16 : i32
          %get3A = arith.index_cast %multiple_of3A : i32 to index
          %get3A_96 = tpu.vector_load %arg14[%get3A] {strides = array<i32>} : memref<256xi32, #tpu.memory_space<vmem>>, vector<16xi32>,
          %mul3A_97 = arith.constant 64 : i32
          %mul3A_98 = vector.broadcast %mul3A_97 : i32 to vector<16xi32>
          %mul3A_99 = arith.muli %get3A_96, %mul3A_98 : vector<16xi32>
          %mul3A_100 = arith.constant 1024 : i32
          %mul3A_101 = arith.muli %scan3A_93, %mul3A_100 : i32
          %slice3A = vector.extract_strided_slice %mul3A_99 {offsets = [0], sizes = [1], strides = [1]} : vector<16xi32> to vector<1xi32>
          %squeeze3A = vector.extract %slice3A[0] : i32 from vector<1xi32>
          %add3A_102 = arith.constant 0 : i32
          %add3A_103 = arith.addi %mul3A_101, %add3A_102 : i32
          %multiple_of3A_104 = tpu.assume_multiple %add3A_103, 16 : i32
          %get3A_105 = arith.index_cast %multiple_of3A_104 : i32 to index
          %get3A_106 = tpu.vector_load %arg16[%get3A_105] {strides = array<i32>} : memref<16384xf32, #tpu.memory_space<vmem>>, vector<16xf32>,
          %add3A_107 = arith.constant 0 : i32
          %add3A_108 = arith.addi %squeeze3A, %add3A_107 : i32
          %add3A_109 = vector.broadcast %add3A_108 : i32 to vector<16xi32>
          %add3A_110 = arith.addi %iota3A, %add3A_109 : vector<16xi32>
          tpu.vector_store_idx %arg18[%add3A_110], %get3A_106 {add = true} : memref<16384xf32, #tpu.memory_space<vmem>>[vector<16xi32>], vector<16xf32>,
          %add3A_111 = arith.constant 16 : i32
          %add3A_112 = arith.addi %mul3A_101, %add3A_111 : i32
          %multiple_of3A_113 = tpu.assume_multiple %add3A_112, 16 : i32
          %get3A_114 = arith.index_cast %multiple_of3A_113 : i32 to index
          %get3A_115 = tpu.vector_load %arg16[%get3A_114] {strides = array<i32>} : memref<16384xf32, #tpu.memory_space<vmem>>, vector<16xf32>,
          %add3A_116 = arith.constant 16 : i32
          %add3A_117 = arith.addi %squeeze3A, %add3A_116 : i32
          %add3A_118 = vector.broadcast %add3A_117 : i32 to vector<16xi32>
          %add3A_119 = arith.addi %iota3A, %add3A_118 : vector<16xi32>
          tpu.vector_store_idx %arg18[%add3A_119], %get3A_115 {add = true} : memref<16384xf32, #tpu.memory_space<vmem>>[vector<16xi32>], vector<16xf32>,
          %add3A_120 = arith.constant 32 : i32
          %add3A_121 = arith.addi %mul3A_101, %add3A_120 : i32
          %multiple_of3A_122 = tpu.assume_multiple %add3A_121, 16 : i32
          %get3A_123 = arith.index_cast %multiple_of3A_122 : i32 to index
          %get3A_124 = tpu.vector_load %arg16[%get3A_123] {strides = array<i32>} : memref<16384xf32, #tpu.memory_space<vmem>>, vector<16xf32>,
          %add3A_125 = arith.constant 32 : i32
          %add3A_126 = arith.addi %squeeze3A, %add3A_125 : i32
          %add3A_127 = vector.broadcast %add3A_126 : i32 to vector<16xi32>
          %add3A_128 = arith.addi %iota3A, %add3A_127 : vector<16xi32>
          tpu.vector_store_idx %arg18[%add3A_128], %get3A_124 {add = true} : memref<16384xf32, #tpu.memory_space<vmem>>[vector<16xi32>], vector<16xf32>,
          %add3A_129 = arith.constant 48 : i32
          %add3A_130 = arith.addi %mul3A_101, %add3A_129 : i32
          %multiple_of3A_131 = tpu.assume_multiple %add3A_130, 16 : i32
          %get3A_132 = arith.index_cast %multiple_of3A_131 : i32 to index
          %get3A_133 = tpu.vector_load %arg16[%get3A_132] {strides = array<i32>} : memref<16384xf32, #tpu.memory_space<vmem>>, vector<16xf32>,
          %add3A_134 = arith.constant 48 : i32
          %add3A_135 = arith.addi %squeeze3A, %add3A_134 : i32
          %add3A_136 = vector.broadcast %add3A_135 : i32 to vector<16xi32>
          %add3A_137 = arith.addi %iota3A, %add3A_136 : vector<16xi32>
          tpu.vector_store_idx %arg18[%add3A_137], %get3A_133 {add = true} : memref<16384xf32, #tpu.memory_space<vmem>>[vector<16xi32>], vector<16xf32>,
          %slice3A_138 = vector.extract_strided_slice %mul3A_99 {offsets = [1], sizes = [1], strides = [1]} : vector<16xi32> to vector<1xi32>
          %squeeze3A_139 = vector.extract %slice3A_138[0] : i32 from vector<1xi32>
          %add3A_140 = arith.constant 64 : i32
          %add3A_141 = arith.addi %mul3A_101, %add3A_140 : i32
          %multiple_of3A_142 = tpu.assume_multiple %add3A_141, 16 : i32
          %get3A_143 = arith.index_cast %multiple_of3A_142 : i32 to index
          %get3A_144 = tpu.vector_load %arg16[%get3A_143] {strides = array<i32>} : memref<16384xf32, #tpu.memory_space<vmem>>, vector<16xf32>,
          %add3A_145 = arith.constant 0 : i32
          %add3A_146 = arith.addi %squeeze3A_139, %add3A_145 : i32
          %add3A_147 = vector.broadcast %add3A_146 : i32 to vector<16xi32>
          %add3A_148 = arith.addi %iota3A, %add3A_147 : vector<16xi32>
          tpu.vector_store_idx %arg18[%add3A_148], %get3A_144 {add = true} : memref<16384xf32, #tpu.memory_space<vmem>>[vector<16xi32>], vector<16xf32>,
          %add3A_149 = arith.constant 80 : i32
          %add3A_150 = arith.addi %mul3A_101, %add3A_149 : i32
          %multiple_of3A_151 = tpu.assume_multiple %add3A_150, 16 : i32
          %get3A_152 = arith.index_cast %multiple_of3A_151 : i32 to index
          %get3A_153 = tpu.vector_load %arg16[%get3A_152] {strides = array<i32>} : memref<16384xf32, #tpu.memory_space<vmem>>, vector<16xf32>,
          %add3A_154 = arith.constant 16 : i32
          %add3A_155 = arith.addi %squeeze3A_139, %add3A_154 : i32
          %add3A_156 = vector.broadcast %add3A_155 : i32 to vector<16xi32>
          %add3A_157 = arith.addi %iota3A, %add3A_156 : vector<16xi32>
          tpu.vector_store_idx %arg18[%add3A_157], %get3A_153 {add = true} : memref<16384xf32, #tpu.memory_space<vmem>>[vector<16xi32>], vector<16xf32>,
          %add3A_158 = arith.constant 96 : i32
          %add3A_159 = arith.addi %mul3A_101, %add3A_158 : i32
          %multiple_of3A_160 = tpu.assume_multiple %add3A_159, 16 : i32
          %get3A_161 = arith.index_cast %multiple_of3A_160 : i32 to index
          %get3A_162 = tpu.vector_load %arg16[%get3A_161] {strides = array<i32>} : memref<16384xf32, #tpu.memory_space<vmem>>, vector<16xf32>,
          %add3A_163 = arith.constant 32 : i32
          %add3A_164 = arith.addi %squeeze3A_139, %add3A_163 : i32
          %add3A_165 = vector.broadcast %add3A_164 : i32 to vector<16xi32>
          %add3A_166 = arith.addi %iota3A, %add3A_165 : vector<16xi32>
          tpu.vector_store_idx %arg18[%add3A_166], %get3A_162 {add = true} : memref<16384xf32, #tpu.memory_space<vmem>>[vector<16xi32>], vector<16xf32>,
          %add3A_167 = arith.constant 112 : i32
          %add3A_168 = arith.addi %mul3A_101, %add3A_167 : i32
          %multiple_of3A_169 = tpu.assume_multiple %add3A_168, 16 : i32
          %get3A_170 = arith.index_cast %multiple_of3A_169 : i32 to index
          %get3A_171 = tpu.vector_load %arg16[%get3A_170] {strides = array<i32>} : memref<16384xf32, #tpu.memory_space<vmem>>, vector<16xf32>,
          %add3A_172 = arith.constant 48 : i32
          %add3A_173 = arith.addi %squeeze3A_139, %add3A_172 : i32
          %add3A_174 = vector.broadcast %add3A_173 : i32 to vector<16xi32>
          %add3A_175 = arith.addi %iota3A, %add3A_174 : vector<16xi32>
          tpu.vector_store_idx %arg18[%add3A_175], %get3A_171 {add = true} : memref<16384xf32, #tpu.memory_space<vmem>>[vector<16xi32>], vector<16xf32>,
          %slice3A_176 = vector.extract_strided_slice %mul3A_99 {offsets = [2], sizes = [1], strides = [1]} : vector<16xi32> to vector<1xi32>
          %squeeze3A_177 = vector.extract %slice3A_176[0] : i32 from vector<1xi32>
          %add3A_178 = arith.constant 128 : i32
          %add3A_179 = arith.addi %mul3A_101, %add3A_178 : i32
          %multiple_of3A_180 = tpu.assume_multiple %add3A_179, 16 : i32
          %get3A_181 = arith.index_cast %multiple_of3A_180 : i32 to index
          %get3A_182 = tpu.vector_load %arg16[%get3A_181] {strides = array<i32>} : memref<16384xf32, #tpu.memory_space<vmem>>, vector<16xf32>,
          %add3A_183 = arith.constant 0 : i32
          %add3A_184 = arith.addi %squeeze3A_177, %add3A_183 : i32
          %add3A_185 = vector.broadcast %add3A_184 : i32 to vector<16xi32>
          %add3A_186 = arith.addi %iota3A, %add3A_185 : vector<16xi32>
          tpu.vector_store_idx %arg18[%add3A_186], %get3A_182 {add = true} : memref<16384xf32, #tpu.memory_space<vmem>>[vector<16xi32>], vector<16xf32>,
          %add3A_187 = arith.constant 144 : i32
          %add3A_188 = arith.addi %mul3A_101, %add3A_187 : i32
          %multiple_of3A_189 = tpu.assume_multiple %add3A_188, 16 : i32
          %get3A_190 = arith.index_cast %multiple_of3A_189 : i32 to index
          %get3A_191 = tpu.vector_load %arg16[%get3A_190] {strides = array<i32>} : memref<16384xf32, #tpu.memory_space<vmem>>, vector<16xf32>,
          %add3A_192 = arith.constant 16 : i32
          %add3A_193 = arith.addi %squeeze3A_177, %add3A_192 : i32
          %add3A_194 = vector.broadcast %add3A_193 : i32 to vector<16xi32>
          %add3A_195 = arith.addi %iota3A, %add3A_194 : vector<16xi32>
          tpu.vector_store_idx %arg18[%add3A_195], %get3A_191 {add = true} : memref<16384xf32, #tpu.memory_space<vmem>>[vector<16xi32>], vector<16xf32>,
          %add3A_196 = arith.constant 160 : i32
          %add3A_197 = arith.addi %mul3A_101, %add3A_196 : i32
          %multiple_of3A_198 = tpu.assume_multiple %add3A_197, 16 : i32
          %get3A_199 = arith.index_cast %multiple_of3A_198 : i32 to index
          %get3A_200 = tpu.vector_load %arg16[%get3A_199] {strides = array<i32>} : memref<16384xf32, #tpu.memory_space<vmem>>, vector<16xf32>,
          %add3A_201 = arith.constant 32 : i32
          %add3A_202 = arith.addi %squeeze3A_177, %add3A_201 : i32
          %add3A_203 = vector.broadcast %add3A_202 : i32 to vector<16xi32>
          %add3A_204 = arith.addi %iota3A, %add3A_203 : vector<16xi32>
          tpu.vector_store_idx %arg18[%add3A_204], %get3A_200 {add = true} : memref<16384xf32, #tpu.memory_space<vmem>>[vector<16xi32>], vector<16xf32>,
          %add3A_205 = arith.constant 176 : i32
          %add3A_206 = arith.addi %mul3A_101, %add3A_205 : i32
          %multiple_of3A_207 = tpu.assume_multiple %add3A_206, 16 : i32
          %get3A_208 = arith.index_cast %multiple_of3A_207 : i32 to index
          %get3A_209 = tpu.vector_load %arg16[%get3A_208] {strides = array<i32>} : memref<16384xf32, #tpu.memory_space<vmem>>, vector<16xf32>,
          %add3A_210 = arith.constant 48 : i32
          %add3A_211 = arith.addi %squeeze3A_177, %add3A_210 : i32
          %add3A_212 = vector.broadcast %add3A_211 : i32 to vector<16xi32>
          %add3A_213 = arith.addi %iota3A, %add3A_212 : vector<16xi32>
          tpu.vector_store_idx %arg18[%add3A_213], %get3A_209 {add = true} : memref<16384xf32, #tpu.memory_space<vmem>>[vector<16xi32>], vector<16xf32>,
          %slice3A_214 = vector.extract_strided_slice %mul3A_99 {offsets = [3], sizes = [1], strides = [1]} : vector<16xi32> to vector<1xi32>
          %squeeze3A_215 = vector.extract %slice3A_214[0] : i32 from vector<1xi32>
          %add3A_216 = arith.constant 192 : i32
          %add3A_217 = arith.addi %mul3A_101, %add3A_216 : i32
          %multiple_of3A_218 = tpu.assume_multiple %add3A_217, 16 : i32
          %get3A_219 = arith.index_cast %multiple_of3A_218 : i32 to index
          %get3A_220 = tpu.vector_load %arg16[%get3A_219] {strides = array<i32>} : memref<16384xf32, #tpu.memory_space<vmem>>, vector<16xf32>,
          %add3A_221 = arith.constant 0 : i32
          %add3A_222 = arith.addi %squeeze3A_215, %add3A_221 : i32
          %add3A_223 = vector.broadcast %add3A_222 : i32 to vector<16xi32>
          %add3A_224 = arith.addi %iota3A, %add3A_223 : vector<16xi32>
          tpu.vector_store_idx %arg18[%add3A_224], %get3A_220 {add = true} : memref<16384xf32, #tpu.memory_space<vmem>>[vector<16xi32>], vector<16xf32>,
          %add3A_225 = arith.constant 208 : i32
          %add3A_226 = arith.addi %mul3A_101, %add3A_225 : i32
          %multiple_of3A_227 = tpu.assume_multiple %add3A_226, 16 : i32
          %get3A_228 = arith.index_cast %multiple_of3A_227 : i32 to index
          %get3A_229 = tpu.vector_load %arg16[%get3A_228] {strides = array<i32>} : memref<16384xf32, #tpu.memory_space<vmem>>, vector<16xf32>,
          %add3A_230 = arith.constant 16 : i32
          %add3A_231 = arith.addi %squeeze3A_215, %add3A_230 : i32
          %add3A_232 = vector.broadcast %add3A_231 : i32 to vector<16xi32>
          %add3A_233 = arith.addi %iota3A, %add3A_232 : vector<16xi32>
          tpu.vector_store_idx %arg18[%add3A_233], %get3A_229 {add = true} : memref<16384xf32, #tpu.memory_space<vmem>>[vector<16xi32>], vector<16xf32>,
          %add3A_234 = arith.constant 224 : i32
          %add3A_235 = arith.addi %mul3A_101, %add3A_234 : i32
          %multiple_of3A_236 = tpu.assume_multiple %add3A_235, 16 : i32
          %get3A_237 = arith.index_cast %multiple_of3A_236 : i32 to index
          %get3A_238 = tpu.vector_load %arg16[%get3A_237] {strides = array<i32>} : memref<16384xf32, #tpu.memory_space<vmem>>, vector<16xf32>,
          %add3A_239 = arith.constant 32 : i32
          %add3A_240 = arith.addi %squeeze3A_215, %add3A_239 : i32
          %add3A_241 = vector.broadcast %add3A_240 : i32 to vector<16xi32>
          %add3A_242 = arith.addi %iota3A, %add3A_241 : vector<16xi32>
          tpu.vector_store_idx %arg18[%add3A_242], %get3A_238 {add = true} : memref<16384xf32, #tpu.memory_space<vmem>>[vector<16xi32>], vector<16xf32>,
          %add3A_243 = arith.constant 240 : i32
          %add3A_244 = arith.addi %mul3A_101, %add3A_243 : i32
          %multiple_of3A_245 = tpu.assume_multiple %add3A_244, 16 : i32
          %get3A_246 = arith.index_cast %multiple_of3A_245 : i32 to index
          %get3A_247 = tpu.vector_load %arg16[%get3A_246] {strides = array<i32>} : memref<16384xf32, #tpu.memory_space<vmem>>, vector<16xf32>,
          %add3A_248 = arith.constant 48 : i32
          %add3A_249 = arith.addi %squeeze3A_215, %add3A_248 : i32
          %add3A_250 = vector.broadcast %add3A_249 : i32 to vector<16xi32>
          %add3A_251 = arith.addi %iota3A, %add3A_250 : vector<16xi32>
          tpu.vector_store_idx %arg18[%add3A_251], %get3A_247 {add = true} : memref<16384xf32, #tpu.memory_space<vmem>>[vector<16xi32>], vector<16xf32>,
          %slice3A_252 = vector.extract_strided_slice %mul3A_99 {offsets = [4], sizes = [1], strides = [1]} : vector<16xi32> to vector<1xi32>
          %squeeze3A_253 = vector.extract %slice3A_252[0] : i32 from vector<1xi32>
          %add3A_254 = arith.constant 256 : i32
          %add3A_255 = arith.addi %mul3A_101, %add3A_254 : i32
          %multiple_of3A_256 = tpu.assume_multiple %add3A_255, 16 : i32
          %get3A_257 = arith.index_cast %multiple_of3A_256 : i32 to index
          %get3A_258 = tpu.vector_load %arg16[%get3A_257] {strides = array<i32>} : memref<16384xf32, #tpu.memory_space<vmem>>, vector<16xf32>,
          %add3A_259 = arith.constant 0 : i32
          %add3A_260 = arith.addi %squeeze3A_253, %add3A_259 : i32
          %add3A_261 = vector.broadcast %add3A_260 : i32 to vector<16xi32>
          %add3A_262 = arith.addi %iota3A, %add3A_261 : vector<16xi32>
          tpu.vector_store_idx %arg18[%add3A_262], %get3A_258 {add = true} : memref<16384xf32, #tpu.memory_space<vmem>>[vector<16xi32>], vector<16xf32>,
          %add3A_263 = arith.constant 272 : i32
          %add3A_264 = arith.addi %mul3A_101, %add3A_263 : i32
          %multiple_of3A_265 = tpu.assume_multiple %add3A_264, 16 : i32
          %get3A_266 = arith.index_cast %multiple_of3A_265 : i32 to index
          %get3A_267 = tpu.vector_load %arg16[%get3A_266] {strides = array<i32>} : memref<16384xf32, #tpu.memory_space<vmem>>, vector<16xf32>,
          %add3A_268 = arith.constant 16 : i32
          %add3A_269 = arith.addi %squeeze3A_253, %add3A_268 : i32
          %add3A_270 = vector.broadcast %add3A_269 : i32 to vector<16xi32>
          %add3A_271 = arith.addi %iota3A, %add3A_270 : vector<16xi32>
          tpu.vector_store_idx %arg18[%add3A_271], %get3A_267 {add = true} : memref<16384xf32, #tpu.memory_space<vmem>>[vector<16xi32>], vector<16xf32>,
          %add3A_272 = arith.constant 288 : i32
          %add3A_273 = arith.addi %mul3A_101, %add3A_272 : i32
          %multiple_of3A_274 = tpu.assume_multiple %add3A_273, 16 : i32
          %get3A_275 = arith.index_cast %multiple_of3A_274 : i32 to index
          %get3A_276 = tpu.vector_load %arg16[%get3A_275] {strides = array<i32>} : memref<16384xf32, #tpu.memory_space<vmem>>, vector<16xf32>,
          %add3A_277 = arith.constant 32 : i32
          %add3A_278 = arith.addi %squeeze3A_253, %add3A_277 : i32
          %add3A_279 = vector.broadcast %add3A_278 : i32 to vector<16xi32>
          %add3A_280 = arith.addi %iota3A, %add3A_279 : vector<16xi32>
          tpu.vector_store_idx %arg18[%add3A_280], %get3A_276 {add = true} : memref<16384xf32, #tpu.memory_space<vmem>>[vector<16xi32>], vector<16xf32>,
          %add3A_281 = arith.constant 304 : i32
          %add3A_282 = arith.addi %mul3A_101, %add3A_281 : i32
          %multiple_of3A_283 = tpu.assume_multiple %add3A_282, 16 : i32
          %get3A_284 = arith.index_cast %multiple_of3A_283 : i32 to index
          %get3A_285 = tpu.vector_load %arg16[%get3A_284] {strides = array<i32>} : memref<16384xf32, #tpu.memory_space<vmem>>, vector<16xf32>,
          %add3A_286 = arith.constant 48 : i32
          %add3A_287 = arith.addi %squeeze3A_253, %add3A_286 : i32
          %add3A_288 = vector.broadcast %add3A_287 : i32 to vector<16xi32>
          %add3A_289 = arith.addi %iota3A, %add3A_288 : vector<16xi32>
          tpu.vector_store_idx %arg18[%add3A_289], %get3A_285 {add = true} : memref<16384xf32, #tpu.memory_space<vmem>>[vector<16xi32>], vector<16xf32>,
          %slice3A_290 = vector.extract_strided_slice %mul3A_99 {offsets = [5], sizes = [1], strides = [1]} : vector<16xi32> to vector<1xi32>
          %squeeze3A_291 = vector.extract %slice3A_290[0] : i32 from vector<1xi32>
          %add3A_292 = arith.constant 320 : i32
          %add3A_293 = arith.addi %mul3A_101, %add3A_292 : i32
          %multiple_of3A_294 = tpu.assume_multiple %add3A_293, 16 : i32
          %get3A_295 = arith.index_cast %multiple_of3A_294 : i32 to index
          %get3A_296 = tpu.vector_load %arg16[%get3A_295] {strides = array<i32>} : memref<16384xf32, #tpu.memory_space<vmem>>, vector<16xf32>,
          %add3A_297 = arith.constant 0 : i32
          %add3A_298 = arith.addi %squeeze3A_291, %add3A_297 : i32
          %add3A_299 = vector.broadcast %add3A_298 : i32 to vector<16xi32>
          %add3A_300 = arith.addi %iota3A, %add3A_299 : vector<16xi32>
          tpu.vector_store_idx %arg18[%add3A_300], %get3A_296 {add = true} : memref<16384xf32, #tpu.memory_space<vmem>>[vector<16xi32>], vector<16xf32>,
          %add3A_301 = arith.constant 336 : i32
          %add3A_302 = arith.addi %mul3A_101, %add3A_301 : i32
          %multiple_of3A_303 = tpu.assume_multiple %add3A_302, 16 : i32
          %get3A_304 = arith.index_cast %multiple_of3A_303 : i32 to index
          %get3A_305 = tpu.vector_load %arg16[%get3A_304] {strides = array<i32>} : memref<16384xf32, #tpu.memory_space<vmem>>, vector<16xf32>,
          %add3A_306 = arith.constant 16 : i32
          %add3A_307 = arith.addi %squeeze3A_291, %add3A_306 : i32
          %add3A_308 = vector.broadcast %add3A_307 : i32 to vector<16xi32>
          %add3A_309 = arith.addi %iota3A, %add3A_308 : vector<16xi32>
          tpu.vector_store_idx %arg18[%add3A_309], %get3A_305 {add = true} : memref<16384xf32, #tpu.memory_space<vmem>>[vector<16xi32>], vector<16xf32>,
          %add3A_310 = arith.constant 352 : i32
          %add3A_311 = arith.addi %mul3A_101, %add3A_310 : i32
          %multiple_of3A_312 = tpu.assume_multiple %add3A_311, 16 : i32
          %get3A_313 = arith.index_cast %multiple_of3A_312 : i32 to index
          %get3A_314 = tpu.vector_load %arg16[%get3A_313] {strides = array<i32>} : memref<16384xf32, #tpu.memory_space<vmem>>, vector<16xf32>,
          %add3A_315 = arith.constant 32 : i32
          %add3A_316 = arith.addi %squeeze3A_291, %add3A_315 : i32
          %add3A_317 = vector.broadcast %add3A_316 : i32 to vector<16xi32>
          %add3A_318 = arith.addi %iota3A, %add3A_317 : vector<16xi32>
          tpu.vector_store_idx %arg18[%add3A_318], %get3A_314 {add = true} : memref<16384xf32, #tpu.memory_space<vmem>>[vector<16xi32>], vector<16xf32>,
          %add3A_319 = arith.constant 368 : i32
          %add3A_320 = arith.addi %mul3A_101, %add3A_319 : i32
          %multiple_of3A_321 = tpu.assume_multiple %add3A_320, 16 : i32
          %get3A_322 = arith.index_cast %multiple_of3A_321 : i32 to index
          %get3A_323 = tpu.vector_load %arg16[%get3A_322] {strides = array<i32>} : memref<16384xf32, #tpu.memory_space<vmem>>, vector<16xf32>,
          %add3A_324 = arith.constant 48 : i32
          %add3A_325 = arith.addi %squeeze3A_291, %add3A_324 : i32
          %add3A_326 = vector.broadcast %add3A_325 : i32 to vector<16xi32>
          %add3A_327 = arith.addi %iota3A, %add3A_326 : vector<16xi32>
          tpu.vector_store_idx %arg18[%add3A_327], %get3A_323 {add = true} : memref<16384xf32, #tpu.memory_space<vmem>>[vector<16xi32>], vector<16xf32>,
          %slice3A_328 = vector.extract_strided_slice %mul3A_99 {offsets = [6], sizes = [1], strides = [1]} : vector<16xi32> to vector<1xi32>
          %squeeze3A_329 = vector.extract %slice3A_328[0] : i32 from vector<1xi32>
          %add3A_330 = arith.constant 384 : i32
          %add3A_331 = arith.addi %mul3A_101, %add3A_330 : i32
          %multiple_of3A_332 = tpu.assume_multiple %add3A_331, 16 : i32
          %get3A_333 = arith.index_cast %multiple_of3A_332 : i32 to index
          %get3A_334 = tpu.vector_load %arg16[%get3A_333] {strides = array<i32>} : memref<16384xf32, #tpu.memory_space<vmem>>, vector<16xf32>,
          %add3A_335 = arith.constant 0 : i32
          %add3A_336 = arith.addi %squeeze3A_329, %add3A_335 : i32
          %add3A_337 = vector.broadcast %add3A_336 : i32 to vector<16xi32>
          %add3A_338 = arith.addi %iota3A, %add3A_337 : vector<16xi32>
          tpu.vector_store_idx %arg18[%add3A_338], %get3A_334 {add = true} : memref<16384xf32, #tpu.memory_space<vmem>>[vector<16xi32>], vector<16xf32>,
          %add3A_339 = arith.constant 400 : i32
          %add3A_340 = arith.addi %mul3A_101, %add3A_339 : i32
          %multiple_of3A_341 = tpu.assume_multiple %add3A_340, 16 : i32
          %get3A_342 = arith.index_cast %multiple_of3A_341 : i32 to index
          %get3A_343 = tpu.vector_load %arg16[%get3A_342] {strides = array<i32>} : memref<16384xf32, #tpu.memory_space<vmem>>, vector<16xf32>,
          %add3A_344 = arith.constant 16 : i32
          %add3A_345 = arith.addi %squeeze3A_329, %add3A_344 : i32
          %add3A_346 = vector.broadcast %add3A_345 : i32 to vector<16xi32>
          %add3A_347 = arith.addi %iota3A, %add3A_346 : vector<16xi32>
          tpu.vector_store_idx %arg18[%add3A_347], %get3A_343 {add = true} : memref<16384xf32, #tpu.memory_space<vmem>>[vector<16xi32>], vector<16xf32>,
          %add3A_348 = arith.constant 416 : i32
          %add3A_349 = arith.addi %mul3A_101, %add3A_348 : i32
          %multiple_of3A_350 = tpu.assume_multiple %add3A_349, 16 : i32
          %get3A_351 = arith.index_cast %multiple_of3A_350 : i32 to index
          %get3A_352 = tpu.vector_load %arg16[%get3A_351] {strides = array<i32>} : memref<16384xf32, #tpu.memory_space<vmem>>, vector<16xf32>,
          %add3A_353 = arith.constant 32 : i32
          %add3A_354 = arith.addi %squeeze3A_329, %add3A_353 : i32
          %add3A_355 = vector.broadcast %add3A_354 : i32 to vector<16xi32>
          %add3A_356 = arith.addi %iota3A, %add3A_355 : vector<16xi32>
          tpu.vector_store_idx %arg18[%add3A_356], %get3A_352 {add = true} : memref<16384xf32, #tpu.memory_space<vmem>>[vector<16xi32>], vector<16xf32>,
          %add3A_357 = arith.constant 432 : i32
          %add3A_358 = arith.addi %mul3A_101, %add3A_357 : i32
          %multiple_of3A_359 = tpu.assume_multiple %add3A_358, 16 : i32
          %get3A_360 = arith.index_cast %multiple_of3A_359 : i32 to index
          %get3A_361 = tpu.vector_load %arg16[%get3A_360] {strides = array<i32>} : memref<16384xf32, #tpu.memory_space<vmem>>, vector<16xf32>,
          %add3A_362 = arith.constant 48 : i32
          %add3A_363 = arith.addi %squeeze3A_329, %add3A_362 : i32
          %add3A_364 = vector.broadcast %add3A_363 : i32 to vector<16xi32>
          %add3A_365 = arith.addi %iota3A, %add3A_364 : vector<16xi32>
          tpu.vector_store_idx %arg18[%add3A_365], %get3A_361 {add = true} : memref<16384xf32, #tpu.memory_space<vmem>>[vector<16xi32>], vector<16xf32>,
          %slice3A_366 = vector.extract_strided_slice %mul3A_99 {offsets = [7], sizes = [1], strides = [1]} : vector<16xi32> to vector<1xi32>
          %squeeze3A_367 = vector.extract %slice3A_366[0] : i32 from vector<1xi32>
          %add3A_368 = arith.constant 448 : i32
          %add3A_369 = arith.addi %mul3A_101, %add3A_368 : i32
          %multiple_of3A_370 = tpu.assume_multiple %add3A_369, 16 : i32
          %get3A_371 = arith.index_cast %multiple_of3A_370 : i32 to index
          %get3A_372 = tpu.vector_load %arg16[%get3A_371] {strides = array<i32>} : memref<16384xf32, #tpu.memory_space<vmem>>, vector<16xf32>,
          %add3A_373 = arith.constant 0 : i32
          %add3A_374 = arith.addi %squeeze3A_367, %add3A_373 : i32
          %add3A_375 = vector.broadcast %add3A_374 : i32 to vector<16xi32>
          %add3A_376 = arith.addi %iota3A, %add3A_375 : vector<16xi32>
          tpu.vector_store_idx %arg18[%add3A_376], %get3A_372 {add = true} : memref<16384xf32, #tpu.memory_space<vmem>>[vector<16xi32>], vector<16xf32>,
          %add3A_377 = arith.constant 464 : i32
          %add3A_378 = arith.addi %mul3A_101, %add3A_377 : i32
          %multiple_of3A_379 = tpu.assume_multiple %add3A_378, 16 : i32
          %get3A_380 = arith.index_cast %multiple_of3A_379 : i32 to index
          %get3A_381 = tpu.vector_load %arg16[%get3A_380] {strides = array<i32>} : memref<16384xf32, #tpu.memory_space<vmem>>, vector<16xf32>,
          %add3A_382 = arith.constant 16 : i32
          %add3A_383 = arith.addi %squeeze3A_367, %add3A_382 : i32
          %add3A_384 = vector.broadcast %add3A_383 : i32 to vector<16xi32>
          %add3A_385 = arith.addi %iota3A, %add3A_384 : vector<16xi32>
          tpu.vector_store_idx %arg18[%add3A_385], %get3A_381 {add = true} : memref<16384xf32, #tpu.memory_space<vmem>>[vector<16xi32>], vector<16xf32>,
          %add3A_386 = arith.constant 480 : i32
          %add3A_387 = arith.addi %mul3A_101, %add3A_386 : i32
          %multiple_of3A_388 = tpu.assume_multiple %add3A_387, 16 : i32
          %get3A_389 = arith.index_cast %multiple_of3A_388 : i32 to index
          %get3A_390 = tpu.vector_load %arg16[%get3A_389] {strides = array<i32>} : memref<16384xf32, #tpu.memory_space<vmem>>, vector<16xf32>,
          %add3A_391 = arith.constant 32 : i32
          %add3A_392 = arith.addi %squeeze3A_367, %add3A_391 : i32
          %add3A_393 = vector.broadcast %add3A_392 : i32 to vector<16xi32>
          %add3A_394 = arith.addi %iota3A, %add3A_393 : vector<16xi32>
          tpu.vector_store_idx %arg18[%add3A_394], %get3A_390 {add = true} : memref<16384xf32, #tpu.memory_space<vmem>>[vector<16xi32>], vector<16xf32>,
          %add3A_395 = arith.constant 496 : i32
          %add3A_396 = arith.addi %mul3A_101, %add3A_395 : i32
          %multiple_of3A_397 = tpu.assume_multiple %add3A_396, 16 : i32
          %get3A_398 = arith.index_cast %multiple_of3A_397 : i32 to index
          %get3A_399 = tpu.vector_load %arg16[%get3A_398] {strides = array<i32>} : memref<16384xf32, #tpu.memory_space<vmem>>, vector<16xf32>,
          %add3A_400 = arith.constant 48 : i32
          %add3A_401 = arith.addi %squeeze3A_367, %add3A_400 : i32
          %add3A_402 = vector.broadcast %add3A_401 : i32 to vector<16xi32>
          %add3A_403 = arith.addi %iota3A, %add3A_402 : vector<16xi32>
          tpu.vector_store_idx %arg18[%add3A_403], %get3A_399 {add = true} : memref<16384xf32, #tpu.memory_space<vmem>>[vector<16xi32>], vector<16xf32>,
          %slice3A_404 = vector.extract_strided_slice %mul3A_99 {offsets = [8], sizes = [1], strides = [1]} : vector<16xi32> to vector<1xi32>
          %squeeze3A_405 = vector.extract %slice3A_404[0] : i32 from vector<1xi32>
          %add3A_406 = arith.constant 512 : i32
          %add3A_407 = arith.addi %mul3A_101, %add3A_406 : i32
          %multiple_of3A_408 = tpu.assume_multiple %add3A_407, 16 : i32
          %get3A_409 = arith.index_cast %multiple_of3A_408 : i32 to index
          %get3A_410 = tpu.vector_load %arg16[%get3A_409] {strides = array<i32>} : memref<16384xf32, #tpu.memory_space<vmem>>, vector<16xf32>,
          %add3A_411 = arith.constant 0 : i32
          %add3A_412 = arith.addi %squeeze3A_405, %add3A_411 : i32
          %add3A_413 = vector.broadcast %add3A_412 : i32 to vector<16xi32>
          %add3A_414 = arith.addi %iota3A, %add3A_413 : vector<16xi32>
          tpu.vector_store_idx %arg18[%add3A_414], %get3A_410 {add = true} : memref<16384xf32, #tpu.memory_space<vmem>>[vector<16xi32>], vector<16xf32>,
          %add3A_415 = arith.constant 528 : i32
          %add3A_416 = arith.addi %mul3A_101, %add3A_415 : i32
          %multiple_of3A_417 = tpu.assume_multiple %add3A_416, 16 : i32
          %get3A_418 = arith.index_cast %multiple_of3A_417 : i32 to index
          %get3A_419 = tpu.vector_load %arg16[%get3A_418] {strides = array<i32>} : memref<16384xf32, #tpu.memory_space<vmem>>, vector<16xf32>,
          %add3A_420 = arith.constant 16 : i32
          %add3A_421 = arith.addi %squeeze3A_405, %add3A_420 : i32
          %add3A_422 = vector.broadcast %add3A_421 : i32 to vector<16xi32>
          %add3A_423 = arith.addi %iota3A, %add3A_422 : vector<16xi32>
          tpu.vector_store_idx %arg18[%add3A_423], %get3A_419 {add = true} : memref<16384xf32, #tpu.memory_space<vmem>>[vector<16xi32>], vector<16xf32>,
          %add3A_424 = arith.constant 544 : i32
          %add3A_425 = arith.addi %mul3A_101, %add3A_424 : i32
          %multiple_of3A_426 = tpu.assume_multiple %add3A_425, 16 : i32
          %get3A_427 = arith.index_cast %multiple_of3A_426 : i32 to index
          %get3A_428 = tpu.vector_load %arg16[%get3A_427] {strides = array<i32>} : memref<16384xf32, #tpu.memory_space<vmem>>, vector<16xf32>,
          %add3A_429 = arith.constant 32 : i32
          %add3A_430 = arith.addi %squeeze3A_405, %add3A_429 : i32
          %add3A_431 = vector.broadcast %add3A_430 : i32 to vector<16xi32>
          %add3A_432 = arith.addi %iota3A, %add3A_431 : vector<16xi32>
          tpu.vector_store_idx %arg18[%add3A_432], %get3A_428 {add = true} : memref<16384xf32, #tpu.memory_space<vmem>>[vector<16xi32>], vector<16xf32>,
          %add3A_433 = arith.constant 560 : i32
          %add3A_434 = arith.addi %mul3A_101, %add3A_433 : i32
          %multiple_of3A_435 = tpu.assume_multiple %add3A_434, 16 : i32
          %get3A_436 = arith.index_cast %multiple_of3A_435 : i32 to index
          %get3A_437 = tpu.vector_load %arg16[%get3A_436] {strides = array<i32>} : memref<16384xf32, #tpu.memory_space<vmem>>, vector<16xf32>,
          %add3A_438 = arith.constant 48 : i32
          %add3A_439 = arith.addi %squeeze3A_405, %add3A_438 : i32
          %add3A_440 = vector.broadcast %add3A_439 : i32 to vector<16xi32>
          %add3A_441 = arith.addi %iota3A, %add3A_440 : vector<16xi32>
          tpu.vector_store_idx %arg18[%add3A_441], %get3A_437 {add = true} : memref<16384xf32, #tpu.memory_space<vmem>>[vector<16xi32>], vector<16xf32>,
          %slice3A_442 = vector.extract_strided_slice %mul3A_99 {offsets = [9], sizes = [1], strides = [1]} : vector<16xi32> to vector<1xi32>
          %squeeze3A_443 = vector.extract %slice3A_442[0] : i32 from vector<1xi32>
          %add3A_444 = arith.constant 576 : i32
          %add3A_445 = arith.addi %mul3A_101, %add3A_444 : i32
          %multiple_of3A_446 = tpu.assume_multiple %add3A_445, 16 : i32
          %get3A_447 = arith.index_cast %multiple_of3A_446 : i32 to index
          %get3A_448 = tpu.vector_load %arg16[%get3A_447] {strides = array<i32>} : memref<16384xf32, #tpu.memory_space<vmem>>, vector<16xf32>,
          %add3A_449 = arith.constant 0 : i32
          %add3A_450 = arith.addi %squeeze3A_443, %add3A_449 : i32
          %add3A_451 = vector.broadcast %add3A_450 : i32 to vector<16xi32>
          %add3A_452 = arith.addi %iota3A, %add3A_451 : vector<16xi32>
          tpu.vector_store_idx %arg18[%add3A_452], %get3A_448 {add = true} : memref<16384xf32, #tpu.memory_space<vmem>>[vector<16xi32>], vector<16xf32>,
          %add3A_453 = arith.constant 592 : i32
          %add3A_454 = arith.addi %mul3A_101, %add3A_453 : i32
          %multiple_of3A_455 = tpu.assume_multiple %add3A_454, 16 : i32
          %get3A_456 = arith.index_cast %multiple_of3A_455 : i32 to index
          %get3A_457 = tpu.vector_load %arg16[%get3A_456] {strides = array<i32>} : memref<16384xf32, #tpu.memory_space<vmem>>, vector<16xf32>,
          %add3A_458 = arith.constant 16 : i32
          %add3A_459 = arith.addi %squeeze3A_443, %add3A_458 : i32
          %add3A_460 = vector.broadcast %add3A_459 : i32 to vector<16xi32>
          %add3A_461 = arith.addi %iota3A, %add3A_460 : vector<16xi32>
          tpu.vector_store_idx %arg18[%add3A_461], %get3A_457 {add = true} : memref<16384xf32, #tpu.memory_space<vmem>>[vector<16xi32>], vector<16xf32>,
          %add3A_462 = arith.constant 608 : i32
          %add3A_463 = arith.addi %mul3A_101, %add3A_462 : i32
          %multiple_of3A_464 = tpu.assume_multiple %add3A_463, 16 : i32
          %get3A_465 = arith.index_cast %multiple_of3A_464 : i32 to index
          %get3A_466 = tpu.vector_load %arg16[%get3A_465] {strides = array<i32>} : memref<16384xf32, #tpu.memory_space<vmem>>, vector<16xf32>,
          %add3A_467 = arith.constant 32 : i32
          %add3A_468 = arith.addi %squeeze3A_443, %add3A_467 : i32
          %add3A_469 = vector.broadcast %add3A_468 : i32 to vector<16xi32>
          %add3A_470 = arith.addi %iota3A, %add3A_469 : vector<16xi32>
          tpu.vector_store_idx %arg18[%add3A_470], %get3A_466 {add = true} : memref<16384xf32, #tpu.memory_space<vmem>>[vector<16xi32>], vector<16xf32>,
          %add3A_471 = arith.constant 624 : i32
          %add3A_472 = arith.addi %mul3A_101, %add3A_471 : i32
          %multiple_of3A_473 = tpu.assume_multiple %add3A_472, 16 : i32
          %get3A_474 = arith.index_cast %multiple_of3A_473 : i32 to index
          %get3A_475 = tpu.vector_load %arg16[%get3A_474] {strides = array<i32>} : memref<16384xf32, #tpu.memory_space<vmem>>, vector<16xf32>,
          %add3A_476 = arith.constant 48 : i32
          %add3A_477 = arith.addi %squeeze3A_443, %add3A_476 : i32
          %add3A_478 = vector.broadcast %add3A_477 : i32 to vector<16xi32>
          %add3A_479 = arith.addi %iota3A, %add3A_478 : vector<16xi32>
          tpu.vector_store_idx %arg18[%add3A_479], %get3A_475 {add = true} : memref<16384xf32, #tpu.memory_space<vmem>>[vector<16xi32>], vector<16xf32>,
          %slice3A_480 = vector.extract_strided_slice %mul3A_99 {offsets = [10], sizes = [1], strides = [1]} : vector<16xi32> to vector<1xi32>
          %squeeze3A_481 = vector.extract %slice3A_480[0] : i32 from vector<1xi32>
          %add3A_482 = arith.constant 640 : i32
          %add3A_483 = arith.addi %mul3A_101, %add3A_482 : i32
          %multiple_of3A_484 = tpu.assume_multiple %add3A_483, 16 : i32
          %get3A_485 = arith.index_cast %multiple_of3A_484 : i32 to index
          %get3A_486 = tpu.vector_load %arg16[%get3A_485] {strides = array<i32>} : memref<16384xf32, #tpu.memory_space<vmem>>, vector<16xf32>,
          %add3A_487 = arith.constant 0 : i32
          %add3A_488 = arith.addi %squeeze3A_481, %add3A_487 : i32
          %add3A_489 = vector.broadcast %add3A_488 : i32 to vector<16xi32>
          %add3A_490 = arith.addi %iota3A, %add3A_489 : vector<16xi32>
          tpu.vector_store_idx %arg18[%add3A_490], %get3A_486 {add = true} : memref<16384xf32, #tpu.memory_space<vmem>>[vector<16xi32>], vector<16xf32>,
          %add3A_491 = arith.constant 656 : i32
          %add3A_492 = arith.addi %mul3A_101, %add3A_491 : i32
          %multiple_of3A_493 = tpu.assume_multiple %add3A_492, 16 : i32
          %get3A_494 = arith.index_cast %multiple_of3A_493 : i32 to index
          %get3A_495 = tpu.vector_load %arg16[%get3A_494] {strides = array<i32>} : memref<16384xf32, #tpu.memory_space<vmem>>, vector<16xf32>,
          %add3A_496 = arith.constant 16 : i32
          %add3A_497 = arith.addi %squeeze3A_481, %add3A_496 : i32
          %add3A_498 = vector.broadcast %add3A_497 : i32 to vector<16xi32>
          %add3A_499 = arith.addi %iota3A, %add3A_498 : vector<16xi32>
          tpu.vector_store_idx %arg18[%add3A_499], %get3A_495 {add = true} : memref<16384xf32, #tpu.memory_space<vmem>>[vector<16xi32>], vector<16xf32>,
          %add3A_500 = arith.constant 672 : i32
          %add3A_501 = arith.addi %mul3A_101, %add3A_500 : i32
          %multiple_of3A_502 = tpu.assume_multiple %add3A_501, 16 : i32
          %get3A_503 = arith.index_cast %multiple_of3A_502 : i32 to index
          %get3A_504 = tpu.vector_load %arg16[%get3A_503] {strides = array<i32>} : memref<16384xf32, #tpu.memory_space<vmem>>, vector<16xf32>,
          %add3A_505 = arith.constant 32 : i32
          %add3A_506 = arith.addi %squeeze3A_481, %add3A_505 : i32
          %add3A_507 = vector.broadcast %add3A_506 : i32 to vector<16xi32>
          %add3A_508 = arith.addi %iota3A, %add3A_507 : vector<16xi32>
          tpu.vector_store_idx %arg18[%add3A_508], %get3A_504 {add = true} : memref<16384xf32, #tpu.memory_space<vmem>>[vector<16xi32>], vector<16xf32>,
          %add3A_509 = arith.constant 688 : i32
          %add3A_510 = arith.addi %mul3A_101, %add3A_509 : i32
          %multiple_of3A_511 = tpu.assume_multiple %add3A_510, 16 : i32
          %get3A_512 = arith.index_cast %multiple_of3A_511 : i32 to index
          %get3A_513 = tpu.vector_load %arg16[%get3A_512] {strides = array<i32>} : memref<16384xf32, #tpu.memory_space<vmem>>, vector<16xf32>,
          %add3A_514 = arith.constant 48 : i32
          %add3A_515 = arith.addi %squeeze3A_481, %add3A_514 : i32
          %add3A_516 = vector.broadcast %add3A_515 : i32 to vector<16xi32>
          %add3A_517 = arith.addi %iota3A, %add3A_516 : vector<16xi32>
          tpu.vector_store_idx %arg18[%add3A_517], %get3A_513 {add = true} : memref<16384xf32, #tpu.memory_space<vmem>>[vector<16xi32>], vector<16xf32>,
          %slice3A_518 = vector.extract_strided_slice %mul3A_99 {offsets = [11], sizes = [1], strides = [1]} : vector<16xi32> to vector<1xi32>
          %squeeze3A_519 = vector.extract %slice3A_518[0] : i32 from vector<1xi32>
          %add3A_520 = arith.constant 704 : i32
          %add3A_521 = arith.addi %mul3A_101, %add3A_520 : i32
          %multiple_of3A_522 = tpu.assume_multiple %add3A_521, 16 : i32
          %get3A_523 = arith.index_cast %multiple_of3A_522 : i32 to index
          %get3A_524 = tpu.vector_load %arg16[%get3A_523] {strides = array<i32>} : memref<16384xf32, #tpu.memory_space<vmem>>, vector<16xf32>,
          %add3A_525 = arith.constant 0 : i32
          %add3A_526 = arith.addi %squeeze3A_519, %add3A_525 : i32
          %add3A_527 = vector.broadcast %add3A_526 : i32 to vector<16xi32>
          %add3A_528 = arith.addi %iota3A, %add3A_527 : vector<16xi32>
          tpu.vector_store_idx %arg18[%add3A_528], %get3A_524 {add = true} : memref<16384xf32, #tpu.memory_space<vmem>>[vector<16xi32>], vector<16xf32>,
          %add3A_529 = arith.constant 720 : i32
          %add3A_530 = arith.addi %mul3A_101, %add3A_529 : i32
          %multiple_of3A_531 = tpu.assume_multiple %add3A_530, 16 : i32
          %get3A_532 = arith.index_cast %multiple_of3A_531 : i32 to index
          %get3A_533 = tpu.vector_load %arg16[%get3A_532] {strides = array<i32>} : memref<16384xf32, #tpu.memory_space<vmem>>, vector<16xf32>,
          %add3A_534 = arith.constant 16 : i32
          %add3A_535 = arith.addi %squeeze3A_519, %add3A_534 : i32
          %add3A_536 = vector.broadcast %add3A_535 : i32 to vector<16xi32>
          %add3A_537 = arith.addi %iota3A, %add3A_536 : vector<16xi32>
          tpu.vector_store_idx %arg18[%add3A_537], %get3A_533 {add = true} : memref<16384xf32, #tpu.memory_space<vmem>>[vector<16xi32>], vector<16xf32>,
          %add3A_538 = arith.constant 736 : i32
          %add3A_539 = arith.addi %mul3A_101, %add3A_538 : i32
          %multiple_of3A_540 = tpu.assume_multiple %add3A_539, 16 : i32
          %get3A_541 = arith.index_cast %multiple_of3A_540 : i32 to index
          %get3A_542 = tpu.vector_load %arg16[%get3A_541] {strides = array<i32>} : memref<16384xf32, #tpu.memory_space<vmem>>, vector<16xf32>,
          %add3A_543 = arith.constant 32 : i32
          %add3A_544 = arith.addi %squeeze3A_519, %add3A_543 : i32
          %add3A_545 = vector.broadcast %add3A_544 : i32 to vector<16xi32>
          %add3A_546 = arith.addi %iota3A, %add3A_545 : vector<16xi32>
          tpu.vector_store_idx %arg18[%add3A_546], %get3A_542 {add = true} : memref<16384xf32, #tpu.memory_space<vmem>>[vector<16xi32>], vector<16xf32>,
          %add3A_547 = arith.constant 752 : i32
          %add3A_548 = arith.addi %mul3A_101, %add3A_547 : i32
          %multiple_of3A_549 = tpu.assume_multiple %add3A_548, 16 : i32
          %get3A_550 = arith.index_cast %multiple_of3A_549 : i32 to index
          %get3A_551 = tpu.vector_load %arg16[%get3A_550] {strides = array<i32>} : memref<16384xf32, #tpu.memory_space<vmem>>, vector<16xf32>,
          %add3A_552 = arith.constant 48 : i32
          %add3A_553 = arith.addi %squeeze3A_519, %add3A_552 : i32
          %add3A_554 = vector.broadcast %add3A_553 : i32 to vector<16xi32>
          %add3A_555 = arith.addi %iota3A, %add3A_554 : vector<16xi32>
          tpu.vector_store_idx %arg18[%add3A_555], %get3A_551 {add = true} : memref<16384xf32, #tpu.memory_space<vmem>>[vector<16xi32>], vector<16xf32>,
          %slice3A_556 = vector.extract_strided_slice %mul3A_99 {offsets = [12], sizes = [1], strides = [1]} : vector<16xi32> to vector<1xi32>
          %squeeze3A_557 = vector.extract %slice3A_556[0] : i32 from vector<1xi32>
          %add3A_558 = arith.constant 768 : i32
          %add3A_559 = arith.addi %mul3A_101, %add3A_558 : i32
          %multiple_of3A_560 = tpu.assume_multiple %add3A_559, 16 : i32
          %get3A_561 = arith.index_cast %multiple_of3A_560 : i32 to index
          %get3A_562 = tpu.vector_load %arg16[%get3A_561] {strides = array<i32>} : memref<16384xf32, #tpu.memory_space<vmem>>, vector<16xf32>,
          %add3A_563 = arith.constant 0 : i32
          %add3A_564 = arith.addi %squeeze3A_557, %add3A_563 : i32
          %add3A_565 = vector.broadcast %add3A_564 : i32 to vector<16xi32>
          %add3A_566 = arith.addi %iota3A, %add3A_565 : vector<16xi32>
          tpu.vector_store_idx %arg18[%add3A_566], %get3A_562 {add = true} : memref<16384xf32, #tpu.memory_space<vmem>>[vector<16xi32>], vector<16xf32>,
          %add3A_567 = arith.constant 784 : i32
          %add3A_568 = arith.addi %mul3A_101, %add3A_567 : i32
          %multiple_of3A_569 = tpu.assume_multiple %add3A_568, 16 : i32
          %get3A_570 = arith.index_cast %multiple_of3A_569 : i32 to index
          %get3A_571 = tpu.vector_load %arg16[%get3A_570] {strides = array<i32>} : memref<16384xf32, #tpu.memory_space<vmem>>, vector<16xf32>,
          %add3A_572 = arith.constant 16 : i32
          %add3A_573 = arith.addi %squeeze3A_557, %add3A_572 : i32
          %add3A_574 = vector.broadcast %add3A_573 : i32 to vector<16xi32>
          %add3A_575 = arith.addi %iota3A, %add3A_574 : vector<16xi32>
          tpu.vector_store_idx %arg18[%add3A_575], %get3A_571 {add = true} : memref<16384xf32, #tpu.memory_space<vmem>>[vector<16xi32>], vector<16xf32>,
          %add3A_576 = arith.constant 800 : i32
          %add3A_577 = arith.addi %mul3A_101, %add3A_576 : i32
          %multiple_of3A_578 = tpu.assume_multiple %add3A_577, 16 : i32
          %get3A_579 = arith.index_cast %multiple_of3A_578 : i32 to index
          %get3A_580 = tpu.vector_load %arg16[%get3A_579] {strides = array<i32>} : memref<16384xf32, #tpu.memory_space<vmem>>, vector<16xf32>,
          %add3A_581 = arith.constant 32 : i32
          %add3A_582 = arith.addi %squeeze3A_557, %add3A_581 : i32
          %add3A_583 = vector.broadcast %add3A_582 : i32 to vector<16xi32>
          %add3A_584 = arith.addi %iota3A, %add3A_583 : vector<16xi32>
          tpu.vector_store_idx %arg18[%add3A_584], %get3A_580 {add = true} : memref<16384xf32, #tpu.memory_space<vmem>>[vector<16xi32>], vector<16xf32>,
          %add3A_585 = arith.constant 816 : i32
          %add3A_586 = arith.addi %mul3A_101, %add3A_585 : i32
          %multiple_of3A_587 = tpu.assume_multiple %add3A_586, 16 : i32
          %get3A_588 = arith.index_cast %multiple_of3A_587 : i32 to index
          %get3A_589 = tpu.vector_load %arg16[%get3A_588] {strides = array<i32>} : memref<16384xf32, #tpu.memory_space<vmem>>, vector<16xf32>,
          %add3A_590 = arith.constant 48 : i32
          %add3A_591 = arith.addi %squeeze3A_557, %add3A_590 : i32
          %add3A_592 = vector.broadcast %add3A_591 : i32 to vector<16xi32>
          %add3A_593 = arith.addi %iota3A, %add3A_592 : vector<16xi32>
          tpu.vector_store_idx %arg18[%add3A_593], %get3A_589 {add = true} : memref<16384xf32, #tpu.memory_space<vmem>>[vector<16xi32>], vector<16xf32>,
          %slice3A_594 = vector.extract_strided_slice %mul3A_99 {offsets = [13], sizes = [1], strides = [1]} : vector<16xi32> to vector<1xi32>
          %squeeze3A_595 = vector.extract %slice3A_594[0] : i32 from vector<1xi32>
          %add3A_596 = arith.constant 832 : i32
          %add3A_597 = arith.addi %mul3A_101, %add3A_596 : i32
          %multiple_of3A_598 = tpu.assume_multiple %add3A_597, 16 : i32
          %get3A_599 = arith.index_cast %multiple_of3A_598 : i32 to index
          %get3A_600 = tpu.vector_load %arg16[%get3A_599] {strides = array<i32>} : memref<16384xf32, #tpu.memory_space<vmem>>, vector<16xf32>,
          %add3A_601 = arith.constant 0 : i32
          %add3A_602 = arith.addi %squeeze3A_595, %add3A_601 : i32
          %add3A_603 = vector.broadcast %add3A_602 : i32 to vector<16xi32>
          %add3A_604 = arith.addi %iota3A, %add3A_603 : vector<16xi32>
          tpu.vector_store_idx %arg18[%add3A_604], %get3A_600 {add = true} : memref<16384xf32, #tpu.memory_space<vmem>>[vector<16xi32>], vector<16xf32>,
          %add3A_605 = arith.constant 848 : i32
          %add3A_606 = arith.addi %mul3A_101, %add3A_605 : i32
          %multiple_of3A_607 = tpu.assume_multiple %add3A_606, 16 : i32
          %get3A_608 = arith.index_cast %multiple_of3A_607 : i32 to index
          %get3A_609 = tpu.vector_load %arg16[%get3A_608] {strides = array<i32>} : memref<16384xf32, #tpu.memory_space<vmem>>, vector<16xf32>,
          %add3A_610 = arith.constant 16 : i32
          %add3A_611 = arith.addi %squeeze3A_595, %add3A_610 : i32
          %add3A_612 = vector.broadcast %add3A_611 : i32 to vector<16xi32>
          %add3A_613 = arith.addi %iota3A, %add3A_612 : vector<16xi32>
          tpu.vector_store_idx %arg18[%add3A_613], %get3A_609 {add = true} : memref<16384xf32, #tpu.memory_space<vmem>>[vector<16xi32>], vector<16xf32>,
          %add3A_614 = arith.constant 864 : i32
          %add3A_615 = arith.addi %mul3A_101, %add3A_614 : i32
          %multiple_of3A_616 = tpu.assume_multiple %add3A_615, 16 : i32
          %get3A_617 = arith.index_cast %multiple_of3A_616 : i32 to index
          %get3A_618 = tpu.vector_load %arg16[%get3A_617] {strides = array<i32>} : memref<16384xf32, #tpu.memory_space<vmem>>, vector<16xf32>,
          %add3A_619 = arith.constant 32 : i32
          %add3A_620 = arith.addi %squeeze3A_595, %add3A_619 : i32
          %add3A_621 = vector.broadcast %add3A_620 : i32 to vector<16xi32>
          %add3A_622 = arith.addi %iota3A, %add3A_621 : vector<16xi32>
          tpu.vector_store_idx %arg18[%add3A_622], %get3A_618 {add = true} : memref<16384xf32, #tpu.memory_space<vmem>>[vector<16xi32>], vector<16xf32>,
          %add3A_623 = arith.constant 880 : i32
          %add3A_624 = arith.addi %mul3A_101, %add3A_623 : i32
          %multiple_of3A_625 = tpu.assume_multiple %add3A_624, 16 : i32
          %get3A_626 = arith.index_cast %multiple_of3A_625 : i32 to index
          %get3A_627 = tpu.vector_load %arg16[%get3A_626] {strides = array<i32>} : memref<16384xf32, #tpu.memory_space<vmem>>, vector<16xf32>,
          %add3A_628 = arith.constant 48 : i32
          %add3A_629 = arith.addi %squeeze3A_595, %add3A_628 : i32
          %add3A_630 = vector.broadcast %add3A_629 : i32 to vector<16xi32>
          %add3A_631 = arith.addi %iota3A, %add3A_630 : vector<16xi32>
          tpu.vector_store_idx %arg18[%add3A_631], %get3A_627 {add = true} : memref<16384xf32, #tpu.memory_space<vmem>>[vector<16xi32>], vector<16xf32>,
          %slice3A_632 = vector.extract_strided_slice %mul3A_99 {offsets = [14], sizes = [1], strides = [1]} : vector<16xi32> to vector<1xi32>
          %squeeze3A_633 = vector.extract %slice3A_632[0] : i32 from vector<1xi32>
          %add3A_634 = arith.constant 896 : i32
          %add3A_635 = arith.addi %mul3A_101, %add3A_634 : i32
          %multiple_of3A_636 = tpu.assume_multiple %add3A_635, 16 : i32
          %get3A_637 = arith.index_cast %multiple_of3A_636 : i32 to index
          %get3A_638 = tpu.vector_load %arg16[%get3A_637] {strides = array<i32>} : memref<16384xf32, #tpu.memory_space<vmem>>, vector<16xf32>,
          %add3A_639 = arith.constant 0 : i32
          %add3A_640 = arith.addi %squeeze3A_633, %add3A_639 : i32
          %add3A_641 = vector.broadcast %add3A_640 : i32 to vector<16xi32>
          %add3A_642 = arith.addi %iota3A, %add3A_641 : vector<16xi32>
          tpu.vector_store_idx %arg18[%add3A_642], %get3A_638 {add = true} : memref<16384xf32, #tpu.memory_space<vmem>>[vector<16xi32>], vector<16xf32>,
          %add3A_643 = arith.constant 912 : i32
          %add3A_644 = arith.addi %mul3A_101, %add3A_643 : i32
          %multiple_of3A_645 = tpu.assume_multiple %add3A_644, 16 : i32
          %get3A_646 = arith.index_cast %multiple_of3A_645 : i32 to index
          %get3A_647 = tpu.vector_load %arg16[%get3A_646] {strides = array<i32>} : memref<16384xf32, #tpu.memory_space<vmem>>, vector<16xf32>,
          %add3A_648 = arith.constant 16 : i32
          %add3A_649 = arith.addi %squeeze3A_633, %add3A_648 : i32
          %add3A_650 = vector.broadcast %add3A_649 : i32 to vector<16xi32>
          %add3A_651 = arith.addi %iota3A, %add3A_650 : vector<16xi32>
          tpu.vector_store_idx %arg18[%add3A_651], %get3A_647 {add = true} : memref<16384xf32, #tpu.memory_space<vmem>>[vector<16xi32>], vector<16xf32>,
          %add3A_652 = arith.constant 928 : i32
          %add3A_653 = arith.addi %mul3A_101, %add3A_652 : i32
          %multiple_of3A_654 = tpu.assume_multiple %add3A_653, 16 : i32
          %get3A_655 = arith.index_cast %multiple_of3A_654 : i32 to index
          %get3A_656 = tpu.vector_load %arg16[%get3A_655] {strides = array<i32>} : memref<16384xf32, #tpu.memory_space<vmem>>, vector<16xf32>,
          %add3A_657 = arith.constant 32 : i32
          %add3A_658 = arith.addi %squeeze3A_633, %add3A_657 : i32
          %add3A_659 = vector.broadcast %add3A_658 : i32 to vector<16xi32>
          %add3A_660 = arith.addi %iota3A, %add3A_659 : vector<16xi32>
          tpu.vector_store_idx %arg18[%add3A_660], %get3A_656 {add = true} : memref<16384xf32, #tpu.memory_space<vmem>>[vector<16xi32>], vector<16xf32>,
          %add3A_661 = arith.constant 944 : i32
          %add3A_662 = arith.addi %mul3A_101, %add3A_661 : i32
          %multiple_of3A_663 = tpu.assume_multiple %add3A_662, 16 : i32
          %get3A_664 = arith.index_cast %multiple_of3A_663 : i32 to index
          %get3A_665 = tpu.vector_load %arg16[%get3A_664] {strides = array<i32>} : memref<16384xf32, #tpu.memory_space<vmem>>, vector<16xf32>,
          %add3A_666 = arith.constant 48 : i32
          %add3A_667 = arith.addi %squeeze3A_633, %add3A_666 : i32
          %add3A_668 = vector.broadcast %add3A_667 : i32 to vector<16xi32>
          %add3A_669 = arith.addi %iota3A, %add3A_668 : vector<16xi32>
          tpu.vector_store_idx %arg18[%add3A_669], %get3A_665 {add = true} : memref<16384xf32, #tpu.memory_space<vmem>>[vector<16xi32>], vector<16xf32>,
          %slice3A_670 = vector.extract_strided_slice %mul3A_99 {offsets = [15], sizes = [1], strides = [1]} : vector<16xi32> to vector<1xi32>
          %squeeze3A_671 = vector.extract %slice3A_670[0] : i32 from vector<1xi32>
          %add3A_672 = arith.constant 960 : i32
          %add3A_673 = arith.addi %mul3A_101, %add3A_672 : i32
          %multiple_of3A_674 = tpu.assume_multiple %add3A_673, 16 : i32
          %get3A_675 = arith.index_cast %multiple_of3A_674 : i32 to index
          %get3A_676 = tpu.vector_load %arg16[%get3A_675] {strides = array<i32>} : memref<16384xf32, #tpu.memory_space<vmem>>, vector<16xf32>,
          %add3A_677 = arith.constant 0 : i32
          %add3A_678 = arith.addi %squeeze3A_671, %add3A_677 : i32
          %add3A_679 = vector.broadcast %add3A_678 : i32 to vector<16xi32>
          %add3A_680 = arith.addi %iota3A, %add3A_679 : vector<16xi32>
          tpu.vector_store_idx %arg18[%add3A_680], %get3A_676 {add = true} : memref<16384xf32, #tpu.memory_space<vmem>>[vector<16xi32>], vector<16xf32>,
          %add3A_681 = arith.constant 976 : i32
          %add3A_682 = arith.addi %mul3A_101, %add3A_681 : i32
          %multiple_of3A_683 = tpu.assume_multiple %add3A_682, 16 : i32
          %get3A_684 = arith.index_cast %multiple_of3A_683 : i32 to index
          %get3A_685 = tpu.vector_load %arg16[%get3A_684] {strides = array<i32>} : memref<16384xf32, #tpu.memory_space<vmem>>, vector<16xf32>,
          %add3A_686 = arith.constant 16 : i32
          %add3A_687 = arith.addi %squeeze3A_671, %add3A_686 : i32
          %add3A_688 = vector.broadcast %add3A_687 : i32 to vector<16xi32>
          %add3A_689 = arith.addi %iota3A, %add3A_688 : vector<16xi32>
          tpu.vector_store_idx %arg18[%add3A_689], %get3A_685 {add = true} : memref<16384xf32, #tpu.memory_space<vmem>>[vector<16xi32>], vector<16xf32>,
          %add3A_690 = arith.constant 992 : i32
          %add3A_691 = arith.addi %mul3A_101, %add3A_690 : i32
          %multiple_of3A_692 = tpu.assume_multiple %add3A_691, 16 : i32
          %get3A_693 = arith.index_cast %multiple_of3A_692 : i32 to index
          %get3A_694 = tpu.vector_load %arg16[%get3A_693] {strides = array<i32>} : memref<16384xf32, #tpu.memory_space<vmem>>, vector<16xf32>,
          %add3A_695 = arith.constant 32 : i32
          %add3A_696 = arith.addi %squeeze3A_671, %add3A_695 : i32
          %add3A_697 = vector.broadcast %add3A_696 : i32 to vector<16xi32>
          %add3A_698 = arith.addi %iota3A, %add3A_697 : vector<16xi32>
          tpu.vector_store_idx %arg18[%add3A_698], %get3A_694 {add = true} : memref<16384xf32, #tpu.memory_space<vmem>>[vector<16xi32>], vector<16xf32>,
          %add3A_699 = arith.constant 1008 : i32
          %add3A_700 = arith.addi %mul3A_101, %add3A_699 : i32
          %multiple_of3A_701 = tpu.assume_multiple %add3A_700, 16 : i32
          %get3A_702 = arith.index_cast %multiple_of3A_701 : i32 to index
          %get3A_703 = tpu.vector_load %arg16[%get3A_702] {strides = array<i32>} : memref<16384xf32, #tpu.memory_space<vmem>>, vector<16xf32>,
          %add3A_704 = arith.constant 48 : i32
          %add3A_705 = arith.addi %squeeze3A_671, %add3A_704 : i32
          %add3A_706 = vector.broadcast %add3A_705 : i32 to vector<16xi32>
          %add3A_707 = arith.addi %iota3A, %add3A_706 : vector<16xi32>
          tpu.vector_store_idx %arg18[%add3A_707], %get3A_703 {add = true} : memref<16384xf32, #tpu.memory_space<vmem>>[vector<16xi32>], vector<16xf32>,
        }
        %scan3A_92 = arith.constant 16 : i32
      } else {
      }
      %lt3A_68 = arith.constant 391 : i32
      %lt3A_69 = arith.cmpi slt, %add3A_57, %lt3A_68 : i32
      %convert_element_type3A_70 = arith.extui %lt3A_69 : i1 to i32
      %cond3A_71 = arith.constant 0 : i32
      %cond3A_72 = arith.cmpi ne, %convert_element_type3A_70, %cond3A_71 : i32
      scf.if %cond3A_72 {
        %mul3A_78 = arith.constant 256 : i32
        %mul3A_79 = arith.muli %add3A_57, %mul3A_78 : i32
        %dma_start3A = tpu.memref_slice %arg3[%mul3A_79] : memref<100096xi32, #tpu.memory_space<hbm>> -> memref<256xi32, #tpu.memory_space<hbm>>
        %dma_start3A_80 = tpu.memref_slice %arg3[%mul3A_79] : memref<100096xi32, #tpu.memory_space<hbm>> -> memref<256xi32, #tpu.memory_space<hbm>>
        tpu.enqueue_dma source(%dma_start3A_80 : memref<256xi32, #tpu.memory_space<hbm>>) target(%arg14 : memref<256xi32, #tpu.memory_space<vmem>>) target_semaphore(%arg20 : memref<!tpu.dma_semaphore, #tpu.memory_space<semaphore_mem>>)
        %mul3A_81 = arith.constant 256 : i32
        %mul3A_82 = arith.muli %add3A_57, %mul3A_81 : i32
        %mul3A_83 = arith.constant 64 : i32
        %mul3A_84 = arith.muli %mul3A_82, %mul3A_83 : i32
        %dma_start3A_85 = tpu.memref_slice %arg2[%mul3A_84] : memref<6406144xf32, #tpu.memory_space<hbm>> -> memref<16384xf32, #tpu.memory_space<hbm>>
        %dma_start3A_86 = tpu.memref_slice %arg2[%mul3A_84] : memref<6406144xf32, #tpu.memory_space<hbm>> -> memref<16384xf32, #tpu.memory_space<hbm>>
        tpu.enqueue_dma source(%dma_start3A_86 : memref<16384xf32, #tpu.memory_space<hbm>>) target(%arg16 : memref<16384xf32, #tpu.memory_space<vmem>>) target_semaphore(%arg20 : memref<!tpu.dma_semaphore, #tpu.memory_space<semaphore_mem>>)
      } else {
      }
      %lt3A_73 = arith.constant 391 : i32
      %lt3A_74 = arith.cmpi slt, %add3A_50, %lt3A_73 : i32
      %convert_element_type3A_75 = arith.extui %lt3A_74 : i1 to i32
      %cond3A_76 = arith.constant 0 : i32
      %cond3A_77 = arith.cmpi ne, %convert_element_type3A_75, %cond3A_76 : i32
      scf.if %cond3A_77 {
        %mul3A_78 = arith.constant 256 : i32
        %mul3A_79 = arith.muli %add3A_50, %mul3A_78 : i32
        %dma_wait3A = tpu.memref_slice %arg3[%mul3A_79] : memref<100096xi32, #tpu.memory_space<hbm>> -> memref<256xi32, #tpu.memory_space<hbm>>
        %dma_wait3A_80 = tpu.memref_slice %arg3[%mul3A_79] : memref<100096xi32, #tpu.memory_space<hbm>> -> memref<256xi32, #tpu.memory_space<hbm>>
        tpu.wait_dma2 semaphore(%arg21 : memref<!tpu.dma_semaphore, #tpu.memory_space<semaphore_mem>>) src(%dma_wait3A_80 : memref<256xi32, #tpu.memory_space<hbm>>) dst(%arg15 : memref<256xi32, #tpu.memory_space<vmem>>)
        %mul3A_81 = arith.constant 256 : i32
        %mul3A_82 = arith.muli %add3A_50, %mul3A_81 : i32
        %mul3A_83 = arith.constant 64 : i32
        %mul3A_84 = arith.muli %mul3A_82, %mul3A_83 : i32
        %dma_wait3A_85 = tpu.memref_slice %arg2[%mul3A_84] : memref<6406144xf32, #tpu.memory_space<hbm>> -> memref<16384xf32, #tpu.memory_space<hbm>>
        %dma_wait3A_86 = tpu.memref_slice %arg2[%mul3A_84] : memref<6406144xf32, #tpu.memory_space<hbm>> -> memref<16384xf32, #tpu.memory_space<hbm>>
        tpu.wait_dma2 semaphore(%arg21 : memref<!tpu.dma_semaphore, #tpu.memory_space<semaphore_mem>>) src(%dma_wait3A_86 : memref<16384xf32, #tpu.memory_space<hbm>>) dst(%arg17 : memref<16384xf32, #tpu.memory_space<vmem>>)
        %scan3A_87 = arith.constant 0 : i32
        %scan3A_88 = arith.constant 0 : i32
        %scan3A_89 = arith.constant 16 : i32
        %scan3A_90 = arith.addi %scan3A_88, %scan3A_89 : i32
        %scan3A_91 = arith.constant 1 : i32
        scf.for %scan3A_93 = %scan3A_88 to %scan3A_90 step %scan3A_91  : i32 {
          %mul3A_94 = arith.constant 16 : i32
          %mul3A_95 = arith.muli %scan3A_93, %mul3A_94 : i32
          %multiple_of3A = tpu.assume_multiple %mul3A_95, 16 : i32
          %get3A = arith.index_cast %multiple_of3A : i32 to index
          %get3A_96 = tpu.vector_load %arg15[%get3A] {strides = array<i32>} : memref<256xi32, #tpu.memory_space<vmem>>, vector<16xi32>,
          %mul3A_97 = arith.constant 64 : i32
          %mul3A_98 = vector.broadcast %mul3A_97 : i32 to vector<16xi32>
          %mul3A_99 = arith.muli %get3A_96, %mul3A_98 : vector<16xi32>
          %mul3A_100 = arith.constant 1024 : i32
          %mul3A_101 = arith.muli %scan3A_93, %mul3A_100 : i32
          %slice3A = vector.extract_strided_slice %mul3A_99 {offsets = [0], sizes = [1], strides = [1]} : vector<16xi32> to vector<1xi32>
          %squeeze3A = vector.extract %slice3A[0] : i32 from vector<1xi32>
          %add3A_102 = arith.constant 0 : i32
          %add3A_103 = arith.addi %mul3A_101, %add3A_102 : i32
          %multiple_of3A_104 = tpu.assume_multiple %add3A_103, 16 : i32
          %get3A_105 = arith.index_cast %multiple_of3A_104 : i32 to index
          %get3A_106 = tpu.vector_load %arg17[%get3A_105] {strides = array<i32>} : memref<16384xf32, #tpu.memory_space<vmem>>, vector<16xf32>,
          %add3A_107 = arith.constant 0 : i32
          %add3A_108 = arith.addi %squeeze3A, %add3A_107 : i32
          %add3A_109 = vector.broadcast %add3A_108 : i32 to vector<16xi32>
          %add3A_110 = arith.addi %iota3A, %add3A_109 : vector<16xi32>
          tpu.vector_store_idx %arg18[%add3A_110], %get3A_106 {add = true} : memref<16384xf32, #tpu.memory_space<vmem>>[vector<16xi32>], vector<16xf32>,
          %add3A_111 = arith.constant 16 : i32
          %add3A_112 = arith.addi %mul3A_101, %add3A_111 : i32
          %multiple_of3A_113 = tpu.assume_multiple %add3A_112, 16 : i32
          %get3A_114 = arith.index_cast %multiple_of3A_113 : i32 to index
          %get3A_115 = tpu.vector_load %arg17[%get3A_114] {strides = array<i32>} : memref<16384xf32, #tpu.memory_space<vmem>>, vector<16xf32>,
          %add3A_116 = arith.constant 16 : i32
          %add3A_117 = arith.addi %squeeze3A, %add3A_116 : i32
          %add3A_118 = vector.broadcast %add3A_117 : i32 to vector<16xi32>
          %add3A_119 = arith.addi %iota3A, %add3A_118 : vector<16xi32>
          tpu.vector_store_idx %arg18[%add3A_119], %get3A_115 {add = true} : memref<16384xf32, #tpu.memory_space<vmem>>[vector<16xi32>], vector<16xf32>,
          %add3A_120 = arith.constant 32 : i32
          %add3A_121 = arith.addi %mul3A_101, %add3A_120 : i32
          %multiple_of3A_122 = tpu.assume_multiple %add3A_121, 16 : i32
          %get3A_123 = arith.index_cast %multiple_of3A_122 : i32 to index
          %get3A_124 = tpu.vector_load %arg17[%get3A_123] {strides = array<i32>} : memref<16384xf32, #tpu.memory_space<vmem>>, vector<16xf32>,
          %add3A_125 = arith.constant 32 : i32
          %add3A_126 = arith.addi %squeeze3A, %add3A_125 : i32
          %add3A_127 = vector.broadcast %add3A_126 : i32 to vector<16xi32>
          %add3A_128 = arith.addi %iota3A, %add3A_127 : vector<16xi32>
          tpu.vector_store_idx %arg18[%add3A_128], %get3A_124 {add = true} : memref<16384xf32, #tpu.memory_space<vmem>>[vector<16xi32>], vector<16xf32>,
          %add3A_129 = arith.constant 48 : i32
          %add3A_130 = arith.addi %mul3A_101, %add3A_129 : i32
          %multiple_of3A_131 = tpu.assume_multiple %add3A_130, 16 : i32
          %get3A_132 = arith.index_cast %multiple_of3A_131 : i32 to index
          %get3A_133 = tpu.vector_load %arg17[%get3A_132] {strides = array<i32>} : memref<16384xf32, #tpu.memory_space<vmem>>, vector<16xf32>,
          %add3A_134 = arith.constant 48 : i32
          %add3A_135 = arith.addi %squeeze3A, %add3A_134 : i32
          %add3A_136 = vector.broadcast %add3A_135 : i32 to vector<16xi32>
          %add3A_137 = arith.addi %iota3A, %add3A_136 : vector<16xi32>
          tpu.vector_store_idx %arg18[%add3A_137], %get3A_133 {add = true} : memref<16384xf32, #tpu.memory_space<vmem>>[vector<16xi32>], vector<16xf32>,
          %slice3A_138 = vector.extract_strided_slice %mul3A_99 {offsets = [1], sizes = [1], strides = [1]} : vector<16xi32> to vector<1xi32>
          %squeeze3A_139 = vector.extract %slice3A_138[0] : i32 from vector<1xi32>
          %add3A_140 = arith.constant 64 : i32
          %add3A_141 = arith.addi %mul3A_101, %add3A_140 : i32
          %multiple_of3A_142 = tpu.assume_multiple %add3A_141, 16 : i32
          %get3A_143 = arith.index_cast %multiple_of3A_142 : i32 to index
          %get3A_144 = tpu.vector_load %arg17[%get3A_143] {strides = array<i32>} : memref<16384xf32, #tpu.memory_space<vmem>>, vector<16xf32>,
          %add3A_145 = arith.constant 0 : i32
          %add3A_146 = arith.addi %squeeze3A_139, %add3A_145 : i32
          %add3A_147 = vector.broadcast %add3A_146 : i32 to vector<16xi32>
          %add3A_148 = arith.addi %iota3A, %add3A_147 : vector<16xi32>
          tpu.vector_store_idx %arg18[%add3A_148], %get3A_144 {add = true} : memref<16384xf32, #tpu.memory_space<vmem>>[vector<16xi32>], vector<16xf32>,
          %add3A_149 = arith.constant 80 : i32
          %add3A_150 = arith.addi %mul3A_101, %add3A_149 : i32
          %multiple_of3A_151 = tpu.assume_multiple %add3A_150, 16 : i32
          %get3A_152 = arith.index_cast %multiple_of3A_151 : i32 to index
          %get3A_153 = tpu.vector_load %arg17[%get3A_152] {strides = array<i32>} : memref<16384xf32, #tpu.memory_space<vmem>>, vector<16xf32>,
          %add3A_154 = arith.constant 16 : i32
          %add3A_155 = arith.addi %squeeze3A_139, %add3A_154 : i32
          %add3A_156 = vector.broadcast %add3A_155 : i32 to vector<16xi32>
          %add3A_157 = arith.addi %iota3A, %add3A_156 : vector<16xi32>
          tpu.vector_store_idx %arg18[%add3A_157], %get3A_153 {add = true} : memref<16384xf32, #tpu.memory_space<vmem>>[vector<16xi32>], vector<16xf32>,
          %add3A_158 = arith.constant 96 : i32
          %add3A_159 = arith.addi %mul3A_101, %add3A_158 : i32
          %multiple_of3A_160 = tpu.assume_multiple %add3A_159, 16 : i32
          %get3A_161 = arith.index_cast %multiple_of3A_160 : i32 to index
          %get3A_162 = tpu.vector_load %arg17[%get3A_161] {strides = array<i32>} : memref<16384xf32, #tpu.memory_space<vmem>>, vector<16xf32>,
          %add3A_163 = arith.constant 32 : i32
          %add3A_164 = arith.addi %squeeze3A_139, %add3A_163 : i32
          %add3A_165 = vector.broadcast %add3A_164 : i32 to vector<16xi32>
          %add3A_166 = arith.addi %iota3A, %add3A_165 : vector<16xi32>
          tpu.vector_store_idx %arg18[%add3A_166], %get3A_162 {add = true} : memref<16384xf32, #tpu.memory_space<vmem>>[vector<16xi32>], vector<16xf32>,
          %add3A_167 = arith.constant 112 : i32
          %add3A_168 = arith.addi %mul3A_101, %add3A_167 : i32
          %multiple_of3A_169 = tpu.assume_multiple %add3A_168, 16 : i32
          %get3A_170 = arith.index_cast %multiple_of3A_169 : i32 to index
          %get3A_171 = tpu.vector_load %arg17[%get3A_170] {strides = array<i32>} : memref<16384xf32, #tpu.memory_space<vmem>>, vector<16xf32>,
          %add3A_172 = arith.constant 48 : i32
          %add3A_173 = arith.addi %squeeze3A_139, %add3A_172 : i32
          %add3A_174 = vector.broadcast %add3A_173 : i32 to vector<16xi32>
          %add3A_175 = arith.addi %iota3A, %add3A_174 : vector<16xi32>
          tpu.vector_store_idx %arg18[%add3A_175], %get3A_171 {add = true} : memref<16384xf32, #tpu.memory_space<vmem>>[vector<16xi32>], vector<16xf32>,
          %slice3A_176 = vector.extract_strided_slice %mul3A_99 {offsets = [2], sizes = [1], strides = [1]} : vector<16xi32> to vector<1xi32>
          %squeeze3A_177 = vector.extract %slice3A_176[0] : i32 from vector<1xi32>
          %add3A_178 = arith.constant 128 : i32
          %add3A_179 = arith.addi %mul3A_101, %add3A_178 : i32
          %multiple_of3A_180 = tpu.assume_multiple %add3A_179, 16 : i32
          %get3A_181 = arith.index_cast %multiple_of3A_180 : i32 to index
          %get3A_182 = tpu.vector_load %arg17[%get3A_181] {strides = array<i32>} : memref<16384xf32, #tpu.memory_space<vmem>>, vector<16xf32>,
          %add3A_183 = arith.constant 0 : i32
          %add3A_184 = arith.addi %squeeze3A_177, %add3A_183 : i32
          %add3A_185 = vector.broadcast %add3A_184 : i32 to vector<16xi32>
          %add3A_186 = arith.addi %iota3A, %add3A_185 : vector<16xi32>
          tpu.vector_store_idx %arg18[%add3A_186], %get3A_182 {add = true} : memref<16384xf32, #tpu.memory_space<vmem>>[vector<16xi32>], vector<16xf32>,
          %add3A_187 = arith.constant 144 : i32
          %add3A_188 = arith.addi %mul3A_101, %add3A_187 : i32
          %multiple_of3A_189 = tpu.assume_multiple %add3A_188, 16 : i32
          %get3A_190 = arith.index_cast %multiple_of3A_189 : i32 to index
          %get3A_191 = tpu.vector_load %arg17[%get3A_190] {strides = array<i32>} : memref<16384xf32, #tpu.memory_space<vmem>>, vector<16xf32>,
          %add3A_192 = arith.constant 16 : i32
          %add3A_193 = arith.addi %squeeze3A_177, %add3A_192 : i32
          %add3A_194 = vector.broadcast %add3A_193 : i32 to vector<16xi32>
          %add3A_195 = arith.addi %iota3A, %add3A_194 : vector<16xi32>
          tpu.vector_store_idx %arg18[%add3A_195], %get3A_191 {add = true} : memref<16384xf32, #tpu.memory_space<vmem>>[vector<16xi32>], vector<16xf32>,
          %add3A_196 = arith.constant 160 : i32
          %add3A_197 = arith.addi %mul3A_101, %add3A_196 : i32
          %multiple_of3A_198 = tpu.assume_multiple %add3A_197, 16 : i32
          %get3A_199 = arith.index_cast %multiple_of3A_198 : i32 to index
          %get3A_200 = tpu.vector_load %arg17[%get3A_199] {strides = array<i32>} : memref<16384xf32, #tpu.memory_space<vmem>>, vector<16xf32>,
          %add3A_201 = arith.constant 32 : i32
          %add3A_202 = arith.addi %squeeze3A_177, %add3A_201 : i32
          %add3A_203 = vector.broadcast %add3A_202 : i32 to vector<16xi32>
          %add3A_204 = arith.addi %iota3A, %add3A_203 : vector<16xi32>
          tpu.vector_store_idx %arg18[%add3A_204], %get3A_200 {add = true} : memref<16384xf32, #tpu.memory_space<vmem>>[vector<16xi32>], vector<16xf32>,
          %add3A_205 = arith.constant 176 : i32
          %add3A_206 = arith.addi %mul3A_101, %add3A_205 : i32
          %multiple_of3A_207 = tpu.assume_multiple %add3A_206, 16 : i32
          %get3A_208 = arith.index_cast %multiple_of3A_207 : i32 to index
          %get3A_209 = tpu.vector_load %arg17[%get3A_208] {strides = array<i32>} : memref<16384xf32, #tpu.memory_space<vmem>>, vector<16xf32>,
          %add3A_210 = arith.constant 48 : i32
          %add3A_211 = arith.addi %squeeze3A_177, %add3A_210 : i32
          %add3A_212 = vector.broadcast %add3A_211 : i32 to vector<16xi32>
          %add3A_213 = arith.addi %iota3A, %add3A_212 : vector<16xi32>
          tpu.vector_store_idx %arg18[%add3A_213], %get3A_209 {add = true} : memref<16384xf32, #tpu.memory_space<vmem>>[vector<16xi32>], vector<16xf32>,
          %slice3A_214 = vector.extract_strided_slice %mul3A_99 {offsets = [3], sizes = [1], strides = [1]} : vector<16xi32> to vector<1xi32>
          %squeeze3A_215 = vector.extract %slice3A_214[0] : i32 from vector<1xi32>
          %add3A_216 = arith.constant 192 : i32
          %add3A_217 = arith.addi %mul3A_101, %add3A_216 : i32
          %multiple_of3A_218 = tpu.assume_multiple %add3A_217, 16 : i32
          %get3A_219 = arith.index_cast %multiple_of3A_218 : i32 to index
          %get3A_220 = tpu.vector_load %arg17[%get3A_219] {strides = array<i32>} : memref<16384xf32, #tpu.memory_space<vmem>>, vector<16xf32>,
          %add3A_221 = arith.constant 0 : i32
          %add3A_222 = arith.addi %squeeze3A_215, %add3A_221 : i32
          %add3A_223 = vector.broadcast %add3A_222 : i32 to vector<16xi32>
          %add3A_224 = arith.addi %iota3A, %add3A_223 : vector<16xi32>
          tpu.vector_store_idx %arg18[%add3A_224], %get3A_220 {add = true} : memref<16384xf32, #tpu.memory_space<vmem>>[vector<16xi32>], vector<16xf32>,
          %add3A_225 = arith.constant 208 : i32
          %add3A_226 = arith.addi %mul3A_101, %add3A_225 : i32
          %multiple_of3A_227 = tpu.assume_multiple %add3A_226, 16 : i32
          %get3A_228 = arith.index_cast %multiple_of3A_227 : i32 to index
          %get3A_229 = tpu.vector_load %arg17[%get3A_228] {strides = array<i32>} : memref<16384xf32, #tpu.memory_space<vmem>>, vector<16xf32>,
          %add3A_230 = arith.constant 16 : i32
          %add3A_231 = arith.addi %squeeze3A_215, %add3A_230 : i32
          %add3A_232 = vector.broadcast %add3A_231 : i32 to vector<16xi32>
          %add3A_233 = arith.addi %iota3A, %add3A_232 : vector<16xi32>
          tpu.vector_store_idx %arg18[%add3A_233], %get3A_229 {add = true} : memref<16384xf32, #tpu.memory_space<vmem>>[vector<16xi32>], vector<16xf32>,
          %add3A_234 = arith.constant 224 : i32
          %add3A_235 = arith.addi %mul3A_101, %add3A_234 : i32
          %multiple_of3A_236 = tpu.assume_multiple %add3A_235, 16 : i32
          %get3A_237 = arith.index_cast %multiple_of3A_236 : i32 to index
          %get3A_238 = tpu.vector_load %arg17[%get3A_237] {strides = array<i32>} : memref<16384xf32, #tpu.memory_space<vmem>>, vector<16xf32>,
          %add3A_239 = arith.constant 32 : i32
          %add3A_240 = arith.addi %squeeze3A_215, %add3A_239 : i32
          %add3A_241 = vector.broadcast %add3A_240 : i32 to vector<16xi32>
          %add3A_242 = arith.addi %iota3A, %add3A_241 : vector<16xi32>
          tpu.vector_store_idx %arg18[%add3A_242], %get3A_238 {add = true} : memref<16384xf32, #tpu.memory_space<vmem>>[vector<16xi32>], vector<16xf32>,
          %add3A_243 = arith.constant 240 : i32
          %add3A_244 = arith.addi %mul3A_101, %add3A_243 : i32
          %multiple_of3A_245 = tpu.assume_multiple %add3A_244, 16 : i32
          %get3A_246 = arith.index_cast %multiple_of3A_245 : i32 to index
          %get3A_247 = tpu.vector_load %arg17[%get3A_246] {strides = array<i32>} : memref<16384xf32, #tpu.memory_space<vmem>>, vector<16xf32>,
          %add3A_248 = arith.constant 48 : i32
          %add3A_249 = arith.addi %squeeze3A_215, %add3A_248 : i32
          %add3A_250 = vector.broadcast %add3A_249 : i32 to vector<16xi32>
          %add3A_251 = arith.addi %iota3A, %add3A_250 : vector<16xi32>
          tpu.vector_store_idx %arg18[%add3A_251], %get3A_247 {add = true} : memref<16384xf32, #tpu.memory_space<vmem>>[vector<16xi32>], vector<16xf32>,
          %slice3A_252 = vector.extract_strided_slice %mul3A_99 {offsets = [4], sizes = [1], strides = [1]} : vector<16xi32> to vector<1xi32>
          %squeeze3A_253 = vector.extract %slice3A_252[0] : i32 from vector<1xi32>
          %add3A_254 = arith.constant 256 : i32
          %add3A_255 = arith.addi %mul3A_101, %add3A_254 : i32
          %multiple_of3A_256 = tpu.assume_multiple %add3A_255, 16 : i32
          %get3A_257 = arith.index_cast %multiple_of3A_256 : i32 to index
          %get3A_258 = tpu.vector_load %arg17[%get3A_257] {strides = array<i32>} : memref<16384xf32, #tpu.memory_space<vmem>>, vector<16xf32>,
          %add3A_259 = arith.constant 0 : i32
          %add3A_260 = arith.addi %squeeze3A_253, %add3A_259 : i32
          %add3A_261 = vector.broadcast %add3A_260 : i32 to vector<16xi32>
          %add3A_262 = arith.addi %iota3A, %add3A_261 : vector<16xi32>
          tpu.vector_store_idx %arg18[%add3A_262], %get3A_258 {add = true} : memref<16384xf32, #tpu.memory_space<vmem>>[vector<16xi32>], vector<16xf32>,
          %add3A_263 = arith.constant 272 : i32
          %add3A_264 = arith.addi %mul3A_101, %add3A_263 : i32
          %multiple_of3A_265 = tpu.assume_multiple %add3A_264, 16 : i32
          %get3A_266 = arith.index_cast %multiple_of3A_265 : i32 to index
          %get3A_267 = tpu.vector_load %arg17[%get3A_266] {strides = array<i32>} : memref<16384xf32, #tpu.memory_space<vmem>>, vector<16xf32>,
          %add3A_268 = arith.constant 16 : i32
          %add3A_269 = arith.addi %squeeze3A_253, %add3A_268 : i32
          %add3A_270 = vector.broadcast %add3A_269 : i32 to vector<16xi32>
          %add3A_271 = arith.addi %iota3A, %add3A_270 : vector<16xi32>
          tpu.vector_store_idx %arg18[%add3A_271], %get3A_267 {add = true} : memref<16384xf32, #tpu.memory_space<vmem>>[vector<16xi32>], vector<16xf32>,
          %add3A_272 = arith.constant 288 : i32
          %add3A_273 = arith.addi %mul3A_101, %add3A_272 : i32
          %multiple_of3A_274 = tpu.assume_multiple %add3A_273, 16 : i32
          %get3A_275 = arith.index_cast %multiple_of3A_274 : i32 to index
          %get3A_276 = tpu.vector_load %arg17[%get3A_275] {strides = array<i32>} : memref<16384xf32, #tpu.memory_space<vmem>>, vector<16xf32>,
          %add3A_277 = arith.constant 32 : i32
          %add3A_278 = arith.addi %squeeze3A_253, %add3A_277 : i32
          %add3A_279 = vector.broadcast %add3A_278 : i32 to vector<16xi32>
          %add3A_280 = arith.addi %iota3A, %add3A_279 : vector<16xi32>
          tpu.vector_store_idx %arg18[%add3A_280], %get3A_276 {add = true} : memref<16384xf32, #tpu.memory_space<vmem>>[vector<16xi32>], vector<16xf32>,
          %add3A_281 = arith.constant 304 : i32
          %add3A_282 = arith.addi %mul3A_101, %add3A_281 : i32
          %multiple_of3A_283 = tpu.assume_multiple %add3A_282, 16 : i32
          %get3A_284 = arith.index_cast %multiple_of3A_283 : i32 to index
          %get3A_285 = tpu.vector_load %arg17[%get3A_284] {strides = array<i32>} : memref<16384xf32, #tpu.memory_space<vmem>>, vector<16xf32>,
          %add3A_286 = arith.constant 48 : i32
          %add3A_287 = arith.addi %squeeze3A_253, %add3A_286 : i32
          %add3A_288 = vector.broadcast %add3A_287 : i32 to vector<16xi32>
          %add3A_289 = arith.addi %iota3A, %add3A_288 : vector<16xi32>
          tpu.vector_store_idx %arg18[%add3A_289], %get3A_285 {add = true} : memref<16384xf32, #tpu.memory_space<vmem>>[vector<16xi32>], vector<16xf32>,
          %slice3A_290 = vector.extract_strided_slice %mul3A_99 {offsets = [5], sizes = [1], strides = [1]} : vector<16xi32> to vector<1xi32>
          %squeeze3A_291 = vector.extract %slice3A_290[0] : i32 from vector<1xi32>
          %add3A_292 = arith.constant 320 : i32
          %add3A_293 = arith.addi %mul3A_101, %add3A_292 : i32
          %multiple_of3A_294 = tpu.assume_multiple %add3A_293, 16 : i32
          %get3A_295 = arith.index_cast %multiple_of3A_294 : i32 to index
          %get3A_296 = tpu.vector_load %arg17[%get3A_295] {strides = array<i32>} : memref<16384xf32, #tpu.memory_space<vmem>>, vector<16xf32>,
          %add3A_297 = arith.constant 0 : i32
          %add3A_298 = arith.addi %squeeze3A_291, %add3A_297 : i32
          %add3A_299 = vector.broadcast %add3A_298 : i32 to vector<16xi32>
          %add3A_300 = arith.addi %iota3A, %add3A_299 : vector<16xi32>
          tpu.vector_store_idx %arg18[%add3A_300], %get3A_296 {add = true} : memref<16384xf32, #tpu.memory_space<vmem>>[vector<16xi32>], vector<16xf32>,
          %add3A_301 = arith.constant 336 : i32
          %add3A_302 = arith.addi %mul3A_101, %add3A_301 : i32
          %multiple_of3A_303 = tpu.assume_multiple %add3A_302, 16 : i32
          %get3A_304 = arith.index_cast %multiple_of3A_303 : i32 to index
          %get3A_305 = tpu.vector_load %arg17[%get3A_304] {strides = array<i32>} : memref<16384xf32, #tpu.memory_space<vmem>>, vector<16xf32>,
          %add3A_306 = arith.constant 16 : i32
          %add3A_307 = arith.addi %squeeze3A_291, %add3A_306 : i32
          %add3A_308 = vector.broadcast %add3A_307 : i32 to vector<16xi32>
          %add3A_309 = arith.addi %iota3A, %add3A_308 : vector<16xi32>
          tpu.vector_store_idx %arg18[%add3A_309], %get3A_305 {add = true} : memref<16384xf32, #tpu.memory_space<vmem>>[vector<16xi32>], vector<16xf32>,
          %add3A_310 = arith.constant 352 : i32
          %add3A_311 = arith.addi %mul3A_101, %add3A_310 : i32
          %multiple_of3A_312 = tpu.assume_multiple %add3A_311, 16 : i32
          %get3A_313 = arith.index_cast %multiple_of3A_312 : i32 to index
          %get3A_314 = tpu.vector_load %arg17[%get3A_313] {strides = array<i32>} : memref<16384xf32, #tpu.memory_space<vmem>>, vector<16xf32>,
          %add3A_315 = arith.constant 32 : i32
          %add3A_316 = arith.addi %squeeze3A_291, %add3A_315 : i32
          %add3A_317 = vector.broadcast %add3A_316 : i32 to vector<16xi32>
          %add3A_318 = arith.addi %iota3A, %add3A_317 : vector<16xi32>
          tpu.vector_store_idx %arg18[%add3A_318], %get3A_314 {add = true} : memref<16384xf32, #tpu.memory_space<vmem>>[vector<16xi32>], vector<16xf32>,
          %add3A_319 = arith.constant 368 : i32
          %add3A_320 = arith.addi %mul3A_101, %add3A_319 : i32
          %multiple_of3A_321 = tpu.assume_multiple %add3A_320, 16 : i32
          %get3A_322 = arith.index_cast %multiple_of3A_321 : i32 to index
          %get3A_323 = tpu.vector_load %arg17[%get3A_322] {strides = array<i32>} : memref<16384xf32, #tpu.memory_space<vmem>>, vector<16xf32>,
          %add3A_324 = arith.constant 48 : i32
          %add3A_325 = arith.addi %squeeze3A_291, %add3A_324 : i32
          %add3A_326 = vector.broadcast %add3A_325 : i32 to vector<16xi32>
          %add3A_327 = arith.addi %iota3A, %add3A_326 : vector<16xi32>
          tpu.vector_store_idx %arg18[%add3A_327], %get3A_323 {add = true} : memref<16384xf32, #tpu.memory_space<vmem>>[vector<16xi32>], vector<16xf32>,
          %slice3A_328 = vector.extract_strided_slice %mul3A_99 {offsets = [6], sizes = [1], strides = [1]} : vector<16xi32> to vector<1xi32>
          %squeeze3A_329 = vector.extract %slice3A_328[0] : i32 from vector<1xi32>
          %add3A_330 = arith.constant 384 : i32
          %add3A_331 = arith.addi %mul3A_101, %add3A_330 : i32
          %multiple_of3A_332 = tpu.assume_multiple %add3A_331, 16 : i32
          %get3A_333 = arith.index_cast %multiple_of3A_332 : i32 to index
          %get3A_334 = tpu.vector_load %arg17[%get3A_333] {strides = array<i32>} : memref<16384xf32, #tpu.memory_space<vmem>>, vector<16xf32>,
          %add3A_335 = arith.constant 0 : i32
          %add3A_336 = arith.addi %squeeze3A_329, %add3A_335 : i32
          %add3A_337 = vector.broadcast %add3A_336 : i32 to vector<16xi32>
          %add3A_338 = arith.addi %iota3A, %add3A_337 : vector<16xi32>
          tpu.vector_store_idx %arg18[%add3A_338], %get3A_334 {add = true} : memref<16384xf32, #tpu.memory_space<vmem>>[vector<16xi32>], vector<16xf32>,
          %add3A_339 = arith.constant 400 : i32
          %add3A_340 = arith.addi %mul3A_101, %add3A_339 : i32
          %multiple_of3A_341 = tpu.assume_multiple %add3A_340, 16 : i32
          %get3A_342 = arith.index_cast %multiple_of3A_341 : i32 to index
          %get3A_343 = tpu.vector_load %arg17[%get3A_342] {strides = array<i32>} : memref<16384xf32, #tpu.memory_space<vmem>>, vector<16xf32>,
          %add3A_344 = arith.constant 16 : i32
          %add3A_345 = arith.addi %squeeze3A_329, %add3A_344 : i32
          %add3A_346 = vector.broadcast %add3A_345 : i32 to vector<16xi32>
          %add3A_347 = arith.addi %iota3A, %add3A_346 : vector<16xi32>
          tpu.vector_store_idx %arg18[%add3A_347], %get3A_343 {add = true} : memref<16384xf32, #tpu.memory_space<vmem>>[vector<16xi32>], vector<16xf32>,
          %add3A_348 = arith.constant 416 : i32
          %add3A_349 = arith.addi %mul3A_101, %add3A_348 : i32
          %multiple_of3A_350 = tpu.assume_multiple %add3A_349, 16 : i32
          %get3A_351 = arith.index_cast %multiple_of3A_350 : i32 to index
          %get3A_352 = tpu.vector_load %arg17[%get3A_351] {strides = array<i32>} : memref<16384xf32, #tpu.memory_space<vmem>>, vector<16xf32>,
          %add3A_353 = arith.constant 32 : i32
          %add3A_354 = arith.addi %squeeze3A_329, %add3A_353 : i32
          %add3A_355 = vector.broadcast %add3A_354 : i32 to vector<16xi32>
          %add3A_356 = arith.addi %iota3A, %add3A_355 : vector<16xi32>
          tpu.vector_store_idx %arg18[%add3A_356], %get3A_352 {add = true} : memref<16384xf32, #tpu.memory_space<vmem>>[vector<16xi32>], vector<16xf32>,
          %add3A_357 = arith.constant 432 : i32
          %add3A_358 = arith.addi %mul3A_101, %add3A_357 : i32
          %multiple_of3A_359 = tpu.assume_multiple %add3A_358, 16 : i32
          %get3A_360 = arith.index_cast %multiple_of3A_359 : i32 to index
          %get3A_361 = tpu.vector_load %arg17[%get3A_360] {strides = array<i32>} : memref<16384xf32, #tpu.memory_space<vmem>>, vector<16xf32>,
          %add3A_362 = arith.constant 48 : i32
          %add3A_363 = arith.addi %squeeze3A_329, %add3A_362 : i32
          %add3A_364 = vector.broadcast %add3A_363 : i32 to vector<16xi32>
          %add3A_365 = arith.addi %iota3A, %add3A_364 : vector<16xi32>
          tpu.vector_store_idx %arg18[%add3A_365], %get3A_361 {add = true} : memref<16384xf32, #tpu.memory_space<vmem>>[vector<16xi32>], vector<16xf32>,
          %slice3A_366 = vector.extract_strided_slice %mul3A_99 {offsets = [7], sizes = [1], strides = [1]} : vector<16xi32> to vector<1xi32>
          %squeeze3A_367 = vector.extract %slice3A_366[0] : i32 from vector<1xi32>
          %add3A_368 = arith.constant 448 : i32
          %add3A_369 = arith.addi %mul3A_101, %add3A_368 : i32
          %multiple_of3A_370 = tpu.assume_multiple %add3A_369, 16 : i32
          %get3A_371 = arith.index_cast %multiple_of3A_370 : i32 to index
          %get3A_372 = tpu.vector_load %arg17[%get3A_371] {strides = array<i32>} : memref<16384xf32, #tpu.memory_space<vmem>>, vector<16xf32>,
          %add3A_373 = arith.constant 0 : i32
          %add3A_374 = arith.addi %squeeze3A_367, %add3A_373 : i32
          %add3A_375 = vector.broadcast %add3A_374 : i32 to vector<16xi32>
          %add3A_376 = arith.addi %iota3A, %add3A_375 : vector<16xi32>
          tpu.vector_store_idx %arg18[%add3A_376], %get3A_372 {add = true} : memref<16384xf32, #tpu.memory_space<vmem>>[vector<16xi32>], vector<16xf32>,
          %add3A_377 = arith.constant 464 : i32
          %add3A_378 = arith.addi %mul3A_101, %add3A_377 : i32
          %multiple_of3A_379 = tpu.assume_multiple %add3A_378, 16 : i32
          %get3A_380 = arith.index_cast %multiple_of3A_379 : i32 to index
          %get3A_381 = tpu.vector_load %arg17[%get3A_380] {strides = array<i32>} : memref<16384xf32, #tpu.memory_space<vmem>>, vector<16xf32>,
          %add3A_382 = arith.constant 16 : i32
          %add3A_383 = arith.addi %squeeze3A_367, %add3A_382 : i32
          %add3A_384 = vector.broadcast %add3A_383 : i32 to vector<16xi32>
          %add3A_385 = arith.addi %iota3A, %add3A_384 : vector<16xi32>
          tpu.vector_store_idx %arg18[%add3A_385], %get3A_381 {add = true} : memref<16384xf32, #tpu.memory_space<vmem>>[vector<16xi32>], vector<16xf32>,
          %add3A_386 = arith.constant 480 : i32
          %add3A_387 = arith.addi %mul3A_101, %add3A_386 : i32
          %multiple_of3A_388 = tpu.assume_multiple %add3A_387, 16 : i32
          %get3A_389 = arith.index_cast %multiple_of3A_388 : i32 to index
          %get3A_390 = tpu.vector_load %arg17[%get3A_389] {strides = array<i32>} : memref<16384xf32, #tpu.memory_space<vmem>>, vector<16xf32>,
          %add3A_391 = arith.constant 32 : i32
          %add3A_392 = arith.addi %squeeze3A_367, %add3A_391 : i32
          %add3A_393 = vector.broadcast %add3A_392 : i32 to vector<16xi32>
          %add3A_394 = arith.addi %iota3A, %add3A_393 : vector<16xi32>
          tpu.vector_store_idx %arg18[%add3A_394], %get3A_390 {add = true} : memref<16384xf32, #tpu.memory_space<vmem>>[vector<16xi32>], vector<16xf32>,
          %add3A_395 = arith.constant 496 : i32
          %add3A_396 = arith.addi %mul3A_101, %add3A_395 : i32
          %multiple_of3A_397 = tpu.assume_multiple %add3A_396, 16 : i32
          %get3A_398 = arith.index_cast %multiple_of3A_397 : i32 to index
          %get3A_399 = tpu.vector_load %arg17[%get3A_398] {strides = array<i32>} : memref<16384xf32, #tpu.memory_space<vmem>>, vector<16xf32>,
          %add3A_400 = arith.constant 48 : i32
          %add3A_401 = arith.addi %squeeze3A_367, %add3A_400 : i32
          %add3A_402 = vector.broadcast %add3A_401 : i32 to vector<16xi32>
          %add3A_403 = arith.addi %iota3A, %add3A_402 : vector<16xi32>
          tpu.vector_store_idx %arg18[%add3A_403], %get3A_399 {add = true} : memref<16384xf32, #tpu.memory_space<vmem>>[vector<16xi32>], vector<16xf32>,
          %slice3A_404 = vector.extract_strided_slice %mul3A_99 {offsets = [8], sizes = [1], strides = [1]} : vector<16xi32> to vector<1xi32>
          %squeeze3A_405 = vector.extract %slice3A_404[0] : i32 from vector<1xi32>
          %add3A_406 = arith.constant 512 : i32
          %add3A_407 = arith.addi %mul3A_101, %add3A_406 : i32
          %multiple_of3A_408 = tpu.assume_multiple %add3A_407, 16 : i32
          %get3A_409 = arith.index_cast %multiple_of3A_408 : i32 to index
          %get3A_410 = tpu.vector_load %arg17[%get3A_409] {strides = array<i32>} : memref<16384xf32, #tpu.memory_space<vmem>>, vector<16xf32>,
          %add3A_411 = arith.constant 0 : i32
          %add3A_412 = arith.addi %squeeze3A_405, %add3A_411 : i32
          %add3A_413 = vector.broadcast %add3A_412 : i32 to vector<16xi32>
          %add3A_414 = arith.addi %iota3A, %add3A_413 : vector<16xi32>
          tpu.vector_store_idx %arg18[%add3A_414], %get3A_410 {add = true} : memref<16384xf32, #tpu.memory_space<vmem>>[vector<16xi32>], vector<16xf32>,
          %add3A_415 = arith.constant 528 : i32
          %add3A_416 = arith.addi %mul3A_101, %add3A_415 : i32
          %multiple_of3A_417 = tpu.assume_multiple %add3A_416, 16 : i32
          %get3A_418 = arith.index_cast %multiple_of3A_417 : i32 to index
          %get3A_419 = tpu.vector_load %arg17[%get3A_418] {strides = array<i32>} : memref<16384xf32, #tpu.memory_space<vmem>>, vector<16xf32>,
          %add3A_420 = arith.constant 16 : i32
          %add3A_421 = arith.addi %squeeze3A_405, %add3A_420 : i32
          %add3A_422 = vector.broadcast %add3A_421 : i32 to vector<16xi32>
          %add3A_423 = arith.addi %iota3A, %add3A_422 : vector<16xi32>
          tpu.vector_store_idx %arg18[%add3A_423], %get3A_419 {add = true} : memref<16384xf32, #tpu.memory_space<vmem>>[vector<16xi32>], vector<16xf32>,
          %add3A_424 = arith.constant 544 : i32
          %add3A_425 = arith.addi %mul3A_101, %add3A_424 : i32
          %multiple_of3A_426 = tpu.assume_multiple %add3A_425, 16 : i32
          %get3A_427 = arith.index_cast %multiple_of3A_426 : i32 to index
          %get3A_428 = tpu.vector_load %arg17[%get3A_427] {strides = array<i32>} : memref<16384xf32, #tpu.memory_space<vmem>>, vector<16xf32>,
          %add3A_429 = arith.constant 32 : i32
          %add3A_430 = arith.addi %squeeze3A_405, %add3A_429 : i32
          %add3A_431 = vector.broadcast %add3A_430 : i32 to vector<16xi32>
          %add3A_432 = arith.addi %iota3A, %add3A_431 : vector<16xi32>
          tpu.vector_store_idx %arg18[%add3A_432], %get3A_428 {add = true} : memref<16384xf32, #tpu.memory_space<vmem>>[vector<16xi32>], vector<16xf32>,
          %add3A_433 = arith.constant 560 : i32
          %add3A_434 = arith.addi %mul3A_101, %add3A_433 : i32
          %multiple_of3A_435 = tpu.assume_multiple %add3A_434, 16 : i32
          %get3A_436 = arith.index_cast %multiple_of3A_435 : i32 to index
          %get3A_437 = tpu.vector_load %arg17[%get3A_436] {strides = array<i32>} : memref<16384xf32, #tpu.memory_space<vmem>>, vector<16xf32>,
          %add3A_438 = arith.constant 48 : i32
          %add3A_439 = arith.addi %squeeze3A_405, %add3A_438 : i32
          %add3A_440 = vector.broadcast %add3A_439 : i32 to vector<16xi32>
          %add3A_441 = arith.addi %iota3A, %add3A_440 : vector<16xi32>
          tpu.vector_store_idx %arg18[%add3A_441], %get3A_437 {add = true} : memref<16384xf32, #tpu.memory_space<vmem>>[vector<16xi32>], vector<16xf32>,
          %slice3A_442 = vector.extract_strided_slice %mul3A_99 {offsets = [9], sizes = [1], strides = [1]} : vector<16xi32> to vector<1xi32>
          %squeeze3A_443 = vector.extract %slice3A_442[0] : i32 from vector<1xi32>
          %add3A_444 = arith.constant 576 : i32
          %add3A_445 = arith.addi %mul3A_101, %add3A_444 : i32
          %multiple_of3A_446 = tpu.assume_multiple %add3A_445, 16 : i32
          %get3A_447 = arith.index_cast %multiple_of3A_446 : i32 to index
          %get3A_448 = tpu.vector_load %arg17[%get3A_447] {strides = array<i32>} : memref<16384xf32, #tpu.memory_space<vmem>>, vector<16xf32>,
          %add3A_449 = arith.constant 0 : i32
          %add3A_450 = arith.addi %squeeze3A_443, %add3A_449 : i32
          %add3A_451 = vector.broadcast %add3A_450 : i32 to vector<16xi32>
          %add3A_452 = arith.addi %iota3A, %add3A_451 : vector<16xi32>
          tpu.vector_store_idx %arg18[%add3A_452], %get3A_448 {add = true} : memref<16384xf32, #tpu.memory_space<vmem>>[vector<16xi32>], vector<16xf32>,
          %add3A_453 = arith.constant 592 : i32
          %add3A_454 = arith.addi %mul3A_101, %add3A_453 : i32
          %multiple_of3A_455 = tpu.assume_multiple %add3A_454, 16 : i32
          %get3A_456 = arith.index_cast %multiple_of3A_455 : i32 to index
          %get3A_457 = tpu.vector_load %arg17[%get3A_456] {strides = array<i32>} : memref<16384xf32, #tpu.memory_space<vmem>>, vector<16xf32>,
          %add3A_458 = arith.constant 16 : i32
          %add3A_459 = arith.addi %squeeze3A_443, %add3A_458 : i32
          %add3A_460 = vector.broadcast %add3A_459 : i32 to vector<16xi32>
          %add3A_461 = arith.addi %iota3A, %add3A_460 : vector<16xi32>
          tpu.vector_store_idx %arg18[%add3A_461], %get3A_457 {add = true} : memref<16384xf32, #tpu.memory_space<vmem>>[vector<16xi32>], vector<16xf32>,
          %add3A_462 = arith.constant 608 : i32
          %add3A_463 = arith.addi %mul3A_101, %add3A_462 : i32
          %multiple_of3A_464 = tpu.assume_multiple %add3A_463, 16 : i32
          %get3A_465 = arith.index_cast %multiple_of3A_464 : i32 to index
          %get3A_466 = tpu.vector_load %arg17[%get3A_465] {strides = array<i32>} : memref<16384xf32, #tpu.memory_space<vmem>>, vector<16xf32>,
          %add3A_467 = arith.constant 32 : i32
          %add3A_468 = arith.addi %squeeze3A_443, %add3A_467 : i32
          %add3A_469 = vector.broadcast %add3A_468 : i32 to vector<16xi32>
          %add3A_470 = arith.addi %iota3A, %add3A_469 : vector<16xi32>
          tpu.vector_store_idx %arg18[%add3A_470], %get3A_466 {add = true} : memref<16384xf32, #tpu.memory_space<vmem>>[vector<16xi32>], vector<16xf32>,
          %add3A_471 = arith.constant 624 : i32
          %add3A_472 = arith.addi %mul3A_101, %add3A_471 : i32
          %multiple_of3A_473 = tpu.assume_multiple %add3A_472, 16 : i32
          %get3A_474 = arith.index_cast %multiple_of3A_473 : i32 to index
          %get3A_475 = tpu.vector_load %arg17[%get3A_474] {strides = array<i32>} : memref<16384xf32, #tpu.memory_space<vmem>>, vector<16xf32>,
          %add3A_476 = arith.constant 48 : i32
          %add3A_477 = arith.addi %squeeze3A_443, %add3A_476 : i32
          %add3A_478 = vector.broadcast %add3A_477 : i32 to vector<16xi32>
          %add3A_479 = arith.addi %iota3A, %add3A_478 : vector<16xi32>
          tpu.vector_store_idx %arg18[%add3A_479], %get3A_475 {add = true} : memref<16384xf32, #tpu.memory_space<vmem>>[vector<16xi32>], vector<16xf32>,
          %slice3A_480 = vector.extract_strided_slice %mul3A_99 {offsets = [10], sizes = [1], strides = [1]} : vector<16xi32> to vector<1xi32>
          %squeeze3A_481 = vector.extract %slice3A_480[0] : i32 from vector<1xi32>
          %add3A_482 = arith.constant 640 : i32
          %add3A_483 = arith.addi %mul3A_101, %add3A_482 : i32
          %multiple_of3A_484 = tpu.assume_multiple %add3A_483, 16 : i32
          %get3A_485 = arith.index_cast %multiple_of3A_484 : i32 to index
          %get3A_486 = tpu.vector_load %arg17[%get3A_485] {strides = array<i32>} : memref<16384xf32, #tpu.memory_space<vmem>>, vector<16xf32>,
          %add3A_487 = arith.constant 0 : i32
          %add3A_488 = arith.addi %squeeze3A_481, %add3A_487 : i32
          %add3A_489 = vector.broadcast %add3A_488 : i32 to vector<16xi32>
          %add3A_490 = arith.addi %iota3A, %add3A_489 : vector<16xi32>
          tpu.vector_store_idx %arg18[%add3A_490], %get3A_486 {add = true} : memref<16384xf32, #tpu.memory_space<vmem>>[vector<16xi32>], vector<16xf32>,
          %add3A_491 = arith.constant 656 : i32
          %add3A_492 = arith.addi %mul3A_101, %add3A_491 : i32
          %multiple_of3A_493 = tpu.assume_multiple %add3A_492, 16 : i32
          %get3A_494 = arith.index_cast %multiple_of3A_493 : i32 to index
          %get3A_495 = tpu.vector_load %arg17[%get3A_494] {strides = array<i32>} : memref<16384xf32, #tpu.memory_space<vmem>>, vector<16xf32>,
          %add3A_496 = arith.constant 16 : i32
          %add3A_497 = arith.addi %squeeze3A_481, %add3A_496 : i32
          %add3A_498 = vector.broadcast %add3A_497 : i32 to vector<16xi32>
          %add3A_499 = arith.addi %iota3A, %add3A_498 : vector<16xi32>
          tpu.vector_store_idx %arg18[%add3A_499], %get3A_495 {add = true} : memref<16384xf32, #tpu.memory_space<vmem>>[vector<16xi32>], vector<16xf32>,
          %add3A_500 = arith.constant 672 : i32
          %add3A_501 = arith.addi %mul3A_101, %add3A_500 : i32
          %multiple_of3A_502 = tpu.assume_multiple %add3A_501, 16 : i32
          %get3A_503 = arith.index_cast %multiple_of3A_502 : i32 to index
          %get3A_504 = tpu.vector_load %arg17[%get3A_503] {strides = array<i32>} : memref<16384xf32, #tpu.memory_space<vmem>>, vector<16xf32>,
          %add3A_505 = arith.constant 32 : i32
          %add3A_506 = arith.addi %squeeze3A_481, %add3A_505 : i32
          %add3A_507 = vector.broadcast %add3A_506 : i32 to vector<16xi32>
          %add3A_508 = arith.addi %iota3A, %add3A_507 : vector<16xi32>
          tpu.vector_store_idx %arg18[%add3A_508], %get3A_504 {add = true} : memref<16384xf32, #tpu.memory_space<vmem>>[vector<16xi32>], vector<16xf32>,
          %add3A_509 = arith.constant 688 : i32
          %add3A_510 = arith.addi %mul3A_101, %add3A_509 : i32
          %multiple_of3A_511 = tpu.assume_multiple %add3A_510, 16 : i32
          %get3A_512 = arith.index_cast %multiple_of3A_511 : i32 to index
          %get3A_513 = tpu.vector_load %arg17[%get3A_512] {strides = array<i32>} : memref<16384xf32, #tpu.memory_space<vmem>>, vector<16xf32>,
          %add3A_514 = arith.constant 48 : i32
          %add3A_515 = arith.addi %squeeze3A_481, %add3A_514 : i32
          %add3A_516 = vector.broadcast %add3A_515 : i32 to vector<16xi32>
          %add3A_517 = arith.addi %iota3A, %add3A_516 : vector<16xi32>
          tpu.vector_store_idx %arg18[%add3A_517], %get3A_513 {add = true} : memref<16384xf32, #tpu.memory_space<vmem>>[vector<16xi32>], vector<16xf32>,
          %slice3A_518 = vector.extract_strided_slice %mul3A_99 {offsets = [11], sizes = [1], strides = [1]} : vector<16xi32> to vector<1xi32>
          %squeeze3A_519 = vector.extract %slice3A_518[0] : i32 from vector<1xi32>
          %add3A_520 = arith.constant 704 : i32
          %add3A_521 = arith.addi %mul3A_101, %add3A_520 : i32
          %multiple_of3A_522 = tpu.assume_multiple %add3A_521, 16 : i32
          %get3A_523 = arith.index_cast %multiple_of3A_522 : i32 to index
          %get3A_524 = tpu.vector_load %arg17[%get3A_523] {strides = array<i32>} : memref<16384xf32, #tpu.memory_space<vmem>>, vector<16xf32>,
          %add3A_525 = arith.constant 0 : i32
          %add3A_526 = arith.addi %squeeze3A_519, %add3A_525 : i32
          %add3A_527 = vector.broadcast %add3A_526 : i32 to vector<16xi32>
          %add3A_528 = arith.addi %iota3A, %add3A_527 : vector<16xi32>
          tpu.vector_store_idx %arg18[%add3A_528], %get3A_524 {add = true} : memref<16384xf32, #tpu.memory_space<vmem>>[vector<16xi32>], vector<16xf32>,
          %add3A_529 = arith.constant 720 : i32
          %add3A_530 = arith.addi %mul3A_101, %add3A_529 : i32
          %multiple_of3A_531 = tpu.assume_multiple %add3A_530, 16 : i32
          %get3A_532 = arith.index_cast %multiple_of3A_531 : i32 to index
          %get3A_533 = tpu.vector_load %arg17[%get3A_532] {strides = array<i32>} : memref<16384xf32, #tpu.memory_space<vmem>>, vector<16xf32>,
          %add3A_534 = arith.constant 16 : i32
          %add3A_535 = arith.addi %squeeze3A_519, %add3A_534 : i32
          %add3A_536 = vector.broadcast %add3A_535 : i32 to vector<16xi32>
          %add3A_537 = arith.addi %iota3A, %add3A_536 : vector<16xi32>
          tpu.vector_store_idx %arg18[%add3A_537], %get3A_533 {add = true} : memref<16384xf32, #tpu.memory_space<vmem>>[vector<16xi32>], vector<16xf32>,
          %add3A_538 = arith.constant 736 : i32
          %add3A_539 = arith.addi %mul3A_101, %add3A_538 : i32
          %multiple_of3A_540 = tpu.assume_multiple %add3A_539, 16 : i32
          %get3A_541 = arith.index_cast %multiple_of3A_540 : i32 to index
          %get3A_542 = tpu.vector_load %arg17[%get3A_541] {strides = array<i32>} : memref<16384xf32, #tpu.memory_space<vmem>>, vector<16xf32>,
          %add3A_543 = arith.constant 32 : i32
          %add3A_544 = arith.addi %squeeze3A_519, %add3A_543 : i32
          %add3A_545 = vector.broadcast %add3A_544 : i32 to vector<16xi32>
          %add3A_546 = arith.addi %iota3A, %add3A_545 : vector<16xi32>
          tpu.vector_store_idx %arg18[%add3A_546], %get3A_542 {add = true} : memref<16384xf32, #tpu.memory_space<vmem>>[vector<16xi32>], vector<16xf32>,
          %add3A_547 = arith.constant 752 : i32
          %add3A_548 = arith.addi %mul3A_101, %add3A_547 : i32
          %multiple_of3A_549 = tpu.assume_multiple %add3A_548, 16 : i32
          %get3A_550 = arith.index_cast %multiple_of3A_549 : i32 to index
          %get3A_551 = tpu.vector_load %arg17[%get3A_550] {strides = array<i32>} : memref<16384xf32, #tpu.memory_space<vmem>>, vector<16xf32>,
          %add3A_552 = arith.constant 48 : i32
          %add3A_553 = arith.addi %squeeze3A_519, %add3A_552 : i32
          %add3A_554 = vector.broadcast %add3A_553 : i32 to vector<16xi32>
          %add3A_555 = arith.addi %iota3A, %add3A_554 : vector<16xi32>
          tpu.vector_store_idx %arg18[%add3A_555], %get3A_551 {add = true} : memref<16384xf32, #tpu.memory_space<vmem>>[vector<16xi32>], vector<16xf32>,
          %slice3A_556 = vector.extract_strided_slice %mul3A_99 {offsets = [12], sizes = [1], strides = [1]} : vector<16xi32> to vector<1xi32>
          %squeeze3A_557 = vector.extract %slice3A_556[0] : i32 from vector<1xi32>
          %add3A_558 = arith.constant 768 : i32
          %add3A_559 = arith.addi %mul3A_101, %add3A_558 : i32
          %multiple_of3A_560 = tpu.assume_multiple %add3A_559, 16 : i32
          %get3A_561 = arith.index_cast %multiple_of3A_560 : i32 to index
          %get3A_562 = tpu.vector_load %arg17[%get3A_561] {strides = array<i32>} : memref<16384xf32, #tpu.memory_space<vmem>>, vector<16xf32>,
          %add3A_563 = arith.constant 0 : i32
          %add3A_564 = arith.addi %squeeze3A_557, %add3A_563 : i32
          %add3A_565 = vector.broadcast %add3A_564 : i32 to vector<16xi32>
          %add3A_566 = arith.addi %iota3A, %add3A_565 : vector<16xi32>
          tpu.vector_store_idx %arg18[%add3A_566], %get3A_562 {add = true} : memref<16384xf32, #tpu.memory_space<vmem>>[vector<16xi32>], vector<16xf32>,
          %add3A_567 = arith.constant 784 : i32
          %add3A_568 = arith.addi %mul3A_101, %add3A_567 : i32
          %multiple_of3A_569 = tpu.assume_multiple %add3A_568, 16 : i32
          %get3A_570 = arith.index_cast %multiple_of3A_569 : i32 to index
          %get3A_571 = tpu.vector_load %arg17[%get3A_570] {strides = array<i32>} : memref<16384xf32, #tpu.memory_space<vmem>>, vector<16xf32>,
          %add3A_572 = arith.constant 16 : i32
          %add3A_573 = arith.addi %squeeze3A_557, %add3A_572 : i32
          %add3A_574 = vector.broadcast %add3A_573 : i32 to vector<16xi32>
          %add3A_575 = arith.addi %iota3A, %add3A_574 : vector<16xi32>
          tpu.vector_store_idx %arg18[%add3A_575], %get3A_571 {add = true} : memref<16384xf32, #tpu.memory_space<vmem>>[vector<16xi32>], vector<16xf32>,
          %add3A_576 = arith.constant 800 : i32
          %add3A_577 = arith.addi %mul3A_101, %add3A_576 : i32
          %multiple_of3A_578 = tpu.assume_multiple %add3A_577, 16 : i32
          %get3A_579 = arith.index_cast %multiple_of3A_578 : i32 to index
          %get3A_580 = tpu.vector_load %arg17[%get3A_579] {strides = array<i32>} : memref<16384xf32, #tpu.memory_space<vmem>>, vector<16xf32>,
          %add3A_581 = arith.constant 32 : i32
          %add3A_582 = arith.addi %squeeze3A_557, %add3A_581 : i32
          %add3A_583 = vector.broadcast %add3A_582 : i32 to vector<16xi32>
          %add3A_584 = arith.addi %iota3A, %add3A_583 : vector<16xi32>
          tpu.vector_store_idx %arg18[%add3A_584], %get3A_580 {add = true} : memref<16384xf32, #tpu.memory_space<vmem>>[vector<16xi32>], vector<16xf32>,
          %add3A_585 = arith.constant 816 : i32
          %add3A_586 = arith.addi %mul3A_101, %add3A_585 : i32
          %multiple_of3A_587 = tpu.assume_multiple %add3A_586, 16 : i32
          %get3A_588 = arith.index_cast %multiple_of3A_587 : i32 to index
          %get3A_589 = tpu.vector_load %arg17[%get3A_588] {strides = array<i32>} : memref<16384xf32, #tpu.memory_space<vmem>>, vector<16xf32>,
          %add3A_590 = arith.constant 48 : i32
          %add3A_591 = arith.addi %squeeze3A_557, %add3A_590 : i32
          %add3A_592 = vector.broadcast %add3A_591 : i32 to vector<16xi32>
          %add3A_593 = arith.addi %iota3A, %add3A_592 : vector<16xi32>
          tpu.vector_store_idx %arg18[%add3A_593], %get3A_589 {add = true} : memref<16384xf32, #tpu.memory_space<vmem>>[vector<16xi32>], vector<16xf32>,
          %slice3A_594 = vector.extract_strided_slice %mul3A_99 {offsets = [13], sizes = [1], strides = [1]} : vector<16xi32> to vector<1xi32>
          %squeeze3A_595 = vector.extract %slice3A_594[0] : i32 from vector<1xi32>
          %add3A_596 = arith.constant 832 : i32
          %add3A_597 = arith.addi %mul3A_101, %add3A_596 : i32
          %multiple_of3A_598 = tpu.assume_multiple %add3A_597, 16 : i32
          %get3A_599 = arith.index_cast %multiple_of3A_598 : i32 to index
          %get3A_600 = tpu.vector_load %arg17[%get3A_599] {strides = array<i32>} : memref<16384xf32, #tpu.memory_space<vmem>>, vector<16xf32>,
          %add3A_601 = arith.constant 0 : i32
          %add3A_602 = arith.addi %squeeze3A_595, %add3A_601 : i32
          %add3A_603 = vector.broadcast %add3A_602 : i32 to vector<16xi32>
          %add3A_604 = arith.addi %iota3A, %add3A_603 : vector<16xi32>
          tpu.vector_store_idx %arg18[%add3A_604], %get3A_600 {add = true} : memref<16384xf32, #tpu.memory_space<vmem>>[vector<16xi32>], vector<16xf32>,
          %add3A_605 = arith.constant 848 : i32
          %add3A_606 = arith.addi %mul3A_101, %add3A_605 : i32
          %multiple_of3A_607 = tpu.assume_multiple %add3A_606, 16 : i32
          %get3A_608 = arith.index_cast %multiple_of3A_607 : i32 to index
          %get3A_609 = tpu.vector_load %arg17[%get3A_608] {strides = array<i32>} : memref<16384xf32, #tpu.memory_space<vmem>>, vector<16xf32>,
          %add3A_610 = arith.constant 16 : i32
          %add3A_611 = arith.addi %squeeze3A_595, %add3A_610 : i32
          %add3A_612 = vector.broadcast %add3A_611 : i32 to vector<16xi32>
          %add3A_613 = arith.addi %iota3A, %add3A_612 : vector<16xi32>
          tpu.vector_store_idx %arg18[%add3A_613], %get3A_609 {add = true} : memref<16384xf32, #tpu.memory_space<vmem>>[vector<16xi32>], vector<16xf32>,
          %add3A_614 = arith.constant 864 : i32
          %add3A_615 = arith.addi %mul3A_101, %add3A_614 : i32
          %multiple_of3A_616 = tpu.assume_multiple %add3A_615, 16 : i32
          %get3A_617 = arith.index_cast %multiple_of3A_616 : i32 to index
          %get3A_618 = tpu.vector_load %arg17[%get3A_617] {strides = array<i32>} : memref<16384xf32, #tpu.memory_space<vmem>>, vector<16xf32>,
          %add3A_619 = arith.constant 32 : i32
          %add3A_620 = arith.addi %squeeze3A_595, %add3A_619 : i32
          %add3A_621 = vector.broadcast %add3A_620 : i32 to vector<16xi32>
          %add3A_622 = arith.addi %iota3A, %add3A_621 : vector<16xi32>
          tpu.vector_store_idx %arg18[%add3A_622], %get3A_618 {add = true} : memref<16384xf32, #tpu.memory_space<vmem>>[vector<16xi32>], vector<16xf32>,
          %add3A_623 = arith.constant 880 : i32
          %add3A_624 = arith.addi %mul3A_101, %add3A_623 : i32
          %multiple_of3A_625 = tpu.assume_multiple %add3A_624, 16 : i32
          %get3A_626 = arith.index_cast %multiple_of3A_625 : i32 to index
          %get3A_627 = tpu.vector_load %arg17[%get3A_626] {strides = array<i32>} : memref<16384xf32, #tpu.memory_space<vmem>>, vector<16xf32>,
          %add3A_628 = arith.constant 48 : i32
          %add3A_629 = arith.addi %squeeze3A_595, %add3A_628 : i32
          %add3A_630 = vector.broadcast %add3A_629 : i32 to vector<16xi32>
          %add3A_631 = arith.addi %iota3A, %add3A_630 : vector<16xi32>
          tpu.vector_store_idx %arg18[%add3A_631], %get3A_627 {add = true} : memref<16384xf32, #tpu.memory_space<vmem>>[vector<16xi32>], vector<16xf32>,
          %slice3A_632 = vector.extract_strided_slice %mul3A_99 {offsets = [14], sizes = [1], strides = [1]} : vector<16xi32> to vector<1xi32>
          %squeeze3A_633 = vector.extract %slice3A_632[0] : i32 from vector<1xi32>
          %add3A_634 = arith.constant 896 : i32
          %add3A_635 = arith.addi %mul3A_101, %add3A_634 : i32
          %multiple_of3A_636 = tpu.assume_multiple %add3A_635, 16 : i32
          %get3A_637 = arith.index_cast %multiple_of3A_636 : i32 to index
          %get3A_638 = tpu.vector_load %arg17[%get3A_637] {strides = array<i32>} : memref<16384xf32, #tpu.memory_space<vmem>>, vector<16xf32>,
          %add3A_639 = arith.constant 0 : i32
          %add3A_640 = arith.addi %squeeze3A_633, %add3A_639 : i32
          %add3A_641 = vector.broadcast %add3A_640 : i32 to vector<16xi32>
          %add3A_642 = arith.addi %iota3A, %add3A_641 : vector<16xi32>
          tpu.vector_store_idx %arg18[%add3A_642], %get3A_638 {add = true} : memref<16384xf32, #tpu.memory_space<vmem>>[vector<16xi32>], vector<16xf32>,
          %add3A_643 = arith.constant 912 : i32
          %add3A_644 = arith.addi %mul3A_101, %add3A_643 : i32
          %multiple_of3A_645 = tpu.assume_multiple %add3A_644, 16 : i32
          %get3A_646 = arith.index_cast %multiple_of3A_645 : i32 to index
          %get3A_647 = tpu.vector_load %arg17[%get3A_646] {strides = array<i32>} : memref<16384xf32, #tpu.memory_space<vmem>>, vector<16xf32>,
          %add3A_648 = arith.constant 16 : i32
          %add3A_649 = arith.addi %squeeze3A_633, %add3A_648 : i32
          %add3A_650 = vector.broadcast %add3A_649 : i32 to vector<16xi32>
          %add3A_651 = arith.addi %iota3A, %add3A_650 : vector<16xi32>
          tpu.vector_store_idx %arg18[%add3A_651], %get3A_647 {add = true} : memref<16384xf32, #tpu.memory_space<vmem>>[vector<16xi32>], vector<16xf32>,
          %add3A_652 = arith.constant 928 : i32
          %add3A_653 = arith.addi %mul3A_101, %add3A_652 : i32
          %multiple_of3A_654 = tpu.assume_multiple %add3A_653, 16 : i32
          %get3A_655 = arith.index_cast %multiple_of3A_654 : i32 to index
          %get3A_656 = tpu.vector_load %arg17[%get3A_655] {strides = array<i32>} : memref<16384xf32, #tpu.memory_space<vmem>>, vector<16xf32>,
          %add3A_657 = arith.constant 32 : i32
          %add3A_658 = arith.addi %squeeze3A_633, %add3A_657 : i32
          %add3A_659 = vector.broadcast %add3A_658 : i32 to vector<16xi32>
          %add3A_660 = arith.addi %iota3A, %add3A_659 : vector<16xi32>
          tpu.vector_store_idx %arg18[%add3A_660], %get3A_656 {add = true} : memref<16384xf32, #tpu.memory_space<vmem>>[vector<16xi32>], vector<16xf32>,
          %add3A_661 = arith.constant 944 : i32
          %add3A_662 = arith.addi %mul3A_101, %add3A_661 : i32
          %multiple_of3A_663 = tpu.assume_multiple %add3A_662, 16 : i32
          %get3A_664 = arith.index_cast %multiple_of3A_663 : i32 to index
          %get3A_665 = tpu.vector_load %arg17[%get3A_664] {strides = array<i32>} : memref<16384xf32, #tpu.memory_space<vmem>>, vector<16xf32>,
          %add3A_666 = arith.constant 48 : i32
          %add3A_667 = arith.addi %squeeze3A_633, %add3A_666 : i32
          %add3A_668 = vector.broadcast %add3A_667 : i32 to vector<16xi32>
          %add3A_669 = arith.addi %iota3A, %add3A_668 : vector<16xi32>
          tpu.vector_store_idx %arg18[%add3A_669], %get3A_665 {add = true} : memref<16384xf32, #tpu.memory_space<vmem>>[vector<16xi32>], vector<16xf32>,
          %slice3A_670 = vector.extract_strided_slice %mul3A_99 {offsets = [15], sizes = [1], strides = [1]} : vector<16xi32> to vector<1xi32>
          %squeeze3A_671 = vector.extract %slice3A_670[0] : i32 from vector<1xi32>
          %add3A_672 = arith.constant 960 : i32
          %add3A_673 = arith.addi %mul3A_101, %add3A_672 : i32
          %multiple_of3A_674 = tpu.assume_multiple %add3A_673, 16 : i32
          %get3A_675 = arith.index_cast %multiple_of3A_674 : i32 to index
          %get3A_676 = tpu.vector_load %arg17[%get3A_675] {strides = array<i32>} : memref<16384xf32, #tpu.memory_space<vmem>>, vector<16xf32>,
          %add3A_677 = arith.constant 0 : i32
          %add3A_678 = arith.addi %squeeze3A_671, %add3A_677 : i32
          %add3A_679 = vector.broadcast %add3A_678 : i32 to vector<16xi32>
          %add3A_680 = arith.addi %iota3A, %add3A_679 : vector<16xi32>
          tpu.vector_store_idx %arg18[%add3A_680], %get3A_676 {add = true} : memref<16384xf32, #tpu.memory_space<vmem>>[vector<16xi32>], vector<16xf32>,
          %add3A_681 = arith.constant 976 : i32
          %add3A_682 = arith.addi %mul3A_101, %add3A_681 : i32
          %multiple_of3A_683 = tpu.assume_multiple %add3A_682, 16 : i32
          %get3A_684 = arith.index_cast %multiple_of3A_683 : i32 to index
          %get3A_685 = tpu.vector_load %arg17[%get3A_684] {strides = array<i32>} : memref<16384xf32, #tpu.memory_space<vmem>>, vector<16xf32>,
          %add3A_686 = arith.constant 16 : i32
          %add3A_687 = arith.addi %squeeze3A_671, %add3A_686 : i32
          %add3A_688 = vector.broadcast %add3A_687 : i32 to vector<16xi32>
          %add3A_689 = arith.addi %iota3A, %add3A_688 : vector<16xi32>
          tpu.vector_store_idx %arg18[%add3A_689], %get3A_685 {add = true} : memref<16384xf32, #tpu.memory_space<vmem>>[vector<16xi32>], vector<16xf32>,
          %add3A_690 = arith.constant 992 : i32
          %add3A_691 = arith.addi %mul3A_101, %add3A_690 : i32
          %multiple_of3A_692 = tpu.assume_multiple %add3A_691, 16 : i32
          %get3A_693 = arith.index_cast %multiple_of3A_692 : i32 to index
          %get3A_694 = tpu.vector_load %arg17[%get3A_693] {strides = array<i32>} : memref<16384xf32, #tpu.memory_space<vmem>>, vector<16xf32>,
          %add3A_695 = arith.constant 32 : i32
          %add3A_696 = arith.addi %squeeze3A_671, %add3A_695 : i32
          %add3A_697 = vector.broadcast %add3A_696 : i32 to vector<16xi32>
          %add3A_698 = arith.addi %iota3A, %add3A_697 : vector<16xi32>
          tpu.vector_store_idx %arg18[%add3A_698], %get3A_694 {add = true} : memref<16384xf32, #tpu.memory_space<vmem>>[vector<16xi32>], vector<16xf32>,
          %add3A_699 = arith.constant 1008 : i32
          %add3A_700 = arith.addi %mul3A_101, %add3A_699 : i32
          %multiple_of3A_701 = tpu.assume_multiple %add3A_700, 16 : i32
          %get3A_702 = arith.index_cast %multiple_of3A_701 : i32 to index
          %get3A_703 = tpu.vector_load %arg17[%get3A_702] {strides = array<i32>} : memref<16384xf32, #tpu.memory_space<vmem>>, vector<16xf32>,
          %add3A_704 = arith.constant 48 : i32
          %add3A_705 = arith.addi %squeeze3A_671, %add3A_704 : i32
          %add3A_706 = vector.broadcast %add3A_705 : i32 to vector<16xi32>
          %add3A_707 = arith.addi %iota3A, %add3A_706 : vector<16xi32>
          tpu.vector_store_idx %arg18[%add3A_707], %get3A_703 {add = true} : memref<16384xf32, #tpu.memory_space<vmem>>[vector<16xi32>], vector<16xf32>,
        }
        %scan3A_92 = arith.constant 16 : i32
      } else {
      }
    }
    %scan3A_26 = arith.constant 7 : i32
    %lt3A_27 = arith.constant 3125 : i32
    %lt3A_28 = arith.cmpi slt, %add3A, %lt3A_27 : i32
    %convert_element_type3A_29 = arith.extui %lt3A_28 : i1 to i32
    %cond3A_30 = arith.constant 0 : i32
    %cond3A_31 = arith.cmpi ne, %convert_element_type3A_29, %cond3A_30 : i32
    scf.if %cond3A_31 {
      %mul3A_38 = arith.constant 512 : i32
      %mul3A_39 = arith.muli %add3A, %mul3A_38 : i32
      %dma_start3A = tpu.memref_slice %arg4[%mul3A_39] : memref<1600000xi32, #tpu.memory_space<hbm>> -> memref<512xi32, #tpu.memory_space<hbm>>
      %dma_start3A_40 = tpu.memref_slice %arg4[%mul3A_39] : memref<1600000xi32, #tpu.memory_space<hbm>> -> memref<512xi32, #tpu.memory_space<hbm>>
      tpu.enqueue_dma source(%dma_start3A_40 : memref<512xi32, #tpu.memory_space<hbm>>) target(%arg10 : memref<512xi32, #tpu.memory_space<vmem>>) target_semaphore(%arg20 : memref<!tpu.dma_semaphore, #tpu.memory_space<semaphore_mem>>)
      %mul3A_41 = arith.constant 512 : i32
      %mul3A_42 = arith.muli %add3A, %mul3A_41 : i32
      %mul3A_43 = arith.constant 32 : i32
      %mul3A_44 = arith.muli %mul3A_42, %mul3A_43 : i32
      %dma_start3A_45 = tpu.memref_slice %arg5[%mul3A_44] : memref<51200000xf32, #tpu.memory_space<hbm>> -> memref<16384xf32, #tpu.memory_space<hbm>>
      %dma_start3A_46 = tpu.memref_slice %arg5[%mul3A_44] : memref<51200000xf32, #tpu.memory_space<hbm>> -> memref<16384xf32, #tpu.memory_space<hbm>>
      tpu.enqueue_dma source(%dma_start3A_46 : memref<16384xf32, #tpu.memory_space<hbm>>) target(%arg12 : memref<16384xf32, #tpu.memory_space<vmem>>) target_semaphore(%arg20 : memref<!tpu.dma_semaphore, #tpu.memory_space<semaphore_mem>>)
    } else {
    }
    %scan3A_32 = arith.constant 0 : i32
    %scan3A_33 = arith.constant 0 : i32
    %scan3A_34 = arith.constant 49 : i32
    %scan3A_35 = arith.addi %scan3A_33, %scan3A_34 : i32
    %scan3A_36 = arith.constant 1 : i32
    scf.for %scan3A_38 = %scan3A_33 to %scan3A_35 step %scan3A_36  : i32 {
      %mul3A_39 = arith.constant 2 : i32
      %mul3A_40 = arith.muli %mul3A_39, %scan3A_38 : i32
      %mul3A_41 = arith.constant 32 : i32
      %mul3A_42 = arith.muli %mul3A_41, %mul3A_40 : i32
      %add3A_43 = arith.addi %add3A, %mul3A_42 : i32
      %mul3A_44 = arith.constant 2 : i32
      %mul3A_45 = arith.muli %mul3A_44, %scan3A_38 : i32
      %add3A_46 = arith.constant 1 : i32
      %add3A_47 = arith.addi %mul3A_45, %add3A_46 : i32
      %mul3A_48 = arith.constant 32 : i32
      %mul3A_49 = arith.muli %mul3A_48, %add3A_47 : i32
      %add3A_50 = arith.addi %add3A, %mul3A_49 : i32
      %mul3A_51 = arith.constant 2 : i32
      %mul3A_52 = arith.muli %mul3A_51, %scan3A_38 : i32
      %add3A_53 = arith.constant 2 : i32
      %add3A_54 = arith.addi %mul3A_52, %add3A_53 : i32
      %mul3A_55 = arith.constant 32 : i32
      %mul3A_56 = arith.muli %mul3A_55, %add3A_54 : i32
      %add3A_57 = arith.addi %add3A, %mul3A_56 : i32
      %lt3A_58 = arith.constant 3125 : i32
      %lt3A_59 = arith.cmpi slt, %add3A_50, %lt3A_58 : i32
      %convert_element_type3A_60 = arith.extui %lt3A_59 : i1 to i32
      %cond3A_61 = arith.constant 0 : i32
      %cond3A_62 = arith.cmpi ne, %convert_element_type3A_60, %cond3A_61 : i32
      scf.if %cond3A_62 {
        %mul3A_78 = arith.constant 512 : i32
        %mul3A_79 = arith.muli %add3A_50, %mul3A_78 : i32
        %dma_start3A = tpu.memref_slice %arg4[%mul3A_79] : memref<1600000xi32, #tpu.memory_space<hbm>> -> memref<512xi32, #tpu.memory_space<hbm>>
        %dma_start3A_80 = tpu.memref_slice %arg4[%mul3A_79] : memref<1600000xi32, #tpu.memory_space<hbm>> -> memref<512xi32, #tpu.memory_space<hbm>>
        tpu.enqueue_dma source(%dma_start3A_80 : memref<512xi32, #tpu.memory_space<hbm>>) target(%arg11 : memref<512xi32, #tpu.memory_space<vmem>>) target_semaphore(%arg21 : memref<!tpu.dma_semaphore, #tpu.memory_space<semaphore_mem>>)
        %mul3A_81 = arith.constant 512 : i32
        %mul3A_82 = arith.muli %add3A_50, %mul3A_81 : i32
        %mul3A_83 = arith.constant 32 : i32
        %mul3A_84 = arith.muli %mul3A_82, %mul3A_83 : i32
        %dma_start3A_85 = tpu.memref_slice %arg5[%mul3A_84] : memref<51200000xf32, #tpu.memory_space<hbm>> -> memref<16384xf32, #tpu.memory_space<hbm>>
        %dma_start3A_86 = tpu.memref_slice %arg5[%mul3A_84] : memref<51200000xf32, #tpu.memory_space<hbm>> -> memref<16384xf32, #tpu.memory_space<hbm>>
        tpu.enqueue_dma source(%dma_start3A_86 : memref<16384xf32, #tpu.memory_space<hbm>>) target(%arg13 : memref<16384xf32, #tpu.memory_space<vmem>>) target_semaphore(%arg21 : memref<!tpu.dma_semaphore, #tpu.memory_space<semaphore_mem>>)
      } else {
      }
      %lt3A_63 = arith.constant 3125 : i32
      %lt3A_64 = arith.cmpi slt, %add3A_43, %lt3A_63 : i32
      %convert_element_type3A_65 = arith.extui %lt3A_64 : i1 to i32
      %cond3A_66 = arith.constant 0 : i32
      %cond3A_67 = arith.cmpi ne, %convert_element_type3A_65, %cond3A_66 : i32
      scf.if %cond3A_67 {
        %mul3A_78 = arith.constant 512 : i32
        %mul3A_79 = arith.muli %add3A_43, %mul3A_78 : i32
        %dma_wait3A = tpu.memref_slice %arg4[%mul3A_79] : memref<1600000xi32, #tpu.memory_space<hbm>> -> memref<512xi32, #tpu.memory_space<hbm>>
        %dma_wait3A_80 = tpu.memref_slice %arg4[%mul3A_79] : memref<1600000xi32, #tpu.memory_space<hbm>> -> memref<512xi32, #tpu.memory_space<hbm>>
        tpu.wait_dma2 semaphore(%arg20 : memref<!tpu.dma_semaphore, #tpu.memory_space<semaphore_mem>>) src(%dma_wait3A_80 : memref<512xi32, #tpu.memory_space<hbm>>) dst(%arg10 : memref<512xi32, #tpu.memory_space<vmem>>)
        %mul3A_81 = arith.constant 512 : i32
        %mul3A_82 = arith.muli %add3A_43, %mul3A_81 : i32
        %mul3A_83 = arith.constant 32 : i32
        %mul3A_84 = arith.muli %mul3A_82, %mul3A_83 : i32
        %dma_wait3A_85 = tpu.memref_slice %arg5[%mul3A_84] : memref<51200000xf32, #tpu.memory_space<hbm>> -> memref<16384xf32, #tpu.memory_space<hbm>>
        %dma_wait3A_86 = tpu.memref_slice %arg5[%mul3A_84] : memref<51200000xf32, #tpu.memory_space<hbm>> -> memref<16384xf32, #tpu.memory_space<hbm>>
        tpu.wait_dma2 semaphore(%arg20 : memref<!tpu.dma_semaphore, #tpu.memory_space<semaphore_mem>>) src(%dma_wait3A_86 : memref<16384xf32, #tpu.memory_space<hbm>>) dst(%arg12 : memref<16384xf32, #tpu.memory_space<vmem>>)
        %scan3A_87 = arith.constant 0 : i32
        %scan3A_88 = arith.constant 0 : i32
        %scan3A_89 = arith.constant 32 : i32
        %scan3A_90 = arith.addi %scan3A_88, %scan3A_89 : i32
        %scan3A_91 = arith.constant 1 : i32
        scf.for %scan3A_93 = %scan3A_88 to %scan3A_90 step %scan3A_91  : i32 {
          %mul3A_94 = arith.constant 16 : i32
          %mul3A_95 = arith.muli %scan3A_93, %mul3A_94 : i32
          %multiple_of3A = tpu.assume_multiple %mul3A_95, 16 : i32
          %get3A = arith.index_cast %multiple_of3A : i32 to index
          %get3A_96 = tpu.vector_load %arg10[%get3A] {strides = array<i32>} : memref<512xi32, #tpu.memory_space<vmem>>, vector<16xi32>,
          %shift_right_logical3A = arith.constant 2 : i32
          %shift_right_logical3A_97 = vector.broadcast %shift_right_logical3A : i32 to vector<16xi32>
          %shift_right_logical3A_98 = arith.shrui %get3A_96, %shift_right_logical3A_97 : vector<16xi32>
          %gather3A = tpu.vector_load_idx %arg9[%shift_right_logical3A_98] : memref<25024xi32, #tpu.memory_space<vmem>>[vector<16xi32>], vector<16xi32>,
          %and3A = arith.constant 3 : i32
          %and3A_99 = vector.broadcast %and3A : i32 to vector<16xi32>
          %and3A_100 = arith.andi %get3A_96, %and3A_99 : vector<16xi32>
          %shift_left3A = arith.constant 3 : i32
          %shift_left3A_101 = vector.broadcast %shift_left3A : i32 to vector<16xi32>
          %shift_left3A_102 = arith.shli %and3A_100, %shift_left3A_101 : vector<16xi32>
          %shift_right_logical3A_103 = arith.shrui %gather3A, %shift_left3A_102 : vector<16xi32>
          %and3A_104 = arith.constant 255 : i32
          %and3A_105 = vector.broadcast %and3A_104 : i32 to vector<16xi32>
          %and3A_106 = arith.andi %shift_right_logical3A_103, %and3A_105 : vector<16xi32>
          %mul3A_107 = arith.constant 32 : i32
          %mul3A_108 = vector.broadcast %mul3A_107 : i32 to vector<16xi32>
          %mul3A_109 = arith.muli %and3A_106, %mul3A_108 : vector<16xi32>
          %mul3A_110 = arith.constant 512 : i32
          %mul3A_111 = arith.muli %scan3A_93, %mul3A_110 : i32
          %slice3A = vector.extract_strided_slice %mul3A_109 {offsets = [0], sizes = [1], strides = [1]} : vector<16xi32> to vector<1xi32>
          %squeeze3A = vector.extract %slice3A[0] : i32 from vector<1xi32>
          %add3A_112 = arith.constant 0 : i32
          %add3A_113 = arith.addi %mul3A_111, %add3A_112 : i32
          %multiple_of3A_114 = tpu.assume_multiple %add3A_113, 16 : i32
          %get3A_115 = arith.index_cast %multiple_of3A_114 : i32 to index
          %get3A_116 = tpu.vector_load %arg12[%get3A_115] {strides = array<i32>} : memref<16384xf32, #tpu.memory_space<vmem>>, vector<16xf32>,
          %add3A_117 = arith.constant 0 : i32
          %add3A_118 = arith.addi %squeeze3A, %add3A_117 : i32
          %add3A_119 = vector.broadcast %add3A_118 : i32 to vector<16xi32>
          %add3A_120 = arith.addi %iota3A, %add3A_119 : vector<16xi32>
          tpu.vector_store_idx %arg19[%add3A_120], %get3A_116 {add = true} : memref<8192xf32, #tpu.memory_space<vmem>>[vector<16xi32>], vector<16xf32>,
          %add3A_121 = arith.constant 16 : i32
          %add3A_122 = arith.addi %mul3A_111, %add3A_121 : i32
          %multiple_of3A_123 = tpu.assume_multiple %add3A_122, 16 : i32
          %get3A_124 = arith.index_cast %multiple_of3A_123 : i32 to index
          %get3A_125 = tpu.vector_load %arg12[%get3A_124] {strides = array<i32>} : memref<16384xf32, #tpu.memory_space<vmem>>, vector<16xf32>,
          %add3A_126 = arith.constant 16 : i32
          %add3A_127 = arith.addi %squeeze3A, %add3A_126 : i32
          %add3A_128 = vector.broadcast %add3A_127 : i32 to vector<16xi32>
          %add3A_129 = arith.addi %iota3A, %add3A_128 : vector<16xi32>
          tpu.vector_store_idx %arg19[%add3A_129], %get3A_125 {add = true} : memref<8192xf32, #tpu.memory_space<vmem>>[vector<16xi32>], vector<16xf32>,
          %slice3A_130 = vector.extract_strided_slice %mul3A_109 {offsets = [1], sizes = [1], strides = [1]} : vector<16xi32> to vector<1xi32>
          %squeeze3A_131 = vector.extract %slice3A_130[0] : i32 from vector<1xi32>
          %add3A_132 = arith.constant 32 : i32
          %add3A_133 = arith.addi %mul3A_111, %add3A_132 : i32
          %multiple_of3A_134 = tpu.assume_multiple %add3A_133, 16 : i32
          %get3A_135 = arith.index_cast %multiple_of3A_134 : i32 to index
          %get3A_136 = tpu.vector_load %arg12[%get3A_135] {strides = array<i32>} : memref<16384xf32, #tpu.memory_space<vmem>>, vector<16xf32>,
          %add3A_137 = arith.constant 0 : i32
          %add3A_138 = arith.addi %squeeze3A_131, %add3A_137 : i32
          %add3A_139 = vector.broadcast %add3A_138 : i32 to vector<16xi32>
          %add3A_140 = arith.addi %iota3A, %add3A_139 : vector<16xi32>
          tpu.vector_store_idx %arg19[%add3A_140], %get3A_136 {add = true} : memref<8192xf32, #tpu.memory_space<vmem>>[vector<16xi32>], vector<16xf32>,
          %add3A_141 = arith.constant 48 : i32
          %add3A_142 = arith.addi %mul3A_111, %add3A_141 : i32
          %multiple_of3A_143 = tpu.assume_multiple %add3A_142, 16 : i32
          %get3A_144 = arith.index_cast %multiple_of3A_143 : i32 to index
          %get3A_145 = tpu.vector_load %arg12[%get3A_144] {strides = array<i32>} : memref<16384xf32, #tpu.memory_space<vmem>>, vector<16xf32>,
          %add3A_146 = arith.constant 16 : i32
          %add3A_147 = arith.addi %squeeze3A_131, %add3A_146 : i32
          %add3A_148 = vector.broadcast %add3A_147 : i32 to vector<16xi32>
          %add3A_149 = arith.addi %iota3A, %add3A_148 : vector<16xi32>
          tpu.vector_store_idx %arg19[%add3A_149], %get3A_145 {add = true} : memref<8192xf32, #tpu.memory_space<vmem>>[vector<16xi32>], vector<16xf32>,
          %slice3A_150 = vector.extract_strided_slice %mul3A_109 {offsets = [2], sizes = [1], strides = [1]} : vector<16xi32> to vector<1xi32>
          %squeeze3A_151 = vector.extract %slice3A_150[0] : i32 from vector<1xi32>
          %add3A_152 = arith.constant 64 : i32
          %add3A_153 = arith.addi %mul3A_111, %add3A_152 : i32
          %multiple_of3A_154 = tpu.assume_multiple %add3A_153, 16 : i32
          %get3A_155 = arith.index_cast %multiple_of3A_154 : i32 to index
          %get3A_156 = tpu.vector_load %arg12[%get3A_155] {strides = array<i32>} : memref<16384xf32, #tpu.memory_space<vmem>>, vector<16xf32>,
          %add3A_157 = arith.constant 0 : i32
          %add3A_158 = arith.addi %squeeze3A_151, %add3A_157 : i32
          %add3A_159 = vector.broadcast %add3A_158 : i32 to vector<16xi32>
          %add3A_160 = arith.addi %iota3A, %add3A_159 : vector<16xi32>
          tpu.vector_store_idx %arg19[%add3A_160], %get3A_156 {add = true} : memref<8192xf32, #tpu.memory_space<vmem>>[vector<16xi32>], vector<16xf32>,
          %add3A_161 = arith.constant 80 : i32
          %add3A_162 = arith.addi %mul3A_111, %add3A_161 : i32
          %multiple_of3A_163 = tpu.assume_multiple %add3A_162, 16 : i32
          %get3A_164 = arith.index_cast %multiple_of3A_163 : i32 to index
          %get3A_165 = tpu.vector_load %arg12[%get3A_164] {strides = array<i32>} : memref<16384xf32, #tpu.memory_space<vmem>>, vector<16xf32>,
          %add3A_166 = arith.constant 16 : i32
          %add3A_167 = arith.addi %squeeze3A_151, %add3A_166 : i32
          %add3A_168 = vector.broadcast %add3A_167 : i32 to vector<16xi32>
          %add3A_169 = arith.addi %iota3A, %add3A_168 : vector<16xi32>
          tpu.vector_store_idx %arg19[%add3A_169], %get3A_165 {add = true} : memref<8192xf32, #tpu.memory_space<vmem>>[vector<16xi32>], vector<16xf32>,
          %slice3A_170 = vector.extract_strided_slice %mul3A_109 {offsets = [3], sizes = [1], strides = [1]} : vector<16xi32> to vector<1xi32>
          %squeeze3A_171 = vector.extract %slice3A_170[0] : i32 from vector<1xi32>
          %add3A_172 = arith.constant 96 : i32
          %add3A_173 = arith.addi %mul3A_111, %add3A_172 : i32
          %multiple_of3A_174 = tpu.assume_multiple %add3A_173, 16 : i32
          %get3A_175 = arith.index_cast %multiple_of3A_174 : i32 to index
          %get3A_176 = tpu.vector_load %arg12[%get3A_175] {strides = array<i32>} : memref<16384xf32, #tpu.memory_space<vmem>>, vector<16xf32>,
          %add3A_177 = arith.constant 0 : i32
          %add3A_178 = arith.addi %squeeze3A_171, %add3A_177 : i32
          %add3A_179 = vector.broadcast %add3A_178 : i32 to vector<16xi32>
          %add3A_180 = arith.addi %iota3A, %add3A_179 : vector<16xi32>
          tpu.vector_store_idx %arg19[%add3A_180], %get3A_176 {add = true} : memref<8192xf32, #tpu.memory_space<vmem>>[vector<16xi32>], vector<16xf32>,
          %add3A_181 = arith.constant 112 : i32
          %add3A_182 = arith.addi %mul3A_111, %add3A_181 : i32
          %multiple_of3A_183 = tpu.assume_multiple %add3A_182, 16 : i32
          %get3A_184 = arith.index_cast %multiple_of3A_183 : i32 to index
          %get3A_185 = tpu.vector_load %arg12[%get3A_184] {strides = array<i32>} : memref<16384xf32, #tpu.memory_space<vmem>>, vector<16xf32>,
          %add3A_186 = arith.constant 16 : i32
          %add3A_187 = arith.addi %squeeze3A_171, %add3A_186 : i32
          %add3A_188 = vector.broadcast %add3A_187 : i32 to vector<16xi32>
          %add3A_189 = arith.addi %iota3A, %add3A_188 : vector<16xi32>
          tpu.vector_store_idx %arg19[%add3A_189], %get3A_185 {add = true} : memref<8192xf32, #tpu.memory_space<vmem>>[vector<16xi32>], vector<16xf32>,
          %slice3A_190 = vector.extract_strided_slice %mul3A_109 {offsets = [4], sizes = [1], strides = [1]} : vector<16xi32> to vector<1xi32>
          %squeeze3A_191 = vector.extract %slice3A_190[0] : i32 from vector<1xi32>
          %add3A_192 = arith.constant 128 : i32
          %add3A_193 = arith.addi %mul3A_111, %add3A_192 : i32
          %multiple_of3A_194 = tpu.assume_multiple %add3A_193, 16 : i32
          %get3A_195 = arith.index_cast %multiple_of3A_194 : i32 to index
          %get3A_196 = tpu.vector_load %arg12[%get3A_195] {strides = array<i32>} : memref<16384xf32, #tpu.memory_space<vmem>>, vector<16xf32>,
          %add3A_197 = arith.constant 0 : i32
          %add3A_198 = arith.addi %squeeze3A_191, %add3A_197 : i32
          %add3A_199 = vector.broadcast %add3A_198 : i32 to vector<16xi32>
          %add3A_200 = arith.addi %iota3A, %add3A_199 : vector<16xi32>
          tpu.vector_store_idx %arg19[%add3A_200], %get3A_196 {add = true} : memref<8192xf32, #tpu.memory_space<vmem>>[vector<16xi32>], vector<16xf32>,
          %add3A_201 = arith.constant 144 : i32
          %add3A_202 = arith.addi %mul3A_111, %add3A_201 : i32
          %multiple_of3A_203 = tpu.assume_multiple %add3A_202, 16 : i32
          %get3A_204 = arith.index_cast %multiple_of3A_203 : i32 to index
          %get3A_205 = tpu.vector_load %arg12[%get3A_204] {strides = array<i32>} : memref<16384xf32, #tpu.memory_space<vmem>>, vector<16xf32>,
          %add3A_206 = arith.constant 16 : i32
          %add3A_207 = arith.addi %squeeze3A_191, %add3A_206 : i32
          %add3A_208 = vector.broadcast %add3A_207 : i32 to vector<16xi32>
          %add3A_209 = arith.addi %iota3A, %add3A_208 : vector<16xi32>
          tpu.vector_store_idx %arg19[%add3A_209], %get3A_205 {add = true} : memref<8192xf32, #tpu.memory_space<vmem>>[vector<16xi32>], vector<16xf32>,
          %slice3A_210 = vector.extract_strided_slice %mul3A_109 {offsets = [5], sizes = [1], strides = [1]} : vector<16xi32> to vector<1xi32>
          %squeeze3A_211 = vector.extract %slice3A_210[0] : i32 from vector<1xi32>
          %add3A_212 = arith.constant 160 : i32
          %add3A_213 = arith.addi %mul3A_111, %add3A_212 : i32
          %multiple_of3A_214 = tpu.assume_multiple %add3A_213, 16 : i32
          %get3A_215 = arith.index_cast %multiple_of3A_214 : i32 to index
          %get3A_216 = tpu.vector_load %arg12[%get3A_215] {strides = array<i32>} : memref<16384xf32, #tpu.memory_space<vmem>>, vector<16xf32>,
          %add3A_217 = arith.constant 0 : i32
          %add3A_218 = arith.addi %squeeze3A_211, %add3A_217 : i32
          %add3A_219 = vector.broadcast %add3A_218 : i32 to vector<16xi32>
          %add3A_220 = arith.addi %iota3A, %add3A_219 : vector<16xi32>
          tpu.vector_store_idx %arg19[%add3A_220], %get3A_216 {add = true} : memref<8192xf32, #tpu.memory_space<vmem>>[vector<16xi32>], vector<16xf32>,
          %add3A_221 = arith.constant 176 : i32
          %add3A_222 = arith.addi %mul3A_111, %add3A_221 : i32
          %multiple_of3A_223 = tpu.assume_multiple %add3A_222, 16 : i32
          %get3A_224 = arith.index_cast %multiple_of3A_223 : i32 to index
          %get3A_225 = tpu.vector_load %arg12[%get3A_224] {strides = array<i32>} : memref<16384xf32, #tpu.memory_space<vmem>>, vector<16xf32>,
          %add3A_226 = arith.constant 16 : i32
          %add3A_227 = arith.addi %squeeze3A_211, %add3A_226 : i32
          %add3A_228 = vector.broadcast %add3A_227 : i32 to vector<16xi32>
          %add3A_229 = arith.addi %iota3A, %add3A_228 : vector<16xi32>
          tpu.vector_store_idx %arg19[%add3A_229], %get3A_225 {add = true} : memref<8192xf32, #tpu.memory_space<vmem>>[vector<16xi32>], vector<16xf32>,
          %slice3A_230 = vector.extract_strided_slice %mul3A_109 {offsets = [6], sizes = [1], strides = [1]} : vector<16xi32> to vector<1xi32>
          %squeeze3A_231 = vector.extract %slice3A_230[0] : i32 from vector<1xi32>
          %add3A_232 = arith.constant 192 : i32
          %add3A_233 = arith.addi %mul3A_111, %add3A_232 : i32
          %multiple_of3A_234 = tpu.assume_multiple %add3A_233, 16 : i32
          %get3A_235 = arith.index_cast %multiple_of3A_234 : i32 to index
          %get3A_236 = tpu.vector_load %arg12[%get3A_235] {strides = array<i32>} : memref<16384xf32, #tpu.memory_space<vmem>>, vector<16xf32>,
          %add3A_237 = arith.constant 0 : i32
          %add3A_238 = arith.addi %squeeze3A_231, %add3A_237 : i32
          %add3A_239 = vector.broadcast %add3A_238 : i32 to vector<16xi32>
          %add3A_240 = arith.addi %iota3A, %add3A_239 : vector<16xi32>
          tpu.vector_store_idx %arg19[%add3A_240], %get3A_236 {add = true} : memref<8192xf32, #tpu.memory_space<vmem>>[vector<16xi32>], vector<16xf32>,
          %add3A_241 = arith.constant 208 : i32
          %add3A_242 = arith.addi %mul3A_111, %add3A_241 : i32
          %multiple_of3A_243 = tpu.assume_multiple %add3A_242, 16 : i32
          %get3A_244 = arith.index_cast %multiple_of3A_243 : i32 to index
          %get3A_245 = tpu.vector_load %arg12[%get3A_244] {strides = array<i32>} : memref<16384xf32, #tpu.memory_space<vmem>>, vector<16xf32>,
          %add3A_246 = arith.constant 16 : i32
          %add3A_247 = arith.addi %squeeze3A_231, %add3A_246 : i32
          %add3A_248 = vector.broadcast %add3A_247 : i32 to vector<16xi32>
          %add3A_249 = arith.addi %iota3A, %add3A_248 : vector<16xi32>
          tpu.vector_store_idx %arg19[%add3A_249], %get3A_245 {add = true} : memref<8192xf32, #tpu.memory_space<vmem>>[vector<16xi32>], vector<16xf32>,
          %slice3A_250 = vector.extract_strided_slice %mul3A_109 {offsets = [7], sizes = [1], strides = [1]} : vector<16xi32> to vector<1xi32>
          %squeeze3A_251 = vector.extract %slice3A_250[0] : i32 from vector<1xi32>
          %add3A_252 = arith.constant 224 : i32
          %add3A_253 = arith.addi %mul3A_111, %add3A_252 : i32
          %multiple_of3A_254 = tpu.assume_multiple %add3A_253, 16 : i32
          %get3A_255 = arith.index_cast %multiple_of3A_254 : i32 to index
          %get3A_256 = tpu.vector_load %arg12[%get3A_255] {strides = array<i32>} : memref<16384xf32, #tpu.memory_space<vmem>>, vector<16xf32>,
          %add3A_257 = arith.constant 0 : i32
          %add3A_258 = arith.addi %squeeze3A_251, %add3A_257 : i32
          %add3A_259 = vector.broadcast %add3A_258 : i32 to vector<16xi32>
          %add3A_260 = arith.addi %iota3A, %add3A_259 : vector<16xi32>
          tpu.vector_store_idx %arg19[%add3A_260], %get3A_256 {add = true} : memref<8192xf32, #tpu.memory_space<vmem>>[vector<16xi32>], vector<16xf32>,
          %add3A_261 = arith.constant 240 : i32
          %add3A_262 = arith.addi %mul3A_111, %add3A_261 : i32
          %multiple_of3A_263 = tpu.assume_multiple %add3A_262, 16 : i32
          %get3A_264 = arith.index_cast %multiple_of3A_263 : i32 to index
          %get3A_265 = tpu.vector_load %arg12[%get3A_264] {strides = array<i32>} : memref<16384xf32, #tpu.memory_space<vmem>>, vector<16xf32>,
          %add3A_266 = arith.constant 16 : i32
          %add3A_267 = arith.addi %squeeze3A_251, %add3A_266 : i32
          %add3A_268 = vector.broadcast %add3A_267 : i32 to vector<16xi32>
          %add3A_269 = arith.addi %iota3A, %add3A_268 : vector<16xi32>
          tpu.vector_store_idx %arg19[%add3A_269], %get3A_265 {add = true} : memref<8192xf32, #tpu.memory_space<vmem>>[vector<16xi32>], vector<16xf32>,
          %slice3A_270 = vector.extract_strided_slice %mul3A_109 {offsets = [8], sizes = [1], strides = [1]} : vector<16xi32> to vector<1xi32>
          %squeeze3A_271 = vector.extract %slice3A_270[0] : i32 from vector<1xi32>
          %add3A_272 = arith.constant 256 : i32
          %add3A_273 = arith.addi %mul3A_111, %add3A_272 : i32
          %multiple_of3A_274 = tpu.assume_multiple %add3A_273, 16 : i32
          %get3A_275 = arith.index_cast %multiple_of3A_274 : i32 to index
          %get3A_276 = tpu.vector_load %arg12[%get3A_275] {strides = array<i32>} : memref<16384xf32, #tpu.memory_space<vmem>>, vector<16xf32>,
          %add3A_277 = arith.constant 0 : i32
          %add3A_278 = arith.addi %squeeze3A_271, %add3A_277 : i32
          %add3A_279 = vector.broadcast %add3A_278 : i32 to vector<16xi32>
          %add3A_280 = arith.addi %iota3A, %add3A_279 : vector<16xi32>
          tpu.vector_store_idx %arg19[%add3A_280], %get3A_276 {add = true} : memref<8192xf32, #tpu.memory_space<vmem>>[vector<16xi32>], vector<16xf32>,
          %add3A_281 = arith.constant 272 : i32
          %add3A_282 = arith.addi %mul3A_111, %add3A_281 : i32
          %multiple_of3A_283 = tpu.assume_multiple %add3A_282, 16 : i32
          %get3A_284 = arith.index_cast %multiple_of3A_283 : i32 to index
          %get3A_285 = tpu.vector_load %arg12[%get3A_284] {strides = array<i32>} : memref<16384xf32, #tpu.memory_space<vmem>>, vector<16xf32>,
          %add3A_286 = arith.constant 16 : i32
          %add3A_287 = arith.addi %squeeze3A_271, %add3A_286 : i32
          %add3A_288 = vector.broadcast %add3A_287 : i32 to vector<16xi32>
          %add3A_289 = arith.addi %iota3A, %add3A_288 : vector<16xi32>
          tpu.vector_store_idx %arg19[%add3A_289], %get3A_285 {add = true} : memref<8192xf32, #tpu.memory_space<vmem>>[vector<16xi32>], vector<16xf32>,
          %slice3A_290 = vector.extract_strided_slice %mul3A_109 {offsets = [9], sizes = [1], strides = [1]} : vector<16xi32> to vector<1xi32>
          %squeeze3A_291 = vector.extract %slice3A_290[0] : i32 from vector<1xi32>
          %add3A_292 = arith.constant 288 : i32
          %add3A_293 = arith.addi %mul3A_111, %add3A_292 : i32
          %multiple_of3A_294 = tpu.assume_multiple %add3A_293, 16 : i32
          %get3A_295 = arith.index_cast %multiple_of3A_294 : i32 to index
          %get3A_296 = tpu.vector_load %arg12[%get3A_295] {strides = array<i32>} : memref<16384xf32, #tpu.memory_space<vmem>>, vector<16xf32>,
          %add3A_297 = arith.constant 0 : i32
          %add3A_298 = arith.addi %squeeze3A_291, %add3A_297 : i32
          %add3A_299 = vector.broadcast %add3A_298 : i32 to vector<16xi32>
          %add3A_300 = arith.addi %iota3A, %add3A_299 : vector<16xi32>
          tpu.vector_store_idx %arg19[%add3A_300], %get3A_296 {add = true} : memref<8192xf32, #tpu.memory_space<vmem>>[vector<16xi32>], vector<16xf32>,
          %add3A_301 = arith.constant 304 : i32
          %add3A_302 = arith.addi %mul3A_111, %add3A_301 : i32
          %multiple_of3A_303 = tpu.assume_multiple %add3A_302, 16 : i32
          %get3A_304 = arith.index_cast %multiple_of3A_303 : i32 to index
          %get3A_305 = tpu.vector_load %arg12[%get3A_304] {strides = array<i32>} : memref<16384xf32, #tpu.memory_space<vmem>>, vector<16xf32>,
          %add3A_306 = arith.constant 16 : i32
          %add3A_307 = arith.addi %squeeze3A_291, %add3A_306 : i32
          %add3A_308 = vector.broadcast %add3A_307 : i32 to vector<16xi32>
          %add3A_309 = arith.addi %iota3A, %add3A_308 : vector<16xi32>
          tpu.vector_store_idx %arg19[%add3A_309], %get3A_305 {add = true} : memref<8192xf32, #tpu.memory_space<vmem>>[vector<16xi32>], vector<16xf32>,
          %slice3A_310 = vector.extract_strided_slice %mul3A_109 {offsets = [10], sizes = [1], strides = [1]} : vector<16xi32> to vector<1xi32>
          %squeeze3A_311 = vector.extract %slice3A_310[0] : i32 from vector<1xi32>
          %add3A_312 = arith.constant 320 : i32
          %add3A_313 = arith.addi %mul3A_111, %add3A_312 : i32
          %multiple_of3A_314 = tpu.assume_multiple %add3A_313, 16 : i32
          %get3A_315 = arith.index_cast %multiple_of3A_314 : i32 to index
          %get3A_316 = tpu.vector_load %arg12[%get3A_315] {strides = array<i32>} : memref<16384xf32, #tpu.memory_space<vmem>>, vector<16xf32>,
          %add3A_317 = arith.constant 0 : i32
          %add3A_318 = arith.addi %squeeze3A_311, %add3A_317 : i32
          %add3A_319 = vector.broadcast %add3A_318 : i32 to vector<16xi32>
          %add3A_320 = arith.addi %iota3A, %add3A_319 : vector<16xi32>
          tpu.vector_store_idx %arg19[%add3A_320], %get3A_316 {add = true} : memref<8192xf32, #tpu.memory_space<vmem>>[vector<16xi32>], vector<16xf32>,
          %add3A_321 = arith.constant 336 : i32
          %add3A_322 = arith.addi %mul3A_111, %add3A_321 : i32
          %multiple_of3A_323 = tpu.assume_multiple %add3A_322, 16 : i32
          %get3A_324 = arith.index_cast %multiple_of3A_323 : i32 to index
          %get3A_325 = tpu.vector_load %arg12[%get3A_324] {strides = array<i32>} : memref<16384xf32, #tpu.memory_space<vmem>>, vector<16xf32>,
          %add3A_326 = arith.constant 16 : i32
          %add3A_327 = arith.addi %squeeze3A_311, %add3A_326 : i32
          %add3A_328 = vector.broadcast %add3A_327 : i32 to vector<16xi32>
          %add3A_329 = arith.addi %iota3A, %add3A_328 : vector<16xi32>
          tpu.vector_store_idx %arg19[%add3A_329], %get3A_325 {add = true} : memref<8192xf32, #tpu.memory_space<vmem>>[vector<16xi32>], vector<16xf32>,
          %slice3A_330 = vector.extract_strided_slice %mul3A_109 {offsets = [11], sizes = [1], strides = [1]} : vector<16xi32> to vector<1xi32>
          %squeeze3A_331 = vector.extract %slice3A_330[0] : i32 from vector<1xi32>
          %add3A_332 = arith.constant 352 : i32
          %add3A_333 = arith.addi %mul3A_111, %add3A_332 : i32
          %multiple_of3A_334 = tpu.assume_multiple %add3A_333, 16 : i32
          %get3A_335 = arith.index_cast %multiple_of3A_334 : i32 to index
          %get3A_336 = tpu.vector_load %arg12[%get3A_335] {strides = array<i32>} : memref<16384xf32, #tpu.memory_space<vmem>>, vector<16xf32>,
          %add3A_337 = arith.constant 0 : i32
          %add3A_338 = arith.addi %squeeze3A_331, %add3A_337 : i32
          %add3A_339 = vector.broadcast %add3A_338 : i32 to vector<16xi32>
          %add3A_340 = arith.addi %iota3A, %add3A_339 : vector<16xi32>
          tpu.vector_store_idx %arg19[%add3A_340], %get3A_336 {add = true} : memref<8192xf32, #tpu.memory_space<vmem>>[vector<16xi32>], vector<16xf32>,
          %add3A_341 = arith.constant 368 : i32
          %add3A_342 = arith.addi %mul3A_111, %add3A_341 : i32
          %multiple_of3A_343 = tpu.assume_multiple %add3A_342, 16 : i32
          %get3A_344 = arith.index_cast %multiple_of3A_343 : i32 to index
          %get3A_345 = tpu.vector_load %arg12[%get3A_344] {strides = array<i32>} : memref<16384xf32, #tpu.memory_space<vmem>>, vector<16xf32>,
          %add3A_346 = arith.constant 16 : i32
          %add3A_347 = arith.addi %squeeze3A_331, %add3A_346 : i32
          %add3A_348 = vector.broadcast %add3A_347 : i32 to vector<16xi32>
          %add3A_349 = arith.addi %iota3A, %add3A_348 : vector<16xi32>
          tpu.vector_store_idx %arg19[%add3A_349], %get3A_345 {add = true} : memref<8192xf32, #tpu.memory_space<vmem>>[vector<16xi32>], vector<16xf32>,
          %slice3A_350 = vector.extract_strided_slice %mul3A_109 {offsets = [12], sizes = [1], strides = [1]} : vector<16xi32> to vector<1xi32>
          %squeeze3A_351 = vector.extract %slice3A_350[0] : i32 from vector<1xi32>
          %add3A_352 = arith.constant 384 : i32
          %add3A_353 = arith.addi %mul3A_111, %add3A_352 : i32
          %multiple_of3A_354 = tpu.assume_multiple %add3A_353, 16 : i32
          %get3A_355 = arith.index_cast %multiple_of3A_354 : i32 to index
          %get3A_356 = tpu.vector_load %arg12[%get3A_355] {strides = array<i32>} : memref<16384xf32, #tpu.memory_space<vmem>>, vector<16xf32>,
          %add3A_357 = arith.constant 0 : i32
          %add3A_358 = arith.addi %squeeze3A_351, %add3A_357 : i32
          %add3A_359 = vector.broadcast %add3A_358 : i32 to vector<16xi32>
          %add3A_360 = arith.addi %iota3A, %add3A_359 : vector<16xi32>
          tpu.vector_store_idx %arg19[%add3A_360], %get3A_356 {add = true} : memref<8192xf32, #tpu.memory_space<vmem>>[vector<16xi32>], vector<16xf32>,
          %add3A_361 = arith.constant 400 : i32
          %add3A_362 = arith.addi %mul3A_111, %add3A_361 : i32
          %multiple_of3A_363 = tpu.assume_multiple %add3A_362, 16 : i32
          %get3A_364 = arith.index_cast %multiple_of3A_363 : i32 to index
          %get3A_365 = tpu.vector_load %arg12[%get3A_364] {strides = array<i32>} : memref<16384xf32, #tpu.memory_space<vmem>>, vector<16xf32>,
          %add3A_366 = arith.constant 16 : i32
          %add3A_367 = arith.addi %squeeze3A_351, %add3A_366 : i32
          %add3A_368 = vector.broadcast %add3A_367 : i32 to vector<16xi32>
          %add3A_369 = arith.addi %iota3A, %add3A_368 : vector<16xi32>
          tpu.vector_store_idx %arg19[%add3A_369], %get3A_365 {add = true} : memref<8192xf32, #tpu.memory_space<vmem>>[vector<16xi32>], vector<16xf32>,
          %slice3A_370 = vector.extract_strided_slice %mul3A_109 {offsets = [13], sizes = [1], strides = [1]} : vector<16xi32> to vector<1xi32>
          %squeeze3A_371 = vector.extract %slice3A_370[0] : i32 from vector<1xi32>
          %add3A_372 = arith.constant 416 : i32
          %add3A_373 = arith.addi %mul3A_111, %add3A_372 : i32
          %multiple_of3A_374 = tpu.assume_multiple %add3A_373, 16 : i32
          %get3A_375 = arith.index_cast %multiple_of3A_374 : i32 to index
          %get3A_376 = tpu.vector_load %arg12[%get3A_375] {strides = array<i32>} : memref<16384xf32, #tpu.memory_space<vmem>>, vector<16xf32>,
          %add3A_377 = arith.constant 0 : i32
          %add3A_378 = arith.addi %squeeze3A_371, %add3A_377 : i32
          %add3A_379 = vector.broadcast %add3A_378 : i32 to vector<16xi32>
          %add3A_380 = arith.addi %iota3A, %add3A_379 : vector<16xi32>
          tpu.vector_store_idx %arg19[%add3A_380], %get3A_376 {add = true} : memref<8192xf32, #tpu.memory_space<vmem>>[vector<16xi32>], vector<16xf32>,
          %add3A_381 = arith.constant 432 : i32
          %add3A_382 = arith.addi %mul3A_111, %add3A_381 : i32
          %multiple_of3A_383 = tpu.assume_multiple %add3A_382, 16 : i32
          %get3A_384 = arith.index_cast %multiple_of3A_383 : i32 to index
          %get3A_385 = tpu.vector_load %arg12[%get3A_384] {strides = array<i32>} : memref<16384xf32, #tpu.memory_space<vmem>>, vector<16xf32>,
          %add3A_386 = arith.constant 16 : i32
          %add3A_387 = arith.addi %squeeze3A_371, %add3A_386 : i32
          %add3A_388 = vector.broadcast %add3A_387 : i32 to vector<16xi32>
          %add3A_389 = arith.addi %iota3A, %add3A_388 : vector<16xi32>
          tpu.vector_store_idx %arg19[%add3A_389], %get3A_385 {add = true} : memref<8192xf32, #tpu.memory_space<vmem>>[vector<16xi32>], vector<16xf32>,
          %slice3A_390 = vector.extract_strided_slice %mul3A_109 {offsets = [14], sizes = [1], strides = [1]} : vector<16xi32> to vector<1xi32>
          %squeeze3A_391 = vector.extract %slice3A_390[0] : i32 from vector<1xi32>
          %add3A_392 = arith.constant 448 : i32
          %add3A_393 = arith.addi %mul3A_111, %add3A_392 : i32
          %multiple_of3A_394 = tpu.assume_multiple %add3A_393, 16 : i32
          %get3A_395 = arith.index_cast %multiple_of3A_394 : i32 to index
          %get3A_396 = tpu.vector_load %arg12[%get3A_395] {strides = array<i32>} : memref<16384xf32, #tpu.memory_space<vmem>>, vector<16xf32>,
          %add3A_397 = arith.constant 0 : i32
          %add3A_398 = arith.addi %squeeze3A_391, %add3A_397 : i32
          %add3A_399 = vector.broadcast %add3A_398 : i32 to vector<16xi32>
          %add3A_400 = arith.addi %iota3A, %add3A_399 : vector<16xi32>
          tpu.vector_store_idx %arg19[%add3A_400], %get3A_396 {add = true} : memref<8192xf32, #tpu.memory_space<vmem>>[vector<16xi32>], vector<16xf32>,
          %add3A_401 = arith.constant 464 : i32
          %add3A_402 = arith.addi %mul3A_111, %add3A_401 : i32
          %multiple_of3A_403 = tpu.assume_multiple %add3A_402, 16 : i32
          %get3A_404 = arith.index_cast %multiple_of3A_403 : i32 to index
          %get3A_405 = tpu.vector_load %arg12[%get3A_404] {strides = array<i32>} : memref<16384xf32, #tpu.memory_space<vmem>>, vector<16xf32>,
          %add3A_406 = arith.constant 16 : i32
          %add3A_407 = arith.addi %squeeze3A_391, %add3A_406 : i32
          %add3A_408 = vector.broadcast %add3A_407 : i32 to vector<16xi32>
          %add3A_409 = arith.addi %iota3A, %add3A_408 : vector<16xi32>
          tpu.vector_store_idx %arg19[%add3A_409], %get3A_405 {add = true} : memref<8192xf32, #tpu.memory_space<vmem>>[vector<16xi32>], vector<16xf32>,
          %slice3A_410 = vector.extract_strided_slice %mul3A_109 {offsets = [15], sizes = [1], strides = [1]} : vector<16xi32> to vector<1xi32>
          %squeeze3A_411 = vector.extract %slice3A_410[0] : i32 from vector<1xi32>
          %add3A_412 = arith.constant 480 : i32
          %add3A_413 = arith.addi %mul3A_111, %add3A_412 : i32
          %multiple_of3A_414 = tpu.assume_multiple %add3A_413, 16 : i32
          %get3A_415 = arith.index_cast %multiple_of3A_414 : i32 to index
          %get3A_416 = tpu.vector_load %arg12[%get3A_415] {strides = array<i32>} : memref<16384xf32, #tpu.memory_space<vmem>>, vector<16xf32>,
          %add3A_417 = arith.constant 0 : i32
          %add3A_418 = arith.addi %squeeze3A_411, %add3A_417 : i32
          %add3A_419 = vector.broadcast %add3A_418 : i32 to vector<16xi32>
          %add3A_420 = arith.addi %iota3A, %add3A_419 : vector<16xi32>
          tpu.vector_store_idx %arg19[%add3A_420], %get3A_416 {add = true} : memref<8192xf32, #tpu.memory_space<vmem>>[vector<16xi32>], vector<16xf32>,
          %add3A_421 = arith.constant 496 : i32
          %add3A_422 = arith.addi %mul3A_111, %add3A_421 : i32
          %multiple_of3A_423 = tpu.assume_multiple %add3A_422, 16 : i32
          %get3A_424 = arith.index_cast %multiple_of3A_423 : i32 to index
          %get3A_425 = tpu.vector_load %arg12[%get3A_424] {strides = array<i32>} : memref<16384xf32, #tpu.memory_space<vmem>>, vector<16xf32>,
          %add3A_426 = arith.constant 16 : i32
          %add3A_427 = arith.addi %squeeze3A_411, %add3A_426 : i32
          %add3A_428 = vector.broadcast %add3A_427 : i32 to vector<16xi32>
          %add3A_429 = arith.addi %iota3A, %add3A_428 : vector<16xi32>
          tpu.vector_store_idx %arg19[%add3A_429], %get3A_425 {add = true} : memref<8192xf32, #tpu.memory_space<vmem>>[vector<16xi32>], vector<16xf32>,
        }
        %scan3A_92 = arith.constant 32 : i32
      } else {
      }
      %lt3A_68 = arith.constant 3125 : i32
      %lt3A_69 = arith.cmpi slt, %add3A_57, %lt3A_68 : i32
      %convert_element_type3A_70 = arith.extui %lt3A_69 : i1 to i32
      %cond3A_71 = arith.constant 0 : i32
      %cond3A_72 = arith.cmpi ne, %convert_element_type3A_70, %cond3A_71 : i32
      scf.if %cond3A_72 {
        %mul3A_78 = arith.constant 512 : i32
        %mul3A_79 = arith.muli %add3A_57, %mul3A_78 : i32
        %dma_start3A = tpu.memref_slice %arg4[%mul3A_79] : memref<1600000xi32, #tpu.memory_space<hbm>> -> memref<512xi32, #tpu.memory_space<hbm>>
        %dma_start3A_80 = tpu.memref_slice %arg4[%mul3A_79] : memref<1600000xi32, #tpu.memory_space<hbm>> -> memref<512xi32, #tpu.memory_space<hbm>>
        tpu.enqueue_dma source(%dma_start3A_80 : memref<512xi32, #tpu.memory_space<hbm>>) target(%arg10 : memref<512xi32, #tpu.memory_space<vmem>>) target_semaphore(%arg20 : memref<!tpu.dma_semaphore, #tpu.memory_space<semaphore_mem>>)
        %mul3A_81 = arith.constant 512 : i32
        %mul3A_82 = arith.muli %add3A_57, %mul3A_81 : i32
        %mul3A_83 = arith.constant 32 : i32
        %mul3A_84 = arith.muli %mul3A_82, %mul3A_83 : i32
        %dma_start3A_85 = tpu.memref_slice %arg5[%mul3A_84] : memref<51200000xf32, #tpu.memory_space<hbm>> -> memref<16384xf32, #tpu.memory_space<hbm>>
        %dma_start3A_86 = tpu.memref_slice %arg5[%mul3A_84] : memref<51200000xf32, #tpu.memory_space<hbm>> -> memref<16384xf32, #tpu.memory_space<hbm>>
        tpu.enqueue_dma source(%dma_start3A_86 : memref<16384xf32, #tpu.memory_space<hbm>>) target(%arg12 : memref<16384xf32, #tpu.memory_space<vmem>>) target_semaphore(%arg20 : memref<!tpu.dma_semaphore, #tpu.memory_space<semaphore_mem>>)
      } else {
      }
      %lt3A_73 = arith.constant 3125 : i32
      %lt3A_74 = arith.cmpi slt, %add3A_50, %lt3A_73 : i32
      %convert_element_type3A_75 = arith.extui %lt3A_74 : i1 to i32
      %cond3A_76 = arith.constant 0 : i32
      %cond3A_77 = arith.cmpi ne, %convert_element_type3A_75, %cond3A_76 : i32
      scf.if %cond3A_77 {
        %mul3A_78 = arith.constant 512 : i32
        %mul3A_79 = arith.muli %add3A_50, %mul3A_78 : i32
        %dma_wait3A = tpu.memref_slice %arg4[%mul3A_79] : memref<1600000xi32, #tpu.memory_space<hbm>> -> memref<512xi32, #tpu.memory_space<hbm>>
        %dma_wait3A_80 = tpu.memref_slice %arg4[%mul3A_79] : memref<1600000xi32, #tpu.memory_space<hbm>> -> memref<512xi32, #tpu.memory_space<hbm>>
        tpu.wait_dma2 semaphore(%arg21 : memref<!tpu.dma_semaphore, #tpu.memory_space<semaphore_mem>>) src(%dma_wait3A_80 : memref<512xi32, #tpu.memory_space<hbm>>) dst(%arg11 : memref<512xi32, #tpu.memory_space<vmem>>)
        %mul3A_81 = arith.constant 512 : i32
        %mul3A_82 = arith.muli %add3A_50, %mul3A_81 : i32
        %mul3A_83 = arith.constant 32 : i32
        %mul3A_84 = arith.muli %mul3A_82, %mul3A_83 : i32
        %dma_wait3A_85 = tpu.memref_slice %arg5[%mul3A_84] : memref<51200000xf32, #tpu.memory_space<hbm>> -> memref<16384xf32, #tpu.memory_space<hbm>>
        %dma_wait3A_86 = tpu.memref_slice %arg5[%mul3A_84] : memref<51200000xf32, #tpu.memory_space<hbm>> -> memref<16384xf32, #tpu.memory_space<hbm>>
        tpu.wait_dma2 semaphore(%arg21 : memref<!tpu.dma_semaphore, #tpu.memory_space<semaphore_mem>>) src(%dma_wait3A_86 : memref<16384xf32, #tpu.memory_space<hbm>>) dst(%arg13 : memref<16384xf32, #tpu.memory_space<vmem>>)
        %scan3A_87 = arith.constant 0 : i32
        %scan3A_88 = arith.constant 0 : i32
        %scan3A_89 = arith.constant 32 : i32
        %scan3A_90 = arith.addi %scan3A_88, %scan3A_89 : i32
        %scan3A_91 = arith.constant 1 : i32
        scf.for %scan3A_93 = %scan3A_88 to %scan3A_90 step %scan3A_91  : i32 {
          %mul3A_94 = arith.constant 16 : i32
          %mul3A_95 = arith.muli %scan3A_93, %mul3A_94 : i32
          %multiple_of3A = tpu.assume_multiple %mul3A_95, 16 : i32
          %get3A = arith.index_cast %multiple_of3A : i32 to index
          %get3A_96 = tpu.vector_load %arg11[%get3A] {strides = array<i32>} : memref<512xi32, #tpu.memory_space<vmem>>, vector<16xi32>,
          %shift_right_logical3A = arith.constant 2 : i32
          %shift_right_logical3A_97 = vector.broadcast %shift_right_logical3A : i32 to vector<16xi32>
          %shift_right_logical3A_98 = arith.shrui %get3A_96, %shift_right_logical3A_97 : vector<16xi32>
          %gather3A = tpu.vector_load_idx %arg9[%shift_right_logical3A_98] : memref<25024xi32, #tpu.memory_space<vmem>>[vector<16xi32>], vector<16xi32>,
          %and3A = arith.constant 3 : i32
          %and3A_99 = vector.broadcast %and3A : i32 to vector<16xi32>
          %and3A_100 = arith.andi %get3A_96, %and3A_99 : vector<16xi32>
          %shift_left3A = arith.constant 3 : i32
          %shift_left3A_101 = vector.broadcast %shift_left3A : i32 to vector<16xi32>
          %shift_left3A_102 = arith.shli %and3A_100, %shift_left3A_101 : vector<16xi32>
          %shift_right_logical3A_103 = arith.shrui %gather3A, %shift_left3A_102 : vector<16xi32>
          %and3A_104 = arith.constant 255 : i32
          %and3A_105 = vector.broadcast %and3A_104 : i32 to vector<16xi32>
          %and3A_106 = arith.andi %shift_right_logical3A_103, %and3A_105 : vector<16xi32>
          %mul3A_107 = arith.constant 32 : i32
          %mul3A_108 = vector.broadcast %mul3A_107 : i32 to vector<16xi32>
          %mul3A_109 = arith.muli %and3A_106, %mul3A_108 : vector<16xi32>
          %mul3A_110 = arith.constant 512 : i32
          %mul3A_111 = arith.muli %scan3A_93, %mul3A_110 : i32
          %slice3A = vector.extract_strided_slice %mul3A_109 {offsets = [0], sizes = [1], strides = [1]} : vector<16xi32> to vector<1xi32>
          %squeeze3A = vector.extract %slice3A[0] : i32 from vector<1xi32>
          %add3A_112 = arith.constant 0 : i32
          %add3A_113 = arith.addi %mul3A_111, %add3A_112 : i32
          %multiple_of3A_114 = tpu.assume_multiple %add3A_113, 16 : i32
          %get3A_115 = arith.index_cast %multiple_of3A_114 : i32 to index
          %get3A_116 = tpu.vector_load %arg13[%get3A_115] {strides = array<i32>} : memref<16384xf32, #tpu.memory_space<vmem>>, vector<16xf32>,
          %add3A_117 = arith.constant 0 : i32
          %add3A_118 = arith.addi %squeeze3A, %add3A_117 : i32
          %add3A_119 = vector.broadcast %add3A_118 : i32 to vector<16xi32>
          %add3A_120 = arith.addi %iota3A, %add3A_119 : vector<16xi32>
          tpu.vector_store_idx %arg19[%add3A_120], %get3A_116 {add = true} : memref<8192xf32, #tpu.memory_space<vmem>>[vector<16xi32>], vector<16xf32>,
          %add3A_121 = arith.constant 16 : i32
          %add3A_122 = arith.addi %mul3A_111, %add3A_121 : i32
          %multiple_of3A_123 = tpu.assume_multiple %add3A_122, 16 : i32
          %get3A_124 = arith.index_cast %multiple_of3A_123 : i32 to index
          %get3A_125 = tpu.vector_load %arg13[%get3A_124] {strides = array<i32>} : memref<16384xf32, #tpu.memory_space<vmem>>, vector<16xf32>,
          %add3A_126 = arith.constant 16 : i32
          %add3A_127 = arith.addi %squeeze3A, %add3A_126 : i32
          %add3A_128 = vector.broadcast %add3A_127 : i32 to vector<16xi32>
          %add3A_129 = arith.addi %iota3A, %add3A_128 : vector<16xi32>
          tpu.vector_store_idx %arg19[%add3A_129], %get3A_125 {add = true} : memref<8192xf32, #tpu.memory_space<vmem>>[vector<16xi32>], vector<16xf32>,
          %slice3A_130 = vector.extract_strided_slice %mul3A_109 {offsets = [1], sizes = [1], strides = [1]} : vector<16xi32> to vector<1xi32>
          %squeeze3A_131 = vector.extract %slice3A_130[0] : i32 from vector<1xi32>
          %add3A_132 = arith.constant 32 : i32
          %add3A_133 = arith.addi %mul3A_111, %add3A_132 : i32
          %multiple_of3A_134 = tpu.assume_multiple %add3A_133, 16 : i32
          %get3A_135 = arith.index_cast %multiple_of3A_134 : i32 to index
          %get3A_136 = tpu.vector_load %arg13[%get3A_135] {strides = array<i32>} : memref<16384xf32, #tpu.memory_space<vmem>>, vector<16xf32>,
          %add3A_137 = arith.constant 0 : i32
          %add3A_138 = arith.addi %squeeze3A_131, %add3A_137 : i32
          %add3A_139 = vector.broadcast %add3A_138 : i32 to vector<16xi32>
          %add3A_140 = arith.addi %iota3A, %add3A_139 : vector<16xi32>
          tpu.vector_store_idx %arg19[%add3A_140], %get3A_136 {add = true} : memref<8192xf32, #tpu.memory_space<vmem>>[vector<16xi32>], vector<16xf32>,
          %add3A_141 = arith.constant 48 : i32
          %add3A_142 = arith.addi %mul3A_111, %add3A_141 : i32
          %multiple_of3A_143 = tpu.assume_multiple %add3A_142, 16 : i32
          %get3A_144 = arith.index_cast %multiple_of3A_143 : i32 to index
          %get3A_145 = tpu.vector_load %arg13[%get3A_144] {strides = array<i32>} : memref<16384xf32, #tpu.memory_space<vmem>>, vector<16xf32>,
          %add3A_146 = arith.constant 16 : i32
          %add3A_147 = arith.addi %squeeze3A_131, %add3A_146 : i32
          %add3A_148 = vector.broadcast %add3A_147 : i32 to vector<16xi32>
          %add3A_149 = arith.addi %iota3A, %add3A_148 : vector<16xi32>
          tpu.vector_store_idx %arg19[%add3A_149], %get3A_145 {add = true} : memref<8192xf32, #tpu.memory_space<vmem>>[vector<16xi32>], vector<16xf32>,
          %slice3A_150 = vector.extract_strided_slice %mul3A_109 {offsets = [2], sizes = [1], strides = [1]} : vector<16xi32> to vector<1xi32>
          %squeeze3A_151 = vector.extract %slice3A_150[0] : i32 from vector<1xi32>
          %add3A_152 = arith.constant 64 : i32
          %add3A_153 = arith.addi %mul3A_111, %add3A_152 : i32
          %multiple_of3A_154 = tpu.assume_multiple %add3A_153, 16 : i32
          %get3A_155 = arith.index_cast %multiple_of3A_154 : i32 to index
          %get3A_156 = tpu.vector_load %arg13[%get3A_155] {strides = array<i32>} : memref<16384xf32, #tpu.memory_space<vmem>>, vector<16xf32>,
          %add3A_157 = arith.constant 0 : i32
          %add3A_158 = arith.addi %squeeze3A_151, %add3A_157 : i32
          %add3A_159 = vector.broadcast %add3A_158 : i32 to vector<16xi32>
          %add3A_160 = arith.addi %iota3A, %add3A_159 : vector<16xi32>
          tpu.vector_store_idx %arg19[%add3A_160], %get3A_156 {add = true} : memref<8192xf32, #tpu.memory_space<vmem>>[vector<16xi32>], vector<16xf32>,
          %add3A_161 = arith.constant 80 : i32
          %add3A_162 = arith.addi %mul3A_111, %add3A_161 : i32
          %multiple_of3A_163 = tpu.assume_multiple %add3A_162, 16 : i32
          %get3A_164 = arith.index_cast %multiple_of3A_163 : i32 to index
          %get3A_165 = tpu.vector_load %arg13[%get3A_164] {strides = array<i32>} : memref<16384xf32, #tpu.memory_space<vmem>>, vector<16xf32>,
          %add3A_166 = arith.constant 16 : i32
          %add3A_167 = arith.addi %squeeze3A_151, %add3A_166 : i32
          %add3A_168 = vector.broadcast %add3A_167 : i32 to vector<16xi32>
          %add3A_169 = arith.addi %iota3A, %add3A_168 : vector<16xi32>
          tpu.vector_store_idx %arg19[%add3A_169], %get3A_165 {add = true} : memref<8192xf32, #tpu.memory_space<vmem>>[vector<16xi32>], vector<16xf32>,
          %slice3A_170 = vector.extract_strided_slice %mul3A_109 {offsets = [3], sizes = [1], strides = [1]} : vector<16xi32> to vector<1xi32>
          %squeeze3A_171 = vector.extract %slice3A_170[0] : i32 from vector<1xi32>
          %add3A_172 = arith.constant 96 : i32
          %add3A_173 = arith.addi %mul3A_111, %add3A_172 : i32
          %multiple_of3A_174 = tpu.assume_multiple %add3A_173, 16 : i32
          %get3A_175 = arith.index_cast %multiple_of3A_174 : i32 to index
          %get3A_176 = tpu.vector_load %arg13[%get3A_175] {strides = array<i32>} : memref<16384xf32, #tpu.memory_space<vmem>>, vector<16xf32>,
          %add3A_177 = arith.constant 0 : i32
          %add3A_178 = arith.addi %squeeze3A_171, %add3A_177 : i32
          %add3A_179 = vector.broadcast %add3A_178 : i32 to vector<16xi32>
          %add3A_180 = arith.addi %iota3A, %add3A_179 : vector<16xi32>
          tpu.vector_store_idx %arg19[%add3A_180], %get3A_176 {add = true} : memref<8192xf32, #tpu.memory_space<vmem>>[vector<16xi32>], vector<16xf32>,
          %add3A_181 = arith.constant 112 : i32
          %add3A_182 = arith.addi %mul3A_111, %add3A_181 : i32
          %multiple_of3A_183 = tpu.assume_multiple %add3A_182, 16 : i32
          %get3A_184 = arith.index_cast %multiple_of3A_183 : i32 to index
          %get3A_185 = tpu.vector_load %arg13[%get3A_184] {strides = array<i32>} : memref<16384xf32, #tpu.memory_space<vmem>>, vector<16xf32>,
          %add3A_186 = arith.constant 16 : i32
          %add3A_187 = arith.addi %squeeze3A_171, %add3A_186 : i32
          %add3A_188 = vector.broadcast %add3A_187 : i32 to vector<16xi32>
          %add3A_189 = arith.addi %iota3A, %add3A_188 : vector<16xi32>
          tpu.vector_store_idx %arg19[%add3A_189], %get3A_185 {add = true} : memref<8192xf32, #tpu.memory_space<vmem>>[vector<16xi32>], vector<16xf32>,
          %slice3A_190 = vector.extract_strided_slice %mul3A_109 {offsets = [4], sizes = [1], strides = [1]} : vector<16xi32> to vector<1xi32>
          %squeeze3A_191 = vector.extract %slice3A_190[0] : i32 from vector<1xi32>
          %add3A_192 = arith.constant 128 : i32
          %add3A_193 = arith.addi %mul3A_111, %add3A_192 : i32
          %multiple_of3A_194 = tpu.assume_multiple %add3A_193, 16 : i32
          %get3A_195 = arith.index_cast %multiple_of3A_194 : i32 to index
          %get3A_196 = tpu.vector_load %arg13[%get3A_195] {strides = array<i32>} : memref<16384xf32, #tpu.memory_space<vmem>>, vector<16xf32>,
          %add3A_197 = arith.constant 0 : i32
          %add3A_198 = arith.addi %squeeze3A_191, %add3A_197 : i32
          %add3A_199 = vector.broadcast %add3A_198 : i32 to vector<16xi32>
          %add3A_200 = arith.addi %iota3A, %add3A_199 : vector<16xi32>
          tpu.vector_store_idx %arg19[%add3A_200], %get3A_196 {add = true} : memref<8192xf32, #tpu.memory_space<vmem>>[vector<16xi32>], vector<16xf32>,
          %add3A_201 = arith.constant 144 : i32
          %add3A_202 = arith.addi %mul3A_111, %add3A_201 : i32
          %multiple_of3A_203 = tpu.assume_multiple %add3A_202, 16 : i32
          %get3A_204 = arith.index_cast %multiple_of3A_203 : i32 to index
          %get3A_205 = tpu.vector_load %arg13[%get3A_204] {strides = array<i32>} : memref<16384xf32, #tpu.memory_space<vmem>>, vector<16xf32>,
          %add3A_206 = arith.constant 16 : i32
          %add3A_207 = arith.addi %squeeze3A_191, %add3A_206 : i32
          %add3A_208 = vector.broadcast %add3A_207 : i32 to vector<16xi32>
          %add3A_209 = arith.addi %iota3A, %add3A_208 : vector<16xi32>
          tpu.vector_store_idx %arg19[%add3A_209], %get3A_205 {add = true} : memref<8192xf32, #tpu.memory_space<vmem>>[vector<16xi32>], vector<16xf32>,
          %slice3A_210 = vector.extract_strided_slice %mul3A_109 {offsets = [5], sizes = [1], strides = [1]} : vector<16xi32> to vector<1xi32>
          %squeeze3A_211 = vector.extract %slice3A_210[0] : i32 from vector<1xi32>
          %add3A_212 = arith.constant 160 : i32
          %add3A_213 = arith.addi %mul3A_111, %add3A_212 : i32
          %multiple_of3A_214 = tpu.assume_multiple %add3A_213, 16 : i32
          %get3A_215 = arith.index_cast %multiple_of3A_214 : i32 to index
          %get3A_216 = tpu.vector_load %arg13[%get3A_215] {strides = array<i32>} : memref<16384xf32, #tpu.memory_space<vmem>>, vector<16xf32>,
          %add3A_217 = arith.constant 0 : i32
          %add3A_218 = arith.addi %squeeze3A_211, %add3A_217 : i32
          %add3A_219 = vector.broadcast %add3A_218 : i32 to vector<16xi32>
          %add3A_220 = arith.addi %iota3A, %add3A_219 : vector<16xi32>
          tpu.vector_store_idx %arg19[%add3A_220], %get3A_216 {add = true} : memref<8192xf32, #tpu.memory_space<vmem>>[vector<16xi32>], vector<16xf32>,
          %add3A_221 = arith.constant 176 : i32
          %add3A_222 = arith.addi %mul3A_111, %add3A_221 : i32
          %multiple_of3A_223 = tpu.assume_multiple %add3A_222, 16 : i32
          %get3A_224 = arith.index_cast %multiple_of3A_223 : i32 to index
          %get3A_225 = tpu.vector_load %arg13[%get3A_224] {strides = array<i32>} : memref<16384xf32, #tpu.memory_space<vmem>>, vector<16xf32>,
          %add3A_226 = arith.constant 16 : i32
          %add3A_227 = arith.addi %squeeze3A_211, %add3A_226 : i32
          %add3A_228 = vector.broadcast %add3A_227 : i32 to vector<16xi32>
          %add3A_229 = arith.addi %iota3A, %add3A_228 : vector<16xi32>
          tpu.vector_store_idx %arg19[%add3A_229], %get3A_225 {add = true} : memref<8192xf32, #tpu.memory_space<vmem>>[vector<16xi32>], vector<16xf32>,
          %slice3A_230 = vector.extract_strided_slice %mul3A_109 {offsets = [6], sizes = [1], strides = [1]} : vector<16xi32> to vector<1xi32>
          %squeeze3A_231 = vector.extract %slice3A_230[0] : i32 from vector<1xi32>
          %add3A_232 = arith.constant 192 : i32
          %add3A_233 = arith.addi %mul3A_111, %add3A_232 : i32
          %multiple_of3A_234 = tpu.assume_multiple %add3A_233, 16 : i32
          %get3A_235 = arith.index_cast %multiple_of3A_234 : i32 to index
          %get3A_236 = tpu.vector_load %arg13[%get3A_235] {strides = array<i32>} : memref<16384xf32, #tpu.memory_space<vmem>>, vector<16xf32>,
          %add3A_237 = arith.constant 0 : i32
          %add3A_238 = arith.addi %squeeze3A_231, %add3A_237 : i32
          %add3A_239 = vector.broadcast %add3A_238 : i32 to vector<16xi32>
          %add3A_240 = arith.addi %iota3A, %add3A_239 : vector<16xi32>
          tpu.vector_store_idx %arg19[%add3A_240], %get3A_236 {add = true} : memref<8192xf32, #tpu.memory_space<vmem>>[vector<16xi32>], vector<16xf32>,
          %add3A_241 = arith.constant 208 : i32
          %add3A_242 = arith.addi %mul3A_111, %add3A_241 : i32
          %multiple_of3A_243 = tpu.assume_multiple %add3A_242, 16 : i32
          %get3A_244 = arith.index_cast %multiple_of3A_243 : i32 to index
          %get3A_245 = tpu.vector_load %arg13[%get3A_244] {strides = array<i32>} : memref<16384xf32, #tpu.memory_space<vmem>>, vector<16xf32>,
          %add3A_246 = arith.constant 16 : i32
          %add3A_247 = arith.addi %squeeze3A_231, %add3A_246 : i32
          %add3A_248 = vector.broadcast %add3A_247 : i32 to vector<16xi32>
          %add3A_249 = arith.addi %iota3A, %add3A_248 : vector<16xi32>
          tpu.vector_store_idx %arg19[%add3A_249], %get3A_245 {add = true} : memref<8192xf32, #tpu.memory_space<vmem>>[vector<16xi32>], vector<16xf32>,
          %slice3A_250 = vector.extract_strided_slice %mul3A_109 {offsets = [7], sizes = [1], strides = [1]} : vector<16xi32> to vector<1xi32>
          %squeeze3A_251 = vector.extract %slice3A_250[0] : i32 from vector<1xi32>
          %add3A_252 = arith.constant 224 : i32
          %add3A_253 = arith.addi %mul3A_111, %add3A_252 : i32
          %multiple_of3A_254 = tpu.assume_multiple %add3A_253, 16 : i32
          %get3A_255 = arith.index_cast %multiple_of3A_254 : i32 to index
          %get3A_256 = tpu.vector_load %arg13[%get3A_255] {strides = array<i32>} : memref<16384xf32, #tpu.memory_space<vmem>>, vector<16xf32>,
          %add3A_257 = arith.constant 0 : i32
          %add3A_258 = arith.addi %squeeze3A_251, %add3A_257 : i32
          %add3A_259 = vector.broadcast %add3A_258 : i32 to vector<16xi32>
          %add3A_260 = arith.addi %iota3A, %add3A_259 : vector<16xi32>
          tpu.vector_store_idx %arg19[%add3A_260], %get3A_256 {add = true} : memref<8192xf32, #tpu.memory_space<vmem>>[vector<16xi32>], vector<16xf32>,
          %add3A_261 = arith.constant 240 : i32
          %add3A_262 = arith.addi %mul3A_111, %add3A_261 : i32
          %multiple_of3A_263 = tpu.assume_multiple %add3A_262, 16 : i32
          %get3A_264 = arith.index_cast %multiple_of3A_263 : i32 to index
          %get3A_265 = tpu.vector_load %arg13[%get3A_264] {strides = array<i32>} : memref<16384xf32, #tpu.memory_space<vmem>>, vector<16xf32>,
          %add3A_266 = arith.constant 16 : i32
          %add3A_267 = arith.addi %squeeze3A_251, %add3A_266 : i32
          %add3A_268 = vector.broadcast %add3A_267 : i32 to vector<16xi32>
          %add3A_269 = arith.addi %iota3A, %add3A_268 : vector<16xi32>
          tpu.vector_store_idx %arg19[%add3A_269], %get3A_265 {add = true} : memref<8192xf32, #tpu.memory_space<vmem>>[vector<16xi32>], vector<16xf32>,
          %slice3A_270 = vector.extract_strided_slice %mul3A_109 {offsets = [8], sizes = [1], strides = [1]} : vector<16xi32> to vector<1xi32>
          %squeeze3A_271 = vector.extract %slice3A_270[0] : i32 from vector<1xi32>
          %add3A_272 = arith.constant 256 : i32
          %add3A_273 = arith.addi %mul3A_111, %add3A_272 : i32
          %multiple_of3A_274 = tpu.assume_multiple %add3A_273, 16 : i32
          %get3A_275 = arith.index_cast %multiple_of3A_274 : i32 to index
          %get3A_276 = tpu.vector_load %arg13[%get3A_275] {strides = array<i32>} : memref<16384xf32, #tpu.memory_space<vmem>>, vector<16xf32>,
          %add3A_277 = arith.constant 0 : i32
          %add3A_278 = arith.addi %squeeze3A_271, %add3A_277 : i32
          %add3A_279 = vector.broadcast %add3A_278 : i32 to vector<16xi32>
          %add3A_280 = arith.addi %iota3A, %add3A_279 : vector<16xi32>
          tpu.vector_store_idx %arg19[%add3A_280], %get3A_276 {add = true} : memref<8192xf32, #tpu.memory_space<vmem>>[vector<16xi32>], vector<16xf32>,
          %add3A_281 = arith.constant 272 : i32
          %add3A_282 = arith.addi %mul3A_111, %add3A_281 : i32
          %multiple_of3A_283 = tpu.assume_multiple %add3A_282, 16 : i32
          %get3A_284 = arith.index_cast %multiple_of3A_283 : i32 to index
          %get3A_285 = tpu.vector_load %arg13[%get3A_284] {strides = array<i32>} : memref<16384xf32, #tpu.memory_space<vmem>>, vector<16xf32>,
          %add3A_286 = arith.constant 16 : i32
          %add3A_287 = arith.addi %squeeze3A_271, %add3A_286 : i32
          %add3A_288 = vector.broadcast %add3A_287 : i32 to vector<16xi32>
          %add3A_289 = arith.addi %iota3A, %add3A_288 : vector<16xi32>
          tpu.vector_store_idx %arg19[%add3A_289], %get3A_285 {add = true} : memref<8192xf32, #tpu.memory_space<vmem>>[vector<16xi32>], vector<16xf32>,
          %slice3A_290 = vector.extract_strided_slice %mul3A_109 {offsets = [9], sizes = [1], strides = [1]} : vector<16xi32> to vector<1xi32>
          %squeeze3A_291 = vector.extract %slice3A_290[0] : i32 from vector<1xi32>
          %add3A_292 = arith.constant 288 : i32
          %add3A_293 = arith.addi %mul3A_111, %add3A_292 : i32
          %multiple_of3A_294 = tpu.assume_multiple %add3A_293, 16 : i32
          %get3A_295 = arith.index_cast %multiple_of3A_294 : i32 to index
          %get3A_296 = tpu.vector_load %arg13[%get3A_295] {strides = array<i32>} : memref<16384xf32, #tpu.memory_space<vmem>>, vector<16xf32>,
          %add3A_297 = arith.constant 0 : i32
          %add3A_298 = arith.addi %squeeze3A_291, %add3A_297 : i32
          %add3A_299 = vector.broadcast %add3A_298 : i32 to vector<16xi32>
          %add3A_300 = arith.addi %iota3A, %add3A_299 : vector<16xi32>
          tpu.vector_store_idx %arg19[%add3A_300], %get3A_296 {add = true} : memref<8192xf32, #tpu.memory_space<vmem>>[vector<16xi32>], vector<16xf32>,
          %add3A_301 = arith.constant 304 : i32
          %add3A_302 = arith.addi %mul3A_111, %add3A_301 : i32
          %multiple_of3A_303 = tpu.assume_multiple %add3A_302, 16 : i32
          %get3A_304 = arith.index_cast %multiple_of3A_303 : i32 to index
          %get3A_305 = tpu.vector_load %arg13[%get3A_304] {strides = array<i32>} : memref<16384xf32, #tpu.memory_space<vmem>>, vector<16xf32>,
          %add3A_306 = arith.constant 16 : i32
          %add3A_307 = arith.addi %squeeze3A_291, %add3A_306 : i32
          %add3A_308 = vector.broadcast %add3A_307 : i32 to vector<16xi32>
          %add3A_309 = arith.addi %iota3A, %add3A_308 : vector<16xi32>
          tpu.vector_store_idx %arg19[%add3A_309], %get3A_305 {add = true} : memref<8192xf32, #tpu.memory_space<vmem>>[vector<16xi32>], vector<16xf32>,
          %slice3A_310 = vector.extract_strided_slice %mul3A_109 {offsets = [10], sizes = [1], strides = [1]} : vector<16xi32> to vector<1xi32>
          %squeeze3A_311 = vector.extract %slice3A_310[0] : i32 from vector<1xi32>
          %add3A_312 = arith.constant 320 : i32
          %add3A_313 = arith.addi %mul3A_111, %add3A_312 : i32
          %multiple_of3A_314 = tpu.assume_multiple %add3A_313, 16 : i32
          %get3A_315 = arith.index_cast %multiple_of3A_314 : i32 to index
          %get3A_316 = tpu.vector_load %arg13[%get3A_315] {strides = array<i32>} : memref<16384xf32, #tpu.memory_space<vmem>>, vector<16xf32>,
          %add3A_317 = arith.constant 0 : i32
          %add3A_318 = arith.addi %squeeze3A_311, %add3A_317 : i32
          %add3A_319 = vector.broadcast %add3A_318 : i32 to vector<16xi32>
          %add3A_320 = arith.addi %iota3A, %add3A_319 : vector<16xi32>
          tpu.vector_store_idx %arg19[%add3A_320], %get3A_316 {add = true} : memref<8192xf32, #tpu.memory_space<vmem>>[vector<16xi32>], vector<16xf32>,
          %add3A_321 = arith.constant 336 : i32
          %add3A_322 = arith.addi %mul3A_111, %add3A_321 : i32
          %multiple_of3A_323 = tpu.assume_multiple %add3A_322, 16 : i32
          %get3A_324 = arith.index_cast %multiple_of3A_323 : i32 to index
          %get3A_325 = tpu.vector_load %arg13[%get3A_324] {strides = array<i32>} : memref<16384xf32, #tpu.memory_space<vmem>>, vector<16xf32>,
          %add3A_326 = arith.constant 16 : i32
          %add3A_327 = arith.addi %squeeze3A_311, %add3A_326 : i32
          %add3A_328 = vector.broadcast %add3A_327 : i32 to vector<16xi32>
          %add3A_329 = arith.addi %iota3A, %add3A_328 : vector<16xi32>
          tpu.vector_store_idx %arg19[%add3A_329], %get3A_325 {add = true} : memref<8192xf32, #tpu.memory_space<vmem>>[vector<16xi32>], vector<16xf32>,
          %slice3A_330 = vector.extract_strided_slice %mul3A_109 {offsets = [11], sizes = [1], strides = [1]} : vector<16xi32> to vector<1xi32>
          %squeeze3A_331 = vector.extract %slice3A_330[0] : i32 from vector<1xi32>
          %add3A_332 = arith.constant 352 : i32
          %add3A_333 = arith.addi %mul3A_111, %add3A_332 : i32
          %multiple_of3A_334 = tpu.assume_multiple %add3A_333, 16 : i32
          %get3A_335 = arith.index_cast %multiple_of3A_334 : i32 to index
          %get3A_336 = tpu.vector_load %arg13[%get3A_335] {strides = array<i32>} : memref<16384xf32, #tpu.memory_space<vmem>>, vector<16xf32>,
          %add3A_337 = arith.constant 0 : i32
          %add3A_338 = arith.addi %squeeze3A_331, %add3A_337 : i32
          %add3A_339 = vector.broadcast %add3A_338 : i32 to vector<16xi32>
          %add3A_340 = arith.addi %iota3A, %add3A_339 : vector<16xi32>
          tpu.vector_store_idx %arg19[%add3A_340], %get3A_336 {add = true} : memref<8192xf32, #tpu.memory_space<vmem>>[vector<16xi32>], vector<16xf32>,
          %add3A_341 = arith.constant 368 : i32
          %add3A_342 = arith.addi %mul3A_111, %add3A_341 : i32
          %multiple_of3A_343 = tpu.assume_multiple %add3A_342, 16 : i32
          %get3A_344 = arith.index_cast %multiple_of3A_343 : i32 to index
          %get3A_345 = tpu.vector_load %arg13[%get3A_344] {strides = array<i32>} : memref<16384xf32, #tpu.memory_space<vmem>>, vector<16xf32>,
          %add3A_346 = arith.constant 16 : i32
          %add3A_347 = arith.addi %squeeze3A_331, %add3A_346 : i32
          %add3A_348 = vector.broadcast %add3A_347 : i32 to vector<16xi32>
          %add3A_349 = arith.addi %iota3A, %add3A_348 : vector<16xi32>
          tpu.vector_store_idx %arg19[%add3A_349], %get3A_345 {add = true} : memref<8192xf32, #tpu.memory_space<vmem>>[vector<16xi32>], vector<16xf32>,
          %slice3A_350 = vector.extract_strided_slice %mul3A_109 {offsets = [12], sizes = [1], strides = [1]} : vector<16xi32> to vector<1xi32>
          %squeeze3A_351 = vector.extract %slice3A_350[0] : i32 from vector<1xi32>
          %add3A_352 = arith.constant 384 : i32
          %add3A_353 = arith.addi %mul3A_111, %add3A_352 : i32
          %multiple_of3A_354 = tpu.assume_multiple %add3A_353, 16 : i32
          %get3A_355 = arith.index_cast %multiple_of3A_354 : i32 to index
          %get3A_356 = tpu.vector_load %arg13[%get3A_355] {strides = array<i32>} : memref<16384xf32, #tpu.memory_space<vmem>>, vector<16xf32>,
          %add3A_357 = arith.constant 0 : i32
          %add3A_358 = arith.addi %squeeze3A_351, %add3A_357 : i32
          %add3A_359 = vector.broadcast %add3A_358 : i32 to vector<16xi32>
          %add3A_360 = arith.addi %iota3A, %add3A_359 : vector<16xi32>
          tpu.vector_store_idx %arg19[%add3A_360], %get3A_356 {add = true} : memref<8192xf32, #tpu.memory_space<vmem>>[vector<16xi32>], vector<16xf32>,
          %add3A_361 = arith.constant 400 : i32
          %add3A_362 = arith.addi %mul3A_111, %add3A_361 : i32
          %multiple_of3A_363 = tpu.assume_multiple %add3A_362, 16 : i32
          %get3A_364 = arith.index_cast %multiple_of3A_363 : i32 to index
          %get3A_365 = tpu.vector_load %arg13[%get3A_364] {strides = array<i32>} : memref<16384xf32, #tpu.memory_space<vmem>>, vector<16xf32>,
          %add3A_366 = arith.constant 16 : i32
          %add3A_367 = arith.addi %squeeze3A_351, %add3A_366 : i32
          %add3A_368 = vector.broadcast %add3A_367 : i32 to vector<16xi32>
          %add3A_369 = arith.addi %iota3A, %add3A_368 : vector<16xi32>
          tpu.vector_store_idx %arg19[%add3A_369], %get3A_365 {add = true} : memref<8192xf32, #tpu.memory_space<vmem>>[vector<16xi32>], vector<16xf32>,
          %slice3A_370 = vector.extract_strided_slice %mul3A_109 {offsets = [13], sizes = [1], strides = [1]} : vector<16xi32> to vector<1xi32>
          %squeeze3A_371 = vector.extract %slice3A_370[0] : i32 from vector<1xi32>
          %add3A_372 = arith.constant 416 : i32
          %add3A_373 = arith.addi %mul3A_111, %add3A_372 : i32
          %multiple_of3A_374 = tpu.assume_multiple %add3A_373, 16 : i32
          %get3A_375 = arith.index_cast %multiple_of3A_374 : i32 to index
          %get3A_376 = tpu.vector_load %arg13[%get3A_375] {strides = array<i32>} : memref<16384xf32, #tpu.memory_space<vmem>>, vector<16xf32>,
          %add3A_377 = arith.constant 0 : i32
          %add3A_378 = arith.addi %squeeze3A_371, %add3A_377 : i32
          %add3A_379 = vector.broadcast %add3A_378 : i32 to vector<16xi32>
          %add3A_380 = arith.addi %iota3A, %add3A_379 : vector<16xi32>
          tpu.vector_store_idx %arg19[%add3A_380], %get3A_376 {add = true} : memref<8192xf32, #tpu.memory_space<vmem>>[vector<16xi32>], vector<16xf32>,
          %add3A_381 = arith.constant 432 : i32
          %add3A_382 = arith.addi %mul3A_111, %add3A_381 : i32
          %multiple_of3A_383 = tpu.assume_multiple %add3A_382, 16 : i32
          %get3A_384 = arith.index_cast %multiple_of3A_383 : i32 to index
          %get3A_385 = tpu.vector_load %arg13[%get3A_384] {strides = array<i32>} : memref<16384xf32, #tpu.memory_space<vmem>>, vector<16xf32>,
          %add3A_386 = arith.constant 16 : i32
          %add3A_387 = arith.addi %squeeze3A_371, %add3A_386 : i32
          %add3A_388 = vector.broadcast %add3A_387 : i32 to vector<16xi32>
          %add3A_389 = arith.addi %iota3A, %add3A_388 : vector<16xi32>
          tpu.vector_store_idx %arg19[%add3A_389], %get3A_385 {add = true} : memref<8192xf32, #tpu.memory_space<vmem>>[vector<16xi32>], vector<16xf32>,
          %slice3A_390 = vector.extract_strided_slice %mul3A_109 {offsets = [14], sizes = [1], strides = [1]} : vector<16xi32> to vector<1xi32>
          %squeeze3A_391 = vector.extract %slice3A_390[0] : i32 from vector<1xi32>
          %add3A_392 = arith.constant 448 : i32
          %add3A_393 = arith.addi %mul3A_111, %add3A_392 : i32
          %multiple_of3A_394 = tpu.assume_multiple %add3A_393, 16 : i32
          %get3A_395 = arith.index_cast %multiple_of3A_394 : i32 to index
          %get3A_396 = tpu.vector_load %arg13[%get3A_395] {strides = array<i32>} : memref<16384xf32, #tpu.memory_space<vmem>>, vector<16xf32>,
          %add3A_397 = arith.constant 0 : i32
          %add3A_398 = arith.addi %squeeze3A_391, %add3A_397 : i32
          %add3A_399 = vector.broadcast %add3A_398 : i32 to vector<16xi32>
          %add3A_400 = arith.addi %iota3A, %add3A_399 : vector<16xi32>
          tpu.vector_store_idx %arg19[%add3A_400], %get3A_396 {add = true} : memref<8192xf32, #tpu.memory_space<vmem>>[vector<16xi32>], vector<16xf32>,
          %add3A_401 = arith.constant 464 : i32
          %add3A_402 = arith.addi %mul3A_111, %add3A_401 : i32
          %multiple_of3A_403 = tpu.assume_multiple %add3A_402, 16 : i32
          %get3A_404 = arith.index_cast %multiple_of3A_403 : i32 to index
          %get3A_405 = tpu.vector_load %arg13[%get3A_404] {strides = array<i32>} : memref<16384xf32, #tpu.memory_space<vmem>>, vector<16xf32>,
          %add3A_406 = arith.constant 16 : i32
          %add3A_407 = arith.addi %squeeze3A_391, %add3A_406 : i32
          %add3A_408 = vector.broadcast %add3A_407 : i32 to vector<16xi32>
          %add3A_409 = arith.addi %iota3A, %add3A_408 : vector<16xi32>
          tpu.vector_store_idx %arg19[%add3A_409], %get3A_405 {add = true} : memref<8192xf32, #tpu.memory_space<vmem>>[vector<16xi32>], vector<16xf32>,
          %slice3A_410 = vector.extract_strided_slice %mul3A_109 {offsets = [15], sizes = [1], strides = [1]} : vector<16xi32> to vector<1xi32>
          %squeeze3A_411 = vector.extract %slice3A_410[0] : i32 from vector<1xi32>
          %add3A_412 = arith.constant 480 : i32
          %add3A_413 = arith.addi %mul3A_111, %add3A_412 : i32
          %multiple_of3A_414 = tpu.assume_multiple %add3A_413, 16 : i32
          %get3A_415 = arith.index_cast %multiple_of3A_414 : i32 to index
          %get3A_416 = tpu.vector_load %arg13[%get3A_415] {strides = array<i32>} : memref<16384xf32, #tpu.memory_space<vmem>>, vector<16xf32>,
          %add3A_417 = arith.constant 0 : i32
          %add3A_418 = arith.addi %squeeze3A_411, %add3A_417 : i32
          %add3A_419 = vector.broadcast %add3A_418 : i32 to vector<16xi32>
          %add3A_420 = arith.addi %iota3A, %add3A_419 : vector<16xi32>
          tpu.vector_store_idx %arg19[%add3A_420], %get3A_416 {add = true} : memref<8192xf32, #tpu.memory_space<vmem>>[vector<16xi32>], vector<16xf32>,
          %add3A_421 = arith.constant 496 : i32
          %add3A_422 = arith.addi %mul3A_111, %add3A_421 : i32
          %multiple_of3A_423 = tpu.assume_multiple %add3A_422, 16 : i32
          %get3A_424 = arith.index_cast %multiple_of3A_423 : i32 to index
          %get3A_425 = tpu.vector_load %arg13[%get3A_424] {strides = array<i32>} : memref<16384xf32, #tpu.memory_space<vmem>>, vector<16xf32>,
          %add3A_426 = arith.constant 16 : i32
          %add3A_427 = arith.addi %squeeze3A_411, %add3A_426 : i32
          %add3A_428 = vector.broadcast %add3A_427 : i32 to vector<16xi32>
          %add3A_429 = arith.addi %iota3A, %add3A_428 : vector<16xi32>
          tpu.vector_store_idx %arg19[%add3A_429], %get3A_425 {add = true} : memref<8192xf32, #tpu.memory_space<vmem>>[vector<16xi32>], vector<16xf32>,
        }
        %scan3A_92 = arith.constant 32 : i32
      } else {
      }
    }
    %scan3A_37 = arith.constant 49 : i32
    "tpu.region"() ({
      %run_scoped3A = tpu.sem_alloc : memref<!tpu.dma_semaphore, #tpu.memory_space<semaphore_mem>>
      %dma_start3A = arith.constant 0 : i32
      %dma_start3A_38 = tpu.memref_slice %arg7[%add3A, %dma_start3A] : memref<32x16384xf32, #tpu.memory_space<hbm>> -> memref<1x16384xf32, #tpu.memory_space<hbm>>
      %dma_start3A_39 = tpu.memref_squeeze %dma_start3A_38 : memref<1x16384xf32, #tpu.memory_space<hbm>> -> memref<16384xf32, #tpu.memory_space<hbm>>
      %dma_start3A_40 = arith.constant 0 : i32
      %dma_start3A_41 = tpu.memref_slice %arg7[%add3A, %dma_start3A_40] : memref<32x16384xf32, #tpu.memory_space<hbm>> -> memref<1x16384xf32, #tpu.memory_space<hbm>>
      %dma_start3A_42 = tpu.memref_squeeze %dma_start3A_41 : memref<1x16384xf32, #tpu.memory_space<hbm>> -> memref<16384xf32, #tpu.memory_space<hbm>>
      tpu.enqueue_dma source(%arg18 : memref<16384xf32, #tpu.memory_space<vmem>>) target(%dma_start3A_42 : memref<16384xf32, #tpu.memory_space<hbm>>) target_semaphore(%run_scoped3A : memref<!tpu.dma_semaphore, #tpu.memory_space<semaphore_mem>>)
      %dma_wait3A = arith.constant 0 : i32
      %dma_wait3A_43 = tpu.memref_slice %arg7[%add3A, %dma_wait3A] : memref<32x16384xf32, #tpu.memory_space<hbm>> -> memref<1x16384xf32, #tpu.memory_space<hbm>>
      %dma_wait3A_44 = tpu.memref_squeeze %dma_wait3A_43 : memref<1x16384xf32, #tpu.memory_space<hbm>> -> memref<16384xf32, #tpu.memory_space<hbm>>
      %dma_wait3A_45 = arith.constant 0 : i32
      %dma_wait3A_46 = tpu.memref_slice %arg7[%add3A, %dma_wait3A_45] : memref<32x16384xf32, #tpu.memory_space<hbm>> -> memref<1x16384xf32, #tpu.memory_space<hbm>>
      %dma_wait3A_47 = tpu.memref_squeeze %dma_wait3A_46 : memref<1x16384xf32, #tpu.memory_space<hbm>> -> memref<16384xf32, #tpu.memory_space<hbm>>
      tpu.wait_dma2 semaphore(%run_scoped3A : memref<!tpu.dma_semaphore, #tpu.memory_space<semaphore_mem>>) src(%arg18 : memref<16384xf32, #tpu.memory_space<vmem>>) dst(%dma_wait3A_47 : memref<16384xf32, #tpu.memory_space<hbm>>)
      tpu.yield
    }) : () -> ()
    "tpu.region"() ({
      %run_scoped3A = tpu.sem_alloc : memref<!tpu.dma_semaphore, #tpu.memory_space<semaphore_mem>>
      %dma_start3A = arith.constant 0 : i32
      %dma_start3A_38 = tpu.memref_slice %arg8[%add3A, %dma_start3A] : memref<32x8192xf32, #tpu.memory_space<hbm>> -> memref<1x8192xf32, #tpu.memory_space<hbm>>
      %dma_start3A_39 = tpu.memref_squeeze %dma_start3A_38 : memref<1x8192xf32, #tpu.memory_space<hbm>> -> memref<8192xf32, #tpu.memory_space<hbm>>
      %dma_start3A_40 = arith.constant 0 : i32
      %dma_start3A_41 = tpu.memref_slice %arg8[%add3A, %dma_start3A_40] : memref<32x8192xf32, #tpu.memory_space<hbm>> -> memref<1x8192xf32, #tpu.memory_space<hbm>>
      %dma_start3A_42 = tpu.memref_squeeze %dma_start3A_41 : memref<1x8192xf32, #tpu.memory_space<hbm>> -> memref<8192xf32, #tpu.memory_space<hbm>>
      tpu.enqueue_dma source(%arg19 : memref<8192xf32, #tpu.memory_space<vmem>>) target(%dma_start3A_42 : memref<8192xf32, #tpu.memory_space<hbm>>) target_semaphore(%run_scoped3A : memref<!tpu.dma_semaphore, #tpu.memory_space<semaphore_mem>>)
      %dma_wait3A = arith.constant 0 : i32
      %dma_wait3A_43 = tpu.memref_slice %arg8[%add3A, %dma_wait3A] : memref<32x8192xf32, #tpu.memory_space<hbm>> -> memref<1x8192xf32, #tpu.memory_space<hbm>>
      %dma_wait3A_44 = tpu.memref_squeeze %dma_wait3A_43 : memref<1x8192xf32, #tpu.memory_space<hbm>> -> memref<8192xf32, #tpu.memory_space<hbm>>
      %dma_wait3A_45 = arith.constant 0 : i32
      %dma_wait3A_46 = tpu.memref_slice %arg8[%add3A, %dma_wait3A_45] : memref<32x8192xf32, #tpu.memory_space<hbm>> -> memref<1x8192xf32, #tpu.memory_space<hbm>>
      %dma_wait3A_47 = tpu.memref_squeeze %dma_wait3A_46 : memref<1x8192xf32, #tpu.memory_space<hbm>> -> memref<8192xf32, #tpu.memory_space<hbm>>
      tpu.wait_dma2 semaphore(%run_scoped3A : memref<!tpu.dma_semaphore, #tpu.memory_space<semaphore_mem>>) src(%arg19 : memref<8192xf32, #tpu.memory_space<vmem>>) dst(%dma_wait3A_47 : memref<8192xf32, #tpu.memory_space<hbm>>)
      tpu.yield
    }) : () -> ()
    return
  }
}

module attributes {stable_mosaic.version = 14 : i64} {
  func.func @_mm_body(%arg0: memref<32x256x64xf32, #tpu.memory_space<vmem>>, %arg1: memref<32x256x32xf32, #tpu.memory_space<vmem>>, %arg2: memref<64x128xf32, #tpu.memory_space<vmem>>, %arg3: memref<32x128xf32, #tpu.memory_space<vmem>>, %arg4: memref<1x128xf32, #tpu.memory_space<vmem>>, %arg5: memref<256x128xf32, #tpu.memory_space<vmem>>) attributes {dimension_semantics = [], scalar_prefetch = 0 : i64, scratch_operands = 0 : i64, tpu.core_type = #tpu.core_type<tc>} {
    %get3A = arith.constant 0 : index
    %get3A_0 = arith.constant 0 : index
    %get3A_1 = arith.constant 0 : index
    %get3A_2 = vector.load %arg0[%get3A, %get3A_0, %get3A_1] : memref<32x256x64xf32, #tpu.memory_space<vmem>>, vector<32x256x64xf32>
    %reduce_sum3A = arith.constant dense<0.000000e+00> : vector<256x64xf32>
    %reduce_sum3A_3 = vector.multi_reduction <add>, %get3A_2, %reduce_sum3A [0] : vector<32x256x64xf32> to vector<256x64xf32>
    %get3A_4 = arith.constant 0 : index
    %get3A_5 = arith.constant 0 : index
    %get3A_6 = arith.constant 0 : index
    %get3A_7 = vector.load %arg1[%get3A_4, %get3A_5, %get3A_6] : memref<32x256x32xf32, #tpu.memory_space<vmem>>, vector<32x256x32xf32>
    %reduce_sum3A_8 = arith.constant dense<0.000000e+00> : vector<256x32xf32>
    %reduce_sum3A_9 = vector.multi_reduction <add>, %get3A_7, %reduce_sum3A_8 [0] : vector<32x256x32xf32> to vector<256x32xf32>
    %get3A_10 = arith.constant 0 : index
    %get3A_11 = arith.constant 0 : index
    %get3A_12 = vector.load %arg2[%get3A_10, %get3A_11] : memref<64x128xf32, #tpu.memory_space<vmem>>, vector<64x128xf32>
    %dot_general3A = arith.constant dense<0.000000e+00> : vector<256x128xf32>
    %dot_general3A_13 = tpu.matmul %reduce_sum3A_3, %get3A_12, %dot_general3A {dimension_numbers = #tpu.dot_dimension_numbers<[1], [0], [0], [1], [0, 0, 1, 1], [], []>, transpose_lhs_hint = false} : vector<256x64xf32>, vector<64x128xf32>, vector<256x128xf32> -> vector<256x128xf32>
    %get3A_14 = arith.constant 0 : index
    %get3A_15 = arith.constant 0 : index
    %get3A_16 = vector.load %arg3[%get3A_14, %get3A_15] : memref<32x128xf32, #tpu.memory_space<vmem>>, vector<32x128xf32>
    %dot_general3A_17 = arith.constant dense<0.000000e+00> : vector<256x128xf32>
    %dot_general3A_18 = tpu.matmul %reduce_sum3A_9, %get3A_16, %dot_general3A_17 {dimension_numbers = #tpu.dot_dimension_numbers<[1], [0], [0], [1], [0, 0, 1, 1], [], []>, transpose_lhs_hint = false} : vector<256x32xf32>, vector<32x128xf32>, vector<256x128xf32> -> vector<256x128xf32>
    %add3A = arith.addf %dot_general3A_13, %dot_general3A_18 : vector<256x128xf32>
    %get3A_19 = arith.constant 0 : index
    %get3A_20 = arith.constant 0 : index
    %get3A_21 = vector.load %arg4[%get3A_19, %get3A_20] : memref<1x128xf32, #tpu.memory_space<vmem>>, vector<1x128xf32>
    %add3A_22 = vector.broadcast %get3A_21 : vector<1x128xf32> to vector<256x128xf32>
    %add3A_23 = arith.addf %add3A, %add3A_22 : vector<256x128xf32>
    %swap3A = arith.constant 0 : index
    %swap3A_24 = arith.constant 0 : index
    %swap3A_25 = vector.load %arg5[%swap3A, %swap3A_24] : memref<256x128xf32, #tpu.memory_space<vmem>>, vector<256x128xf32>
    tpu.vector_store %arg5[%swap3A, %swap3A_24], %add3A_23 {strides = array<i32>} : memref<256x128xf32, #tpu.memory_space<vmem>>, vector<256x128xf32>,
    return
  }
}

</mosaic_0001>

<sc_bundles>
// kernel: kernel.4.cloned.1.call-start
scs
__scs_entry_jumppad:
0x0: {  	(pc) =	sbr.rel $0x88, $3  }
0x1: {  	(tag) =	ssettag $0x0;
	lr =	simm.s32 $0x1  }
0x2: {  	[smem:$0x3F9B] =	sst lr;
	_ =	strace $0xD0000000  }
0x3: {  	_ = 	snop  }
0x4: {  	_ = 	snop  }
0x5: {  	_ = 	snop  }
0x6: {  	_ = 	snop  }
0x7: {  	_ = 	snop  }
__scs_overlays_trampoline_lowered:
0x8: {  	[smem:$0x3FAA] =	sst s0  }
0x9: {  	[smem:$0x3FAB] =	sst s1  }
0xa: {  	[smem:$0x3FAC] =	sst s2  }
0xb: {  	[smem:$0x3FAD] =	sst s3  }
0xc: {  	[smem:$0x3FAE] =	sst s4  }
0xd: {  	[smem:$0x3FAF] =	sst s5  }
0xe: {  	[smem:$0x3FB0] =	sst s6  }
0xf: {  	[smem:$0x3FB1] =	sst s7  }
0x10: {  	[smem:$0x3FB2] =	sst s8  }
0x11: {  	[smem:$0x3FB3] =	sst s9;
	s0 =	simm.s32 @!p0 $0x0  }
0x12: {  	s1 =	sld [smem:$0x3F99];
	s0 =	simm.s32 @p0 $0x1  }
0x13: {  	[smem:$0x3FB4] =	sst s0;
	s0 =	simm.s32 @!p1 $0x0  }
0x14: {  	s2 =	sld [smem:$0x3F98];
	s0 =	simm.s32 @p1 $0x1  }
0x15: {  	[smem:$0x3FB5] =	sst s0;
	s0 =	simm.s32 @!p2 $0x0  }
0x16: {  	s3 =	sld [smem:$0x3FDB];
	s0 =	simm.s32 @p2 $0x1  }
0x17: {  	s4 =	simm.s32 $0x1BF5;
	[smem:$0x3FB7] =	sst s0  }
0x18: {  	s0 =	sld [smem:$0x3F9A];
	_ =	swait.ge [sflag:s4], $0x0  }
0x19: {  	s7 =	sld [smem:$0x3F9B]  }
0x1a: {  	s8 =	sadd.s32 $0xFFFFE003, lr  }
0x1b: {  	s9 =	sadd.s32 $0xFFFFFEF7, lr;
	s5 =	simm.s32 $0xFFFFFFFF;
	p2 =	slt.u32 s8, $0xFFFFF086  }
0x1c: {  	p1 =	slt.u32 s9, $0xF7A;
	s5 =	simm.s32 @!p2 $0x0  }
0x1d: {  	s5 =	simm.s32 @p1 $0x1;
	p0 =	seq.s32 s7, s2  }
0x1e: {  	s7 =	smul.u32 @!p0 $0xF7A, s2;
	p2 =	seq.s32 @!p0 s5, $0x0  }
0x1f: {  	s9 =	smul.u32 $0xF7A, s1;
	s8 =	simm.s32 @!p0 $0x1BF5;
	p2 =	por !p2, p0  }
0x20: {  	[sflag:s8] =	ssyncset.s32 @!p0 $0xFFFFF086;
	s6 =	sadd.s32 @!p0 s3, s7;
	s7 =	simm.s32 @!p0 $0x108  }
0x21: {  	s3 =	sadd.s32 s3, s9;
	s6 =	sadd.s32 @!p0 $0x88, s6;
	s7 =	simm.s32 @p2 $0x1082  }
0x22: {  	[simem:s7], [sflag:s8] =	dma.local @!p0 [hbm:s6], $0xF7A  }
0x23: {  	s9 =	sor.u32 $0xD0000000, s2;
	s6 =	simm.s32 $0x108;
	_ =	swait.ge @!p0 [sflag:s8], $0x0  }
0x24: {  	s3 =	sadd.s32 $0x88, s3;
	s6 =	simm.s32 @!p1 $0x1082;
	[sflag:s4] =	ssyncset.s32 $0xFFFFF086  }
0x25: {  	[simem:s6], [sflag:s4] =	dma.local [hbm:s3], $0xF7A  }
0x26: {  	[smem:$0x3F9B] =	sst s1;
	(tag) =	ssettag s2;
	_ =	strace s9  }
0x27: {  	s1 =	sld [smem:$0x3FAB]  }
0x28: {  	s2 =	sld [smem:$0x3FAC]  }
0x29: {  	s4 =	sld [smem:$0x3FAE]  }
0x2a: {  	p0 =	seq.s32 s5, $0x0;
	s5 =	sld [smem:$0x3FAF]  }
0x2b: {  	s6 =	sld [smem:$0x3FB0]  }
0x2c: {  	s7 =	sld [smem:$0x3FB1]  }
0x2d: {  	s3 =	simm.s32 $0x108;
	s8 =	sld [smem:$0x3FB2]  }
0x2e: {  	s3 =	simm.s32 @!p0 $0x1082;
	s9 =	sld [smem:$0x3FB3]  }
0x2f: {  	lr =	sadd.s32 s0, s3;
	s0 =	sld [smem:$0x3FAA]  }
0x30: {  	s3 =	sld [smem:$0x3FAD]  }
0x31: {  	[smem:$0x3FB6] =	sst s10  }
0x32: {  	s10 =	sld [smem:$0x3FB4];
	_ =	sdelay $0x3  }
0x33: {  	p0 =	seq.s32 s10, $0x1;
	s10 =	sld [smem:$0x3FB6];
	_ =	sdelay $0x3  }
0x34: {  	[smem:$0x3FB6] =	sst s10  }
0x35: {  	s10 =	sld [smem:$0x3FB5];
	_ =	sdelay $0x3  }
0x36: {  	p1 =	seq.s32 s10, $0x1;
	s10 =	sld [smem:$0x3FB6];
	_ =	sdelay $0x3  }
0x37: {  	[smem:$0x3FB6] =	sst s10  }
0x38: {  	s10 =	sld [smem:$0x3FB7]  }
0x39: {  	_ = 	snop;
	(pc) =	sbr.ind lr, $3  }
0x3a: {  	_ = 	snop  }
0x3b: {  	_ = 	snop  }
0x3c: {  	p2 =	seq.s32 s10, $0x1;
	s10 =	sld [smem:$0x3FB6]  }
0x3d: {  	_ =	shalt  }
0x3e: {  	_ =	shalt  }
0x3f: {  	_ =	shalt  }
0x40: {  	_ =	shalt  }
0x41: {  	_ =	shalt  }
0x42: {  	_ =	shalt  }
0x43: {  	_ =	shalt  }
0x44: {  	_ =	shalt  }
0x45: {  	_ =	shalt  }
0x46: {  	_ =	shalt  }
0x47: {  	_ =	shalt  }
0x48: {  	_ =	shalt  }
0x49: {  	_ =	shalt  }
0x4a: {  	_ =	shalt  }
0x4b: {  	_ =	shalt  }
0x4c: {  	_ =	shalt  }
0x4d: {  	_ =	shalt  }
0x4e: {  	_ =	shalt  }
0x4f: {  	_ =	shalt  }
0x50: {  	_ =	shalt  }
0x51: {  	_ =	shalt  }
0x52: {  	_ =	shalt  }
0x53: {  	_ =	shalt  }
0x54: {  	_ =	shalt  }
0x55: {  	_ =	shalt  }
0x56: {  	_ =	shalt  }
0x57: {  	_ =	shalt  }
0x58: {  	_ =	shalt  }
0x59: {  	_ =	shalt  }
0x5a: {  	_ =	shalt  }
0x5b: {  	_ =	shalt  }
0x5c: {  	_ =	shalt  }
0x5d: {  	_ =	shalt  }
0x5e: {  	_ =	shalt  }
0x5f: {  	_ =	shalt  }
0x60: {  	_ =	shalt  }
0x61: {  	_ =	shalt  }
0x62: {  	_ =	shalt  }
0x63: {  	_ =	shalt  }
0x64: {  	_ =	shalt  }
0x65: {  	_ =	shalt  }
0x66: {  	_ =	shalt  }
0x67: {  	_ =	shalt  }
0x68: {  	_ =	shalt  }
0x69: {  	_ =	shalt  }
0x6a: {  	_ =	shalt  }
0x6b: {  	_ =	shalt  }
0x6c: {  	_ =	shalt  }
0x6d: {  	_ =	shalt  }
0x6e: {  	_ =	shalt  }
0x6f: {  	_ =	shalt  }
0x70: {  	_ =	shalt  }
0x71: {  	_ =	shalt  }
0x72: {  	_ =	shalt  }
0x73: {  	_ =	shalt  }
0x74: {  	_ =	shalt  }
0x75: {  	_ =	shalt  }
0x76: {  	_ =	shalt  }
0x77: {  	_ =	shalt  }
0x78: {  	_ =	shalt  }
0x79: {  	_ =	shalt  }
0x7a: {  	_ =	shalt  }
0x7b: {  	_ =	shalt  }
0x7c: {  	_ =	shalt  }
0x7d: {  	_ =	shalt  }
0x7e: {  	_ =	shalt  }
0x7f: {  	_ =	shalt  }
0x80: {  	_ =	shalt  }
0x81: {  	_ =	shalt  }
0x82: {  	_ =	shalt  }
0x83: {  	_ =	shalt  }
0x84: {  	_ =	shalt  }
0x85: {  	_ =	shalt  }
0x86: {  	_ =	shalt  }
0x87: {  	_ =	shalt  }
.Lfunc_end0:
.L_simem_size_0:
called_computation_lowered:
.L_overlay_start_0:
0x88: {  	s2 =	sld [smem:$0x3FD9]  }
0x89: {  	s3 =	sld [smem:$0x3FFE];
	_ =	sdelay $0x1  }
0x8a: {  	s1 =	srdreg.scid  }
0x8b: {  	s0 =	sand.u32 $0x1, s1  }
0x8c: {  	s17 =	sshll.u32 s0, $0xA;
	s2 =	sadd.s32 s3, s2  }
0x8d: {  	s2 =	sadd.s32 s2, s17  }
0x8e: {  	[smem:$0x3FC2] =	sst s2  }
0x8f: {  	_ = 	snop  }
0x90: {  	s2 =	sld [smem:$0x3FD0];
	(tm) =	ssettm $0x1  }
0x91: {  	s18 =	sld [smem:$0x3FFB];
	_ =	sdelay $0x3  }
0x92: {  	_ =	strace s18  }
0x93: {  	s3 =	sld [smem:$0x3FFC];
	_ =	sdelay $0x3  }
0x94: {  	_ =	strace s3  }
0x95: {  	s3 =	sld [smem:$0x3FFD];
	_ =	sdelay $0x3  }
0x96: {  	_ =	strace s3  }
0x97: {  	_ =	strace $0x8FFFFFFF  }
0x98: {  	s19 =	sld [smem:$0x3FDB];
	_ =	sdelay $0x1  }
0x99: {  	s4 =	simm.s32 $_scs_section_size  }
0x9a: {  	s5 =	simm.s32 $_size__tile_overlayer_lowered;
	s6 =	simm.s32 $_tile_overlayer_lowered  }
0x9b: {  	s22 =	simm.s32 $0x1BFF;
	s21 =	sshll.u32 s6, $0x1;
	s3 =	sadd.s32 s4, s19  }
0x9c: {  	s7 =	simm.s32 $0x0;
	s20 =	sshll.u32 s5, $0x1;
	s5 =	sadd.s32 s21, s3  }
0x9d: {  	[timem:s7], [sflag:s22] =	dma.local [hbm:s5], s20  }
0x9e: {  	_ =	swait.ge [sflag:s22], s20  }
0x9f: {  	s4 =	ssub.s32 $0x0, s20;
	[sflag:s22] =	ssyncset.done $0x0  }
0xa0: {  	[sflag:s22] =	ssyncadd.s32 s4;
	_ =	sdelay $0x1  }
0xa1: {  	s23 =	simm.s32 $0x1B8B  }
0xa2: {  	_ =	swait.ge [sflag:s23], $0x1  }
0xa3: {  	[sflag:s23] =	ssyncset.done $0x0  }
0xa4: {  	s25 =	simm.s32 $0x1B8E;
	s24 =	sld [smem:$0x3FFE];
	[sflag:s23] =	ssyncadd.s32 $0xFFFFFFFF  }
0xa5: {  	s26 =	simm.s32 $execute0_lowered;
	[smem:$0x3FD2] =	sst s25  }
0xa6: {  	s5 =	sshll.u32 s26, $0x1;
	_ =	strace $0x80000046;
	[dreg:$0x1] =	wrdreg $0xFFFFFFFF  }
0xa7: {  	s28 =	simm.s32 $_size_execute0_lowered;
	s3 =	sadd.s32 s3, s5;
	[dreg:$0x0] =	wrdreg $0x0  }
0xa8: {  	s5 =	sshll.u32 s28, $0x1;
	[dreg:$0x2] =	wrdreg s3  }
0xa9: {  	[dreg:$0x3] =	wrdreg s5  }
0xaa: {  	[dreg:$0x4] =	wrdreg $0xC0  }
0xab: {  	_ =	task [dreg:s7], $0x5FFFF  }
0xac: {  	[dreg:$0x1] =	wrdreg $0xFFFFFFFF  }
0xad: {  	[dreg:$0x0] =	wrdreg $0x60  }
0xae: {  	[dreg:$0x2] =	wrdreg s24  }
0xaf: {  	[dreg:$0x3] =	wrdreg s2  }
0xb0: {  	[dreg:$0x4] =	wrdreg $0x9  }
0xb1: {  	_ =	task.clear_ibuf [dreg:s7], $0x5FFFF;
	_ =	strace $0x90000046  }
0xb2: {  	s29 =	simm.s32 $0x9;
	_ =	strace $0x80000048  }
0xb3: {  	_ =	swait.ge [sflag:s29], $0x1  }
0xb4: {  	[sflag:s29] =	ssyncadd.s32 $0xFFFFFFFF  }
0xb5: {  	_ =	strace $0x90000048  }
0xb6: {  	_ =	sfence  }
0xb7: {  	s30 =	sld [smem:$0x0];
	_ =	sdelay $0x2  }
0xb8: {  	s31 =	sshll.u32 s1, $0xD;
	s1 =	sshrl.u32 s1, $0x2  }
0xb9: {  	s3 =	sand.u32 $0x4000, s31;
	s1 =	sadd.s32 s1, s30  }
0xba: {  	s0 =	sor.u32 s3, s0;
	s1 =	sshll.u32 s1, $0x11  }
0xbb: {  	s0 =	sor.u32 s1, s0  }
0xbc: {  	s0 =	sadd.s32 $0x8F2B, s0  }
0xbd: {  	[sflag:s0] =	ssyncadd.remote.s32 $0x1  }
0xbe: {  	_ =	sfence.sel $0xFFFF  }
0xbf: {  	[dreg:$0x0] =	wrdreg $0xFFFFFFFF;
	(pc) =	sbr.abs _section_cstart, $3  }
0xc0: {  	[dreg:$0x1] =	wrdreg $0xFFFFFFFF  }
0xc1: {  	_ =	task.clear_ibuf [dreg:s7], $0x2FFFF;
	_ =	strace $0x9FFFFFFF  }
0xc2: {  	(tm) =	ssettm $0x7FFFFFFF  }
0xc3: {  	_ =	shalt  }
tec
execute0_lowered:
.L_overlay_start_1:
0x0: {  	(tag) =	ssettag $0x1  }
0x1: {  	s0 =	rddreg [dreg:$0x0];
	s1 =	srdreg.scid;
	s3 =	simm.s32 $0x0  }
0x2: {  	s7 =	stileid.u32;
	s18 =	simm.s32 $0x3;
	s21 =	simm.s32 $0x1  }
0x3: {  	s22 =	simm.s32 $0x16800;
	s23 =	simm.s32 $0x2;
	s24 =	simm.s32 $0x6200  }
0x4: {  	s25 =	simm.s32 $0x6600;
	s28 =	simm.s32 $0x80;
	s29 =	simm.s32 $0x400  }
0x5: {  	s30 =	simm.s32 $0x0;
	s1 =	sand.u32 $0x1, s1;
	[smem:$0x7FF] =	sst s3  }
0x6: {  	s4 =	sadd.s32 $0x1400, s0;
	s5 =	sadd.s32 $0xC4C00, s0;
	s2 =	sshll.u32 s1, $0x4  }
0x7: {  	_ =	strace $0x80000047;
	s1 =	ssub.s32 $0x2, s1;
	s2 =	sor.u32 s7, s2  }
0x8: {  	s7 =	sshll.u32 s7, $0x7;
	s26 =	sshrl.u32 s1, $0x1;
	s6 =	sshrl.u32 s2, $0x3  }
0x9: {  	s7 =	sand.u32 $0x380, s7;
	s31 =	sshll.u32 s2, $0x5;
	s13 =	sshll.u32 s2, $0xB  }
0xa: {  	s1 =	ssub.s32 s1, s26;
	s10 =	sor.u32 $0x40, s2;
	s11 =	ssub.s32 $0x187, s2  }
0xb: {  	s12 =	sshll.u32 s2, $0x6;
	s17 =	sor.u32 $0x20, s2;
	s26 =	simm.s32 $0x1A800  }
0xc: {  	s8 =	sshll.u32 s6, $0x11;
	s9 =	sshll.u32 s6, $0x10;
	s6 =	sadd.s32 $0xC7E00, s0  }
.Ltmp0:
0xd: {  	s16 =	smax.u32 s1, $0x1;
	s8 =	sor.u32 s7, s8;
	(pc) =	sbr.rel .LBB2_1-.Ltmp0, $4  }
0xe: {  	s9 =	sor.u32 s7, s9;
	s7 =	sadd.s32 $0x186B400, s0;
	s8 =	sshrl.u32 s8, $0x3  }
0xf: {  	s12 =	sadd.s32 s6, s12;
	s9 =	sshrl.u32 s9, $0x3;
	s14 =	sadd.s32 s8, s0  }
0x10: {  	s0 =	sadd.s32 s9, s0;
	s8 =	sadd.s32 s5, s31;
	s9 =	sadd.s32 s4, s13  }
0x11: {  	v0 =	vimm.f32 $0.0e+00;
	v1 =	vlaneseq.u32;
	s13 =	sadd.s32 s7, s13;
	s14 =	sadd.s32 $0x100C00, s14;
	s15 =	sadd.s32 $0xF8C00, s0  }
.LBB2_20:
0x12: {  	[hbm4b:s14+s28] =	stream.strided.scatter [tilespmem:s22], [sflag:$0x3], $0x4000, s29, s28, $0x38;
	[tilespmem:$0x1C800] =	vst v63  }
0x13: {  	s30 =	sadd.s32 $0x1, s30;
	_ =	swait.ge [sflag:s18], $0x4000  }
0x14: {  	p0 =	sne.s32 s30, s16;
	[sflag:s18] =	ssyncset.done $0x0  }
.Ltmp1:
0x15: {  	[sflag:s18] =	ssyncadd.s32 $0xFFFFC000;
	(pc) =	sbr.rel @!p0 .LBB2_21-.Ltmp1, $4  }
0x16: {  	[hbm4b:s15+s28] =	stream.strided.scatter [tilespmem:s26], [sflag:$0x3], $0x2000, s29, s28, $0x38;
	[tilespmem:$0x1C800] =	vst v63  }
0x17: {  	_ =	swait.ge [sflag:s18], $0x2000  }
0x18: {  	[sflag:s18] =	ssyncset.done $0x0  }
0x19: {  	[sflag:s18] =	ssyncadd.s32 $0xFFFFE000  }
.LBB2_1:
0x1a: {  	s0 =	simm.s32 $0x0  }
.LBB2_2:
0x1b: {  	p0 =	sne.s32 s0, $0xFFC0  }
.Ltmp2:
0x1c: {  	_ = 	snop;
	(pc) =	sbr.rel @p0 .LBB2_2-.Ltmp2, $3  }
0x1d: {  	_ =	sdelay $0x1  }
0x1e: {  	s1 =	sshra.s32 s0, $0x2  }
0x1f: {  	s0 =	sadd.s32 $0x40, s0;
	[tilespmem:s1+$0x16800] =	vst v0  }
0x20: {  	s0 =	simm.s32 $0x40;
	s1 =	simm.s32 $0x0  }
.LBB2_4:
0x21: {  	p0 =	sne.s32 s0, $0x7FC0;
	[tilespmem:s1+$0x1A800] =	vst v0;
	s1 =	smov.u32 s0;
	s0 =	sadd.s32 $0x40, s0  }
.Ltmp3:
0x22: {  	(pc) =	sbr.rel @p0 .LBB2_4-.Ltmp3, $2  }
0x23: {  	_ =	sdelay $0x2  }
0x24: {  	s1 =	sshra.s32 s1, $0x2  }
0x25: {  	[tilespmem:s1+$0x1A800] =	vst v0;
	s31 =	simm.s32 $0x0;
	s0 =	rddreg [dreg:$0x1]  }
0x26: {  	[tilespmem:s31], [sflag:$0x3] =	stream.linear.gather [hbm4b:s0+s31], $0x6200, $0x38;
	[tilespmem:$0x1C800] =	vst v63  }
0x27: {  	_ =	swait.ge [sflag:s18], $0x6200  }
.Ltmp4:
0x28: {  	[sflag:s18] =	ssyncset.done $0x0;
	(pc) =	sbr.rel .LBB2_6-.Ltmp4, $4  }
0x29: {  	s19 =	simm.s32 $0xE600;
	[sflag:s18] =	ssyncadd.s32 $0xFFFF9E00  }
0x2a: {  	[tilespmem:s19], [sflag:$0x1] =	stream.linear.gather [hbm4b:s8+s31], $0x100, $0x38;
	[tilespmem:$0x1C800] =	vst v63  }
0x2b: {  	s20 =	simm.s32 $0xE800  }
0x2c: {  	[tilespmem:s20], [sflag:$0x1] =	stream.linear.gather [hbm4b:s9+s31], $0x4000, $0x38;
	[tilespmem:$0x1C800] =	vst v63  }
.LBB2_12:
0x2d: {  	s31 =	sadd.s32 $0x1, s31  }
0x2e: {  	p0 =	sne.s32 s31, $0x7  }
.Ltmp5:
0x2f: {  	_ = 	snop;
	(pc) =	sbr.rel @!p0 .LBB2_13-.Ltmp5, $1  }
0x30: {  	_ =	sdelay $0x3  }
.LBB2_6:
0x31: {  	s0 =	sshll.u32 s31, $0x6  }
0x32: {  	s1 =	sor.u32 s17, s0  }
0x33: {  	p1 =	sge.u32 s0, s11;
	p0 =	sgt.u32 s1, $0x186  }
.Ltmp6:
0x34: {  	s2 =	sshll.u32 @!p0 s1, $0x5;
	s19 =	simm.s32 @!p0 $0x0;
	(pc) =	sbr.rel @p1 .LBB2_9-.Ltmp6, $4  }
0x35: {  	s20 =	simm.s32 @!p0 $0xE700;
	s1 =	sshll.u32 @!p0 s1, $0xB;
	s2 =	sadd.s32 @!p0 s5, s2  }
0x36: {  	[tilespmem:s20], [sflag:$0x2] =	stream.linear.gather @!p0 [hbm4b:s2+s19], $0x100, $0x38;
	[tilespmem:$0x1C800] =	vst v63  }
0x37: {  	s1 =	sadd.s32 @!p0 s4, s1;
	s2 =	simm.s32 @!p0 $0x12800  }
0x38: {  	[tilespmem:s2], [sflag:$0x2] =	stream.linear.gather @!p0 [hbm4b:s1+s19], $0x4000, $0x38;
	[tilespmem:$0x1C800] =	vst v63  }
0x39: {  	_ =	swait.ge [sflag:s21], $0x100  }
0x3a: {  	[sflag:s21] =	ssyncset.done $0x0  }
0x3b: {  	[sflag:s21] =	ssyncadd.s32 $0xFFFFFF00  }
0x3c: {  	_ =	swait.ge [sflag:s21], $0x4000  }
0x3d: {  	[sflag:s21] =	ssyncset.done $0x0  }
0x3e: {  	s2 =	simm.s32 $0x0;
	s1 =	simm.s32 $0xEA00;
	[sflag:s21] =	ssyncadd.s32 $0xFFFFC000  }
.LBB2_8:
0x3f: {  	s19 =	sshra.s32 s2, $0x2  }
0x40: {  	v2 =	vld [tilespmem:s19+$0xE600];
	_ =	sdelay $0x4  }
0x41: {  	v2 =	vshll.u32 v2, $0x6  }
0x42: {  	(v2sf) =	vpush v2, $0x0;
	_ =	sdelay $0x8  }
0x43: {  	v3 =	vbroadcast v2, $0x0;
	_ =	sdelay $0x1  }
0x44: {  	v4 =	vld [tilespmem:s1+$0xFFFFFE00];
	v3 =	vor.u32 v1, v3;
	_ =	sdelay $0x3  }
0x45: {  	s19 =	spop (v2sf)  }
0x46: {  	[tilespmem:v3+s22+$0x0] =	vst.idx.add.f32.msk $0xffff, v4;
	s20 =	sor.u32 $0x10, s19  }
0x47: {  	v3 =	vld [tilespmem:s1+$0xFFFFFE10];
	v48 =	vor.u32 s20, v1;
	_ =	sdelay $0x4  }
0x48: {  	s20 =	sor.u32 $0x20, s19;
	[tilespmem:v48+s22+$0x0] =	vst.idx.add.f32.msk $0xffff, v3  }
0x49: {  	v49 =	vor.u32 s20, v1;
	v3 =	vld [tilespmem:s1+$0xFFFFFE20]  }
0x4a: {  	(v2sf) =	vpush v2, $0x1;
	_ =	sdelay $0x3  }
0x4b: {  	s19 =	sor.u32 $0x30, s19;
	[tilespmem:v49+s22+$0x0] =	vst.idx.add.f32.msk $0xffff, v3  }
0x4c: {  	v50 =	vor.u32 s19, v1;
	v3 =	vld [tilespmem:s1+$0xFFFFFE30];
	_ =	sdelay $0x3  }
0x4d: {  	v5 =	vbroadcast v2, $0x1  }
0x4e: {  	[tilespmem:v50+s22+$0x0] =	vst.idx.add.f32.msk $0xffff, v3  }
0x4f: {  	v51 =	vor.u32 v1, v5;
	v3 =	vld [tilespmem:s1+$0xFFFFFE40];
	_ =	sdelay $0x3  }
0x50: {  	s19 =	spop (v2sf)  }
0x51: {  	s20 =	sor.u32 $0x10, s19;
	[tilespmem:v51+s22+$0x0] =	vst.idx.add.f32.msk $0xffff, v3  }
0x52: {  	v52 =	vor.u32 s20, v1;
	v3 =	vld [tilespmem:s1+$0xFFFFFE50];
	_ =	sdelay $0x4  }
0x53: {  	s20 =	sor.u32 $0x20, s19;
	[tilespmem:v52+s22+$0x0] =	vst.idx.add.f32.msk $0xffff, v3  }
0x54: {  	v53 =	vor.u32 s20, v1;
	v3 =	vld [tilespmem:s1+$0xFFFFFE60]  }
0x55: {  	(v2sf) =	vpush v2, $0x2;
	_ =	sdelay $0x3  }
0x56: {  	s19 =	sor.u32 $0x30, s19;
	[tilespmem:v53+s22+$0x0] =	vst.idx.add.f32.msk $0xffff, v3  }
0x57: {  	v54 =	vor.u32 s19, v1;
	v3 =	vld [tilespmem:s1+$0xFFFFFE70];
	_ =	sdelay $0x3  }
0x58: {  	v55 =	vbroadcast v2, $0x2  }
0x59: {  	[tilespmem:v54+s22+$0x0] =	vst.idx.add.f32.msk $0xffff, v3  }
0x5a: {  	v56 =	vor.u32 v1, v55;
	v3 =	vld [tilespmem:s1+$0xFFFFFE80];
	_ =	sdelay $0x3  }
0x5b: {  	s19 =	spop (v2sf)  }
0x5c: {  	s20 =	sor.u32 $0x10, s19;
	[tilespmem:v56+s22+$0x0] =	vst.idx.add.f32.msk $0xffff, v3  }
0x5d: {  	v57 =	vor.u32 s20, v1;
	v3 =	vld [tilespmem:s1+$0xFFFFFE90];
	_ =	sdelay $0x4  }
0x5e: {  	s20 =	sor.u32 $0x20, s19;
	[tilespmem:v57+s22+$0x0] =	vst.idx.add.f32.msk $0xffff, v3  }
0x5f: {  	v58 =	vor.u32 s20, v1;
	v3 =	vld [tilespmem:s1+$0xFFFFFEA0]  }
0x60: {  	(v2sf) =	vpush v2, $0x3;
	_ =	sdelay $0x3  }
0x61: {  	s19 =	sor.u32 $0x30, s19;
	[tilespmem:v58+s22+$0x0] =	vst.idx.add.f32.msk $0xffff, v3  }
0x62: {  	v59 =	vor.u32 s19, v1;
	v3 =	vld [tilespmem:s1+$0xFFFFFEB0];
	_ =	sdelay $0x3  }
0x63: {  	v60 =	vbroadcast v2, $0x3  }
0x64: {  	[tilespmem:v59+s22+$0x0] =	vst.idx.add.f32.msk $0xffff, v3  }
0x65: {  	v61 =	vor.u32 v1, v60;
	v3 =	vld [tilespmem:s1+$0xFFFFFEC0];
	_ =	sdelay $0x3  }
0x66: {  	s19 =	spop (v2sf)  }
0x67: {  	s20 =	sor.u32 $0x10, s19;
	[tilespmem:v61+s22+$0x0] =	vst.idx.add.f32.msk $0xffff, v3  }
0x68: {  	v62 =	vor.u32 s20, v1;
	v3 =	vld [tilespmem:s1+$0xFFFFFED0];
	_ =	sdelay $0x4  }
0x69: {  	s20 =	sor.u32 $0x20, s19;
	[tilespmem:v62+s22+$0x0] =	vst.idx.add.f32.msk $0xffff, v3  }
0x6a: {  	v63 =	vor.u32 s20, v1;
	v3 =	vld [tilespmem:s1+$0xFFFFFEE0]  }
0x6b: {  	(v2sf) =	vpush v2, $0x4;
	_ =	sdelay $0x3  }
0x6c: {  	s19 =	sor.u32 $0x30, s19;
	[tilespmem:v63+s22+$0x0] =	vst.idx.add.f32.msk $0xffff, v3  }
0x6d: {  	v8 =	vor.u32 s19, v1;
	v3 =	vld [tilespmem:s1+$0xFFFFFEF0];
	_ =	sdelay $0x3  }
0x6e: {  	v9 =	vbroadcast v2, $0x4  }
0x6f: {  	[tilespmem:v8+s22+$0x0] =	vst.idx.add.f32.msk $0xffff, v3  }
0x70: {  	v10 =	vor.u32 v1, v9;
	v3 =	vld [tilespmem:s1+$0xFFFFFF00];
	_ =	sdelay $0x3  }
0x71: {  	s19 =	spop (v2sf)  }
0x72: {  	s20 =	sor.u32 $0x10, s19;
	[tilespmem:v10+s22+$0x0] =	vst.idx.add.f32.msk $0xffff, v3  }
0x73: {  	v11 =	vor.u32 s20, v1;
	v3 =	vld [tilespmem:s1+$0xFFFFFF10];
	_ =	sdelay $0x4  }
0x74: {  	s20 =	sor.u32 $0x20, s19;
	[tilespmem:v11+s22+$0x0] =	vst.idx.add.f32.msk $0xffff, v3  }
0x75: {  	v12 =	vor.u32 s20, v1;
	v3 =	vld [tilespmem:s1+$0xFFFFFF20]  }
0x76: {  	(v2sf) =	vpush v2, $0x5;
	_ =	sdelay $0x3  }
0x77: {  	s19 =	sor.u32 $0x30, s19;
	[tilespmem:v12+s22+$0x0] =	vst.idx.add.f32.msk $0xffff, v3  }
0x78: {  	v13 =	vor.u32 s19, v1;
	v3 =	vld [tilespmem:s1+$0xFFFFFF30];
	_ =	sdelay $0x3  }
0x79: {  	v14 =	vbroadcast v2, $0x5  }
0x7a: {  	[tilespmem:v13+s22+$0x0] =	vst.idx.add.f32.msk $0xffff, v3  }
0x7b: {  	v15 =	vor.u32 v1, v14;
	v3 =	vld [tilespmem:s1+$0xFFFFFF40];
	_ =	sdelay $0x3  }
0x7c: {  	s19 =	spop (v2sf)  }
0x7d: {  	s20 =	sor.u32 $0x10, s19;
	[tilespmem:v15+s22+$0x0] =	vst.idx.add.f32.msk $0xffff, v3  }
0x7e: {  	v16 =	vor.u32 s20, v1;
	v3 =	vld [tilespmem:s1+$0xFFFFFF50];
	_ =	sdelay $0x4  }
0x7f: {  	s20 =	sor.u32 $0x20, s19;
	[tilespmem:v16+s22+$0x0] =	vst.idx.add.f32.msk $0xffff, v3  }
0x80: {  	v17 =	vor.u32 s20, v1;
	v3 =	vld [tilespmem:s1+$0xFFFFFF60]  }
0x81: {  	(v2sf) =	vpush v2, $0x6;
	_ =	sdelay $0x3  }
0x82: {  	s19 =	sor.u32 $0x30, s19;
	[tilespmem:v17+s22+$0x0] =	vst.idx.add.f32.msk $0xffff, v3  }
0x83: {  	v18 =	vor.u32 s19, v1;
	v3 =	vld [tilespmem:s1+$0xFFFFFF70];
	_ =	sdelay $0x3  }
0x84: {  	v19 =	vbroadcast v2, $0x6  }
0x85: {  	[tilespmem:v18+s22+$0x0] =	vst.idx.add.f32.msk $0xffff, v3  }
0x86: {  	v20 =	vor.u32 v1, v19;
	v3 =	vld [tilespmem:s1+$0xFFFFFF80];
	_ =	sdelay $0x3  }
0x87: {  	s19 =	spop (v2sf)  }
0x88: {  	s20 =	sor.u32 $0x10, s19;
	[tilespmem:v20+s22+$0x0] =	vst.idx.add.f32.msk $0xffff, v3  }
0x89: {  	v21 =	vor.u32 s20, v1;
	v3 =	vld [tilespmem:s1+$0xFFFFFF90];
	_ =	sdelay $0x4  }
0x8a: {  	s20 =	sor.u32 $0x20, s19;
	[tilespmem:v21+s22+$0x0] =	vst.idx.add.f32.msk $0xffff, v3  }
0x8b: {  	v22 =	vor.u32 s20, v1;
	v3 =	vld [tilespmem:s1+$0xFFFFFFA0]  }
0x8c: {  	(v2sf) =	vpush v2, $0x7;
	_ =	sdelay $0x3  }
0x8d: {  	s19 =	sor.u32 $0x30, s19;
	[tilespmem:v22+s22+$0x0] =	vst.idx.add.f32.msk $0xffff, v3  }
0x8e: {  	v23 =	vor.u32 s19, v1;
	v3 =	vld [tilespmem:s1+$0xFFFFFFB0];
	_ =	sdelay $0x3  }
0x8f: {  	v24 =	vbroadcast v2, $0x7  }
0x90: {  	[tilespmem:v23+s22+$0x0] =	vst.idx.add.f32.msk $0xffff, v3  }
0x91: {  	v25 =	vor.u32 v1, v24;
	v3 =	vld [tilespmem:s1+$0xFFFFFFC0];
	_ =	sdelay $0x3  }
0x92: {  	s19 =	spop (v2sf)  }
0x93: {  	s20 =	sor.u32 $0x10, s19;
	[tilespmem:v25+s22+$0x0] =	vst.idx.add.f32.msk $0xffff, v3  }
0x94: {  	v26 =	vor.u32 s20, v1;
	v3 =	vld [tilespmem:s1+$0xFFFFFFD0];
	_ =	sdelay $0x4  }
0x95: {  	s20 =	sor.u32 $0x20, s19;
	[tilespmem:v26+s22+$0x0] =	vst.idx.add.f32.msk $0xffff, v3  }
0x96: {  	v27 =	vor.u32 s20, v1;
	v3 =	vld [tilespmem:s1+$0xFFFFFFE0]  }
0x97: {  	(v2sf) =	vpush v2, $0x8;
	_ =	sdelay $0x3  }
0x98: {  	s19 =	sor.u32 $0x30, s19;
	[tilespmem:v27+s22+$0x0] =	vst.idx.add.f32.msk $0xffff, v3  }
0x99: {  	v28 =	vor.u32 s19, v1;
	v3 =	vld [tilespmem:s1+$0xFFFFFFF0];
	_ =	sdelay $0x3  }
0x9a: {  	v29 =	vbroadcast v2, $0x8  }
0x9b: {  	[tilespmem:v28+s22+$0x0] =	vst.idx.add.f32.msk $0xffff, v3  }
0x9c: {  	v30 =	vor.u32 v1, v29;
	v3 =	vld [tilespmem:s1+$0x0];
	_ =	sdelay $0x3  }
0x9d: {  	s19 =	spop (v2sf)  }
0x9e: {  	s20 =	sor.u32 $0x10, s19;
	[tilespmem:v30+s22+$0x0] =	vst.idx.add.f32.msk $0xffff, v3  }
0x9f: {  	v31 =	vor.u32 s20, v1;
	v3 =	vld [tilespmem:s1+$0x10];
	_ =	sdelay $0x4  }
0xa0: {  	s20 =	sor.u32 $0x20, s19;
	[tilespmem:v31+s22+$0x0] =	vst.idx.add.f32.msk $0xffff, v3  }
0xa1: {  	v32 =	vor.u32 s20, v1;
	v3 =	vld [tilespmem:s1+$0x20]  }
0xa2: {  	(v2sf) =	vpush v2, $0x9;
	_ =	sdelay $0x3  }
0xa3: {  	s19 =	sor.u32 $0x30, s19;
	[tilespmem:v32+s22+$0x0] =	vst.idx.add.f32.msk $0xffff, v3  }
0xa4: {  	v33 =	vor.u32 s19, v1;
	v3 =	vld [tilespmem:s1+$0x30];
	_ =	sdelay $0x3  }
0xa5: {  	v34 =	vbroadcast v2, $0x9  }
0xa6: {  	[tilespmem:v33+s22+$0x0] =	vst.idx.add.f32.msk $0xffff, v3  }
0xa7: {  	v35 =	vor.u32 v1, v34;
	v3 =	vld [tilespmem:s1+$0x40];
	_ =	sdelay $0x3  }
0xa8: {  	s19 =	spop (v2sf)  }
0xa9: {  	s20 =	sor.u32 $0x10, s19;
	[tilespmem:v35+s22+$0x0] =	vst.idx.add.f32.msk $0xffff, v3  }
0xaa: {  	v36 =	vor.u32 s20, v1;
	v3 =	vld [tilespmem:s1+$0x50];
	_ =	sdelay $0x4  }
0xab: {  	s20 =	sor.u32 $0x20, s19;
	[tilespmem:v36+s22+$0x0] =	vst.idx.add.f32.msk $0xffff, v3  }
0xac: {  	v37 =	vor.u32 s20, v1;
	v3 =	vld [tilespmem:s1+$0x60]  }
0xad: {  	(v2sf) =	vpush v2, $0xA;
	_ =	sdelay $0x3  }
0xae: {  	s19 =	sor.u32 $0x30, s19;
	[tilespmem:v37+s22+$0x0] =	vst.idx.add.f32.msk $0xffff, v3  }
0xaf: {  	v38 =	vor.u32 s19, v1;
	v3 =	vld [tilespmem:s1+$0x70];
	_ =	sdelay $0x3  }
0xb0: {  	v39 =	vbroadcast v2, $0xA  }
0xb1: {  	[tilespmem:v38+s22+$0x0] =	vst.idx.add.f32.msk $0xffff, v3  }
0xb2: {  	v40 =	vor.u32 v1, v39;
	v3 =	vld [tilespmem:s1+$0x80];
	_ =	sdelay $0x3  }
0xb3: {  	s19 =	spop (v2sf)  }
0xb4: {  	s20 =	sor.u32 $0x10, s19;
	[tilespmem:v40+s22+$0x0] =	vst.idx.add.f32.msk $0xffff, v3  }
0xb5: {  	v41 =	vor.u32 s20, v1;
	v3 =	vld [tilespmem:s1+$0x90];
	_ =	sdelay $0x4  }
0xb6: {  	s20 =	sor.u32 $0x20, s19;
	[tilespmem:v41+s22+$0x0] =	vst.idx.add.f32.msk $0xffff, v3  }
0xb7: {  	v42 =	vor.u32 s20, v1;
	v3 =	vld [tilespmem:s1+$0xA0]  }
0xb8: {  	(v2sf) =	vpush v2, $0xB;
	_ =	sdelay $0x3  }
0xb9: {  	s19 =	sor.u32 $0x30, s19;
	[tilespmem:v42+s22+$0x0] =	vst.idx.add.f32.msk $0xffff, v3  }
0xba: {  	v43 =	vor.u32 s19, v1;
	v3 =	vld [tilespmem:s1+$0xB0];
	_ =	sdelay $0x3  }
0xbb: {  	v44 =	vbroadcast v2, $0xB  }
0xbc: {  	[tilespmem:v43+s22+$0x0] =	vst.idx.add.f32.msk $0xffff, v3  }
0xbd: {  	v45 =	vor.u32 v1, v44;
	v3 =	vld [tilespmem:s1+$0xC0];
	_ =	sdelay $0x3  }
0xbe: {  	s19 =	spop (v2sf)  }
0xbf: {  	s20 =	sor.u32 $0x10, s19;
	[tilespmem:v45+s22+$0x0] =	vst.idx.add.f32.msk $0xffff, v3  }
0xc0: {  	v46 =	vor.u32 s20, v1;
	v3 =	vld [tilespmem:s1+$0xD0];
	_ =	sdelay $0x4  }
0xc1: {  	s20 =	sor.u32 $0x20, s19;
	[tilespmem:v46+s22+$0x0] =	vst.idx.add.f32.msk $0xffff, v3  }
0xc2: {  	v47 =	vor.u32 s20, v1;
	v3 =	vld [tilespmem:s1+$0xE0]  }
0xc3: {  	(v2sf) =	vpush v2, $0xC;
	_ =	sdelay $0x3  }
0xc4: {  	s19 =	sor.u32 $0x30, s19;
	[tilespmem:v47+s22+$0x0] =	vst.idx.add.f32.msk $0xffff, v3  }
0xc5: {  	v48 =	vor.u32 s19, v1;
	v3 =	vld [tilespmem:s1+$0xF0];
	_ =	sdelay $0x3  }
0xc6: {  	v49 =	vbroadcast v2, $0xC  }
0xc7: {  	[tilespmem:v48+s22+$0x0] =	vst.idx.add.f32.msk $0xffff, v3  }
0xc8: {  	v50 =	vor.u32 v1, v49;
	v3 =	vld [tilespmem:s1+$0x100];
	_ =	sdelay $0x3  }
0xc9: {  	s19 =	spop (v2sf)  }
0xca: {  	s20 =	sor.u32 $0x10, s19;
	[tilespmem:v50+s22+$0x0] =	vst.idx.add.f32.msk $0xffff, v3  }
0xcb: {  	v51 =	vor.u32 s20, v1;
	v3 =	vld [tilespmem:s1+$0x110];
	_ =	sdelay $0x4  }
0xcc: {  	s20 =	sor.u32 $0x20, s19;
	[tilespmem:v51+s22+$0x0] =	vst.idx.add.f32.msk $0xffff, v3  }
0xcd: {  	v52 =	vor.u32 s20, v1;
	v3 =	vld [tilespmem:s1+$0x120]  }
0xce: {  	(v2sf) =	vpush v2, $0xD;
	_ =	sdelay $0x3  }
0xcf: {  	s19 =	sor.u32 $0x30, s19;
	[tilespmem:v52+s22+$0x0] =	vst.idx.add.f32.msk $0xffff, v3  }
0xd0: {  	v53 =	vor.u32 s19, v1;
	v3 =	vld [tilespmem:s1+$0x130];
	_ =	sdelay $0x3  }
0xd1: {  	v54 =	vbroadcast v2, $0xD  }
0xd2: {  	[tilespmem:v53+s22+$0x0] =	vst.idx.add.f32.msk $0xffff, v3  }
0xd3: {  	v55 =	vor.u32 v1, v54;
	v3 =	vld [tilespmem:s1+$0x140];
	_ =	sdelay $0x3  }
0xd4: {  	s19 =	spop (v2sf)  }
0xd5: {  	s20 =	sor.u32 $0x10, s19;
	[tilespmem:v55+s22+$0x0] =	vst.idx.add.f32.msk $0xffff, v3  }
0xd6: {  	v56 =	vor.u32 s20, v1;
	v3 =	vld [tilespmem:s1+$0x150];
	_ =	sdelay $0x4  }
0xd7: {  	s20 =	sor.u32 $0x20, s19;
	[tilespmem:v56+s22+$0x0] =	vst.idx.add.f32.msk $0xffff, v3  }
0xd8: {  	v57 =	vor.u32 s20, v1;
	v3 =	vld [tilespmem:s1+$0x160]  }
0xd9: {  	(v2sf) =	vpush v2, $0xE;
	_ =	sdelay $0x3  }
0xda: {  	s19 =	sor.u32 $0x30, s19;
	[tilespmem:v57+s22+$0x0] =	vst.idx.add.f32.msk $0xffff, v3  }
0xdb: {  	v58 =	vor.u32 s19, v1;
	v3 =	vld [tilespmem:s1+$0x170];
	_ =	sdelay $0x3  }
0xdc: {  	v59 =	vbroadcast v2, $0xE  }
0xdd: {  	[tilespmem:v58+s22+$0x0] =	vst.idx.add.f32.msk $0xffff, v3  }
0xde: {  	v60 =	vor.u32 v1, v59;
	v3 =	vld [tilespmem:s1+$0x180];
	_ =	sdelay $0x3  }
0xdf: {  	s19 =	spop (v2sf)  }
0xe0: {  	s20 =	sor.u32 $0x10, s19;
	[tilespmem:v60+s22+$0x0] =	vst.idx.add.f32.msk $0xffff, v3  }
0xe1: {  	v61 =	vor.u32 s20, v1;
	v3 =	vld [tilespmem:s1+$0x190];
	_ =	sdelay $0x4  }
0xe2: {  	s20 =	sor.u32 $0x20, s19;
	[tilespmem:v61+s22+$0x0] =	vst.idx.add.f32.msk $0xffff, v3  }
0xe3: {  	v62 =	vor.u32 s20, v1;
	v3 =	vld [tilespmem:s1+$0x1A0]  }
0xe4: {  	(v2sf) =	vpush v2, $0xF;
	_ =	sdelay $0x3  }
0xe5: {  	s19 =	sor.u32 $0x30, s19;
	[tilespmem:v62+s22+$0x0] =	vst.idx.add.f32.msk $0xffff, v3  }
0xe6: {  	v63 =	vor.u32 s19, v1;
	v3 =	vld [tilespmem:s1+$0x1B0];
	_ =	sdelay $0x3  }
0xe7: {  	v2 =	vbroadcast v2, $0xF  }
0xe8: {  	[tilespmem:v63+s22+$0x0] =	vst.idx.add.f32.msk $0xffff, v3  }
0xe9: {  	v2 =	vor.u32 v1, v2;
	v3 =	vld [tilespmem:s1+$0x1C0];
	_ =	sdelay $0x3  }
0xea: {  	s19 =	spop (v2sf)  }
0xeb: {  	s20 =	sor.u32 $0x10, s19;
	[tilespmem:v2+s22+$0x0] =	vst.idx.add.f32.msk $0xffff, v3  }
0xec: {  	v3 =	vor.u32 s20, v1;
	v2 =	vld [tilespmem:s1+$0x1D0];
	_ =	sdelay $0x4  }
0xed: {  	s20 =	sor.u32 $0x20, s19;
	[tilespmem:v3+s22+$0x0] =	vst.idx.add.f32.msk $0xffff, v2  }
0xee: {  	v3 =	vor.u32 s20, v1;
	v2 =	vld [tilespmem:s1+$0x1E0];
	_ =	sdelay $0x4  }
0xef: {  	s19 =	sor.u32 $0x30, s19;
	[tilespmem:v3+s22+$0x0] =	vst.idx.add.f32.msk $0xffff, v2  }
0xf0: {  	p1 =	sne.s32 s2, $0x3C0;
	v3 =	vor.u32 s19, v1;
	v2 =	vld [tilespmem:s1+$0x1F0]  }
.Ltmp7:
0xf1: {  	_ = 	snop;
	(pc) =	sbr.rel @p1 .LBB2_8-.Ltmp7, $2  }
0xf2: {  	_ =	sdelay $0x2  }
0xf3: {  	s2 =	sadd.s32 $0x40, s2;
	s1 =	sadd.s32 $0x400, s1;
	[tilespmem:v3+s22+$0x0] =	vst.idx.add.f32.msk $0xffff, v2  }
.LBB2_9:
0xf4: {  	s0 =	sadd.s32 s10, s0  }
0xf5: {  	p1 =	sgt.u32 s0, $0x186  }
.Ltmp8:
0xf6: {  	s1 =	sshll.u32 @!p1 s0, $0x5;
	s2 =	simm.s32 @!p1 $0x0;
	(pc) =	sbr.rel @p0 .LBB2_12-.Ltmp8, $4  }
0xf7: {  	s19 =	simm.s32 @!p1 $0xE600;
	s0 =	sshll.u32 @!p1 s0, $0xB;
	s1 =	sadd.s32 @!p1 s5, s1  }
0xf8: {  	[tilespmem:s19], [sflag:$0x1] =	stream.linear.gather @!p1 [hbm4b:s1+s2], $0x100, $0x38;
	[tilespmem:$0x1C800] =	vst v63  }
0xf9: {  	s0 =	sadd.s32 @!p1 s4, s0;
	s1 =	simm.s32 @!p1 $0xE800  }
0xfa: {  	[tilespmem:s1], [sflag:$0x1] =	stream.linear.gather @!p1 [hbm4b:s0+s2], $0x4000, $0x38;
	[tilespmem:$0x1C800] =	vst v63  }
0xfb: {  	_ =	swait.ge [sflag:s23], $0x100  }
0xfc: {  	[sflag:s23] =	ssyncset.done $0x0  }
0xfd: {  	[sflag:s23] =	ssyncadd.s32 $0xFFFFFF00  }
0xfe: {  	_ =	swait.ge [sflag:s23], $0x4000  }
0xff: {  	[sflag:s23] =	ssyncset.done $0x0  }
0x100: {  	s0 =	simm.s32 $0x0;
	s1 =	simm.s32 $0x12A00;
	[sflag:s23] =	ssyncadd.s32 $0xFFFFC000  }
.LBB2_11:
0x101: {  	s2 =	sshra.s32 s0, $0x2  }
0x102: {  	v2 =	vld [tilespmem:s2+$0xE700];
	_ =	sdelay $0x4  }
0x103: {  	v2 =	vshll.u32 v2, $0x6  }
0x104: {  	(v2sf) =	vpush v2, $0x0;
	_ =	sdelay $0x8  }
0x105: {  	v3 =	vbroadcast v2, $0x0;
	_ =	sdelay $0x1  }
0x106: {  	v4 =	vld [tilespmem:s1+$0xFFFFFE00];
	v3 =	vor.u32 v1, v3;
	_ =	sdelay $0x3  }
0x107: {  	s2 =	spop (v2sf)  }
0x108: {  	[tilespmem:v3+s22+$0x0] =	vst.idx.add.f32.msk $0xffff, v4;
	s19 =	sor.u32 $0x10, s2  }
0x109: {  	v3 =	vld [tilespmem:s1+$0xFFFFFE10];
	v48 =	vor.u32 s19, v1;
	_ =	sdelay $0x4  }
0x10a: {  	s20 =	sor.u32 $0x20, s2;
	[tilespmem:v48+s22+$0x0] =	vst.idx.add.f32.msk $0xffff, v3  }
0x10b: {  	v49 =	vor.u32 s20, v1;
	v3 =	vld [tilespmem:s1+$0xFFFFFE20]  }
0x10c: {  	(v2sf) =	vpush v2, $0x1;
	_ =	sdelay $0x3  }
0x10d: {  	s2 =	sor.u32 $0x30, s2;
	[tilespmem:v49+s22+$0x0] =	vst.idx.add.f32.msk $0xffff, v3  }
0x10e: {  	v50 =	vor.u32 s2, v1;
	v3 =	vld [tilespmem:s1+$0xFFFFFE30];
	_ =	sdelay $0x3  }
0x10f: {  	v5 =	vbroadcast v2, $0x1  }
0x110: {  	[tilespmem:v50+s22+$0x0] =	vst.idx.add.f32.msk $0xffff, v3  }
0x111: {  	v51 =	vor.u32 v1, v5;
	v3 =	vld [tilespmem:s1+$0xFFFFFE40];
	_ =	sdelay $0x3  }
0x112: {  	s2 =	spop (v2sf)  }
0x113: {  	s20 =	sor.u32 $0x10, s2;
	[tilespmem:v51+s22+$0x0] =	vst.idx.add.f32.msk $0xffff, v3  }
0x114: {  	v52 =	vor.u32 s20, v1;
	v3 =	vld [tilespmem:s1+$0xFFFFFE50];
	_ =	sdelay $0x4  }
0x115: {  	s20 =	sor.u32 $0x20, s2;
	[tilespmem:v52+s22+$0x0] =	vst.idx.add.f32.msk $0xffff, v3  }
0x116: {  	v53 =	vor.u32 s20, v1;
	v3 =	vld [tilespmem:s1+$0xFFFFFE60]  }
0x117: {  	(v2sf) =	vpush v2, $0x2;
	_ =	sdelay $0x3  }
0x118: {  	s2 =	sor.u32 $0x30, s2;
	[tilespmem:v53+s22+$0x0] =	vst.idx.add.f32.msk $0xffff, v3  }
0x119: {  	v54 =	vor.u32 s2, v1;
	v3 =	vld [tilespmem:s1+$0xFFFFFE70];
	_ =	sdelay $0x3  }
0x11a: {  	v55 =	vbroadcast v2, $0x2  }
0x11b: {  	[tilespmem:v54+s22+$0x0] =	vst.idx.add.f32.msk $0xffff, v3  }
0x11c: {  	v56 =	vor.u32 v1, v55;
	v3 =	vld [tilespmem:s1+$0xFFFFFE80];
	_ =	sdelay $0x3  }
0x11d: {  	s2 =	spop (v2sf)  }
0x11e: {  	s20 =	sor.u32 $0x10, s2;
	[tilespmem:v56+s22+$0x0] =	vst.idx.add.f32.msk $0xffff, v3  }
0x11f: {  	v57 =	vor.u32 s20, v1;
	v3 =	vld [tilespmem:s1+$0xFFFFFE90];
	_ =	sdelay $0x4  }
0x120: {  	s20 =	sor.u32 $0x20, s2;
	[tilespmem:v57+s22+$0x0] =	vst.idx.add.f32.msk $0xffff, v3  }
0x121: {  	v58 =	vor.u32 s20, v1;
	v3 =	vld [tilespmem:s1+$0xFFFFFEA0]  }
0x122: {  	(v2sf) =	vpush v2, $0x3;
	_ =	sdelay $0x3  }
0x123: {  	s2 =	sor.u32 $0x30, s2;
	[tilespmem:v58+s22+$0x0] =	vst.idx.add.f32.msk $0xffff, v3  }
0x124: {  	v59 =	vor.u32 s2, v1;
	v3 =	vld [tilespmem:s1+$0xFFFFFEB0];
	_ =	sdelay $0x3  }
0x125: {  	v60 =	vbroadcast v2, $0x3  }
0x126: {  	[tilespmem:v59+s22+$0x0] =	vst.idx.add.f32.msk $0xffff, v3  }
0x127: {  	v61 =	vor.u32 v1, v60;
	v3 =	vld [tilespmem:s1+$0xFFFFFEC0];
	_ =	sdelay $0x3  }
0x128: {  	s2 =	spop (v2sf)  }
0x129: {  	s20 =	sor.u32 $0x10, s2;
	[tilespmem:v61+s22+$0x0] =	vst.idx.add.f32.msk $0xffff, v3  }
0x12a: {  	v62 =	vor.u32 s20, v1;
	v3 =	vld [tilespmem:s1+$0xFFFFFED0];
	_ =	sdelay $0x4  }
0x12b: {  	s20 =	sor.u32 $0x20, s2;
	[tilespmem:v62+s22+$0x0] =	vst.idx.add.f32.msk $0xffff, v3  }
0x12c: {  	v63 =	vor.u32 s20, v1;
	v3 =	vld [tilespmem:s1+$0xFFFFFEE0]  }
0x12d: {  	(v2sf) =	vpush v2, $0x4;
	_ =	sdelay $0x3  }
0x12e: {  	s2 =	sor.u32 $0x30, s2;
	[tilespmem:v63+s22+$0x0] =	vst.idx.add.f32.msk $0xffff, v3  }
0x12f: {  	v8 =	vor.u32 s2, v1;
	v3 =	vld [tilespmem:s1+$0xFFFFFEF0];
	_ =	sdelay $0x3  }
0x130: {  	v9 =	vbroadcast v2, $0x4  }
0x131: {  	[tilespmem:v8+s22+$0x0] =	vst.idx.add.f32.msk $0xffff, v3  }
0x132: {  	v10 =	vor.u32 v1, v9;
	v3 =	vld [tilespmem:s1+$0xFFFFFF00];
	_ =	sdelay $0x3  }
0x133: {  	s2 =	spop (v2sf)  }
0x134: {  	s20 =	sor.u32 $0x10, s2;
	[tilespmem:v10+s22+$0x0] =	vst.idx.add.f32.msk $0xffff, v3  }
0x135: {  	v11 =	vor.u32 s20, v1;
	v3 =	vld [tilespmem:s1+$0xFFFFFF10];
	_ =	sdelay $0x4  }
0x136: {  	s20 =	sor.u32 $0x20, s2;
	[tilespmem:v11+s22+$0x0] =	vst.idx.add.f32.msk $0xffff, v3  }
0x137: {  	v12 =	vor.u32 s20, v1;
	v3 =	vld [tilespmem:s1+$0xFFFFFF20]  }
0x138: {  	(v2sf) =	vpush v2, $0x5;
	_ =	sdelay $0x3  }
0x139: {  	s2 =	sor.u32 $0x30, s2;
	[tilespmem:v12+s22+$0x0] =	vst.idx.add.f32.msk $0xffff, v3  }
0x13a: {  	v13 =	vor.u32 s2, v1;
	v3 =	vld [tilespmem:s1+$0xFFFFFF30];
	_ =	sdelay $0x3  }
0x13b: {  	v14 =	vbroadcast v2, $0x5  }
0x13c: {  	[tilespmem:v13+s22+$0x0] =	vst.idx.add.f32.msk $0xffff, v3  }
0x13d: {  	v15 =	vor.u32 v1, v14;
	v3 =	vld [tilespmem:s1+$0xFFFFFF40];
	_ =	sdelay $0x3  }
0x13e: {  	s2 =	spop (v2sf)  }
0x13f: {  	s20 =	sor.u32 $0x10, s2;
	[tilespmem:v15+s22+$0x0] =	vst.idx.add.f32.msk $0xffff, v3  }
0x140: {  	v16 =	vor.u32 s20, v1;
	v3 =	vld [tilespmem:s1+$0xFFFFFF50];
	_ =	sdelay $0x4  }
0x141: {  	s20 =	sor.u32 $0x20, s2;
	[tilespmem:v16+s22+$0x0] =	vst.idx.add.f32.msk $0xffff, v3  }
0x142: {  	v17 =	vor.u32 s20, v1;
	v3 =	vld [tilespmem:s1+$0xFFFFFF60]  }
0x143: {  	(v2sf) =	vpush v2, $0x6;
	_ =	sdelay $0x3  }
0x144: {  	s2 =	sor.u32 $0x30, s2;
	[tilespmem:v17+s22+$0x0] =	vst.idx.add.f32.msk $0xffff, v3  }
0x145: {  	v18 =	vor.u32 s2, v1;
	v3 =	vld [tilespmem:s1+$0xFFFFFF70];
	_ =	sdelay $0x3  }
0x146: {  	v19 =	vbroadcast v2, $0x6  }
0x147: {  	[tilespmem:v18+s22+$0x0] =	vst.idx.add.f32.msk $0xffff, v3  }
0x148: {  	v20 =	vor.u32 v1, v19;
	v3 =	vld [tilespmem:s1+$0xFFFFFF80];
	_ =	sdelay $0x3  }
0x149: {  	s2 =	spop (v2sf)  }
0x14a: {  	s20 =	sor.u32 $0x10, s2;
	[tilespmem:v20+s22+$0x0] =	vst.idx.add.f32.msk $0xffff, v3  }
0x14b: {  	v21 =	vor.u32 s20, v1;
	v3 =	vld [tilespmem:s1+$0xFFFFFF90];
	_ =	sdelay $0x4  }
0x14c: {  	s20 =	sor.u32 $0x20, s2;
	[tilespmem:v21+s22+$0x0] =	vst.idx.add.f32.msk $0xffff, v3  }
0x14d: {  	v22 =	vor.u32 s20, v1;
	v3 =	vld [tilespmem:s1+$0xFFFFFFA0]  }
0x14e: {  	(v2sf) =	vpush v2, $0x7;
	_ =	sdelay $0x3  }
0x14f: {  	s2 =	sor.u32 $0x30, s2;
	[tilespmem:v22+s22+$0x0] =	vst.idx.add.f32.msk $0xffff, v3  }
0x150: {  	v23 =	vor.u32 s2, v1;
	v3 =	vld [tilespmem:s1+$0xFFFFFFB0];
	_ =	sdelay $0x3  }
0x151: {  	v24 =	vbroadcast v2, $0x7  }
0x152: {  	[tilespmem:v23+s22+$0x0] =	vst.idx.add.f32.msk $0xffff, v3  }
0x153: {  	v25 =	vor.u32 v1, v24;
	v3 =	vld [tilespmem:s1+$0xFFFFFFC0];
	_ =	sdelay $0x3  }
0x154: {  	s2 =	spop (v2sf)  }
0x155: {  	s20 =	sor.u32 $0x10, s2;
	[tilespmem:v25+s22+$0x0] =	vst.idx.add.f32.msk $0xffff, v3  }
0x156: {  	v26 =	vor.u32 s20, v1;
	v3 =	vld [tilespmem:s1+$0xFFFFFFD0];
	_ =	sdelay $0x4  }
0x157: {  	s20 =	sor.u32 $0x20, s2;
	[tilespmem:v26+s22+$0x0] =	vst.idx.add.f32.msk $0xffff, v3  }
0x158: {  	v27 =	vor.u32 s20, v1;
	v3 =	vld [tilespmem:s1+$0xFFFFFFE0]  }
0x159: {  	(v2sf) =	vpush v2, $0x8;
	_ =	sdelay $0x3  }
0x15a: {  	s2 =	sor.u32 $0x30, s2;
	[tilespmem:v27+s22+$0x0] =	vst.idx.add.f32.msk $0xffff, v3  }
0x15b: {  	v28 =	vor.u32 s2, v1;
	v3 =	vld [tilespmem:s1+$0xFFFFFFF0];
	_ =	sdelay $0x3  }
0x15c: {  	v29 =	vbroadcast v2, $0x8  }
0x15d: {  	[tilespmem:v28+s22+$0x0] =	vst.idx.add.f32.msk $0xffff, v3  }
0x15e: {  	v30 =	vor.u32 v1, v29;
	v3 =	vld [tilespmem:s1+$0x0];
	_ =	sdelay $0x3  }
0x15f: {  	s2 =	spop (v2sf)  }
0x160: {  	s20 =	sor.u32 $0x10, s2;
	[tilespmem:v30+s22+$0x0] =	vst.idx.add.f32.msk $0xffff, v3  }
0x161: {  	v31 =	vor.u32 s20, v1;
	v3 =	vld [tilespmem:s1+$0x10];
	_ =	sdelay $0x4  }
0x162: {  	s20 =	sor.u32 $0x20, s2;
	[tilespmem:v31+s22+$0x0] =	vst.idx.add.f32.msk $0xffff, v3  }
0x163: {  	v32 =	vor.u32 s20, v1;
	v3 =	vld [tilespmem:s1+$0x20]  }
0x164: {  	(v2sf) =	vpush v2, $0x9;
	_ =	sdelay $0x3  }
0x165: {  	s2 =	sor.u32 $0x30, s2;
	[tilespmem:v32+s22+$0x0] =	vst.idx.add.f32.msk $0xffff, v3  }
0x166: {  	v33 =	vor.u32 s2, v1;
	v3 =	vld [tilespmem:s1+$0x30];
	_ =	sdelay $0x3  }
0x167: {  	v34 =	vbroadcast v2, $0x9  }
0x168: {  	[tilespmem:v33+s22+$0x0] =	vst.idx.add.f32.msk $0xffff, v3  }
0x169: {  	v35 =	vor.u32 v1, v34;
	v3 =	vld [tilespmem:s1+$0x40];
	_ =	sdelay $0x3  }
0x16a: {  	s2 =	spop (v2sf)  }
0x16b: {  	s20 =	sor.u32 $0x10, s2;
	[tilespmem:v35+s22+$0x0] =	vst.idx.add.f32.msk $0xffff, v3  }
0x16c: {  	v36 =	vor.u32 s20, v1;
	v3 =	vld [tilespmem:s1+$0x50];
	_ =	sdelay $0x4  }
0x16d: {  	s20 =	sor.u32 $0x20, s2;
	[tilespmem:v36+s22+$0x0] =	vst.idx.add.f32.msk $0xffff, v3  }
0x16e: {  	v37 =	vor.u32 s20, v1;
	v3 =	vld [tilespmem:s1+$0x60]  }
0x16f: {  	(v2sf) =	vpush v2, $0xA;
	_ =	sdelay $0x3  }
0x170: {  	s2 =	sor.u32 $0x30, s2;
	[tilespmem:v37+s22+$0x0] =	vst.idx.add.f32.msk $0xffff, v3  }
0x171: {  	v38 =	vor.u32 s2, v1;
	v3 =	vld [tilespmem:s1+$0x70];
	_ =	sdelay $0x3  }
0x172: {  	v39 =	vbroadcast v2, $0xA  }
0x173: {  	[tilespmem:v38+s22+$0x0] =	vst.idx.add.f32.msk $0xffff, v3  }
0x174: {  	v40 =	vor.u32 v1, v39;
	v3 =	vld [tilespmem:s1+$0x80];
	_ =	sdelay $0x3  }
0x175: {  	s2 =	spop (v2sf)  }
0x176: {  	s20 =	sor.u32 $0x10, s2;
	[tilespmem:v40+s22+$0x0] =	vst.idx.add.f32.msk $0xffff, v3  }
0x177: {  	v41 =	vor.u32 s20, v1;
	v3 =	vld [tilespmem:s1+$0x90];
	_ =	sdelay $0x4  }
0x178: {  	s20 =	sor.u32 $0x20, s2;
	[tilespmem:v41+s22+$0x0] =	vst.idx.add.f32.msk $0xffff, v3  }
0x179: {  	v42 =	vor.u32 s20, v1;
	v3 =	vld [tilespmem:s1+$0xA0]  }
0x17a: {  	(v2sf) =	vpush v2, $0xB;
	_ =	sdelay $0x3  }
0x17b: {  	s2 =	sor.u32 $0x30, s2;
	[tilespmem:v42+s22+$0x0] =	vst.idx.add.f32.msk $0xffff, v3  }
0x17c: {  	v43 =	vor.u32 s2, v1;
	v3 =	vld [tilespmem:s1+$0xB0];
	_ =	sdelay $0x3  }
0x17d: {  	v44 =	vbroadcast v2, $0xB  }
0x17e: {  	[tilespmem:v43+s22+$0x0] =	vst.idx.add.f32.msk $0xffff, v3  }
0x17f: {  	v45 =	vor.u32 v1, v44;
	v3 =	vld [tilespmem:s1+$0xC0];
	_ =	sdelay $0x3  }
0x180: {  	s2 =	spop (v2sf)  }
0x181: {  	s20 =	sor.u32 $0x10, s2;
	[tilespmem:v45+s22+$0x0] =	vst.idx.add.f32.msk $0xffff, v3  }
0x182: {  	v46 =	vor.u32 s20, v1;
	v3 =	vld [tilespmem:s1+$0xD0];
	_ =	sdelay $0x4  }
0x183: {  	s20 =	sor.u32 $0x20, s2;
	[tilespmem:v46+s22+$0x0] =	vst.idx.add.f32.msk $0xffff, v3  }
0x184: {  	v47 =	vor.u32 s20, v1;
	v3 =	vld [tilespmem:s1+$0xE0]  }
0x185: {  	(v2sf) =	vpush v2, $0xC;
	_ =	sdelay $0x3  }
0x186: {  	s2 =	sor.u32 $0x30, s2;
	[tilespmem:v47+s22+$0x0] =	vst.idx.add.f32.msk $0xffff, v3  }
0x187: {  	v48 =	vor.u32 s2, v1;
	v3 =	vld [tilespmem:s1+$0xF0];
	_ =	sdelay $0x3  }
0x188: {  	v49 =	vbroadcast v2, $0xC  }
0x189: {  	[tilespmem:v48+s22+$0x0] =	vst.idx.add.f32.msk $0xffff, v3  }
0x18a: {  	v50 =	vor.u32 v1, v49;
	v3 =	vld [tilespmem:s1+$0x100];
	_ =	sdelay $0x3  }
0x18b: {  	s2 =	spop (v2sf)  }
0x18c: {  	s20 =	sor.u32 $0x10, s2;
	[tilespmem:v50+s22+$0x0] =	vst.idx.add.f32.msk $0xffff, v3  }
0x18d: {  	v51 =	vor.u32 s20, v1;
	v3 =	vld [tilespmem:s1+$0x110];
	_ =	sdelay $0x4  }
0x18e: {  	s20 =	sor.u32 $0x20, s2;
	[tilespmem:v51+s22+$0x0] =	vst.idx.add.f32.msk $0xffff, v3  }
0x18f: {  	v52 =	vor.u32 s20, v1;
	v3 =	vld [tilespmem:s1+$0x120]  }
0x190: {  	(v2sf) =	vpush v2, $0xD;
	_ =	sdelay $0x3  }
0x191: {  	s2 =	sor.u32 $0x30, s2;
	[tilespmem:v52+s22+$0x0] =	vst.idx.add.f32.msk $0xffff, v3  }
0x192: {  	v53 =	vor.u32 s2, v1;
	v3 =	vld [tilespmem:s1+$0x130];
	_ =	sdelay $0x3  }
0x193: {  	v54 =	vbroadcast v2, $0xD  }
0x194: {  	[tilespmem:v53+s22+$0x0] =	vst.idx.add.f32.msk $0xffff, v3  }
0x195: {  	v55 =	vor.u32 v1, v54;
	v3 =	vld [tilespmem:s1+$0x140];
	_ =	sdelay $0x3  }
0x196: {  	s2 =	spop (v2sf)  }
0x197: {  	s20 =	sor.u32 $0x10, s2;
	[tilespmem:v55+s22+$0x0] =	vst.idx.add.f32.msk $0xffff, v3  }
0x198: {  	v56 =	vor.u32 s20, v1;
	v3 =	vld [tilespmem:s1+$0x150];
	_ =	sdelay $0x4  }
0x199: {  	s20 =	sor.u32 $0x20, s2;
	[tilespmem:v56+s22+$0x0] =	vst.idx.add.f32.msk $0xffff, v3  }
0x19a: {  	v57 =	vor.u32 s20, v1;
	v3 =	vld [tilespmem:s1+$0x160]  }
0x19b: {  	(v2sf) =	vpush v2, $0xE;
	_ =	sdelay $0x3  }
0x19c: {  	s2 =	sor.u32 $0x30, s2;
	[tilespmem:v57+s22+$0x0] =	vst.idx.add.f32.msk $0xffff, v3  }
0x19d: {  	v58 =	vor.u32 s2, v1;
	v3 =	vld [tilespmem:s1+$0x170];
	_ =	sdelay $0x3  }
0x19e: {  	v59 =	vbroadcast v2, $0xE  }
0x19f: {  	[tilespmem:v58+s22+$0x0] =	vst.idx.add.f32.msk $0xffff, v3  }
0x1a0: {  	v60 =	vor.u32 v1, v59;
	v3 =	vld [tilespmem:s1+$0x180];
	_ =	sdelay $0x3  }
0x1a1: {  	s2 =	spop (v2sf)  }
0x1a2: {  	s20 =	sor.u32 $0x10, s2;
	[tilespmem:v60+s22+$0x0] =	vst.idx.add.f32.msk $0xffff, v3  }
0x1a3: {  	v61 =	vor.u32 s20, v1;
	v3 =	vld [tilespmem:s1+$0x190];
	_ =	sdelay $0x4  }
0x1a4: {  	s20 =	sor.u32 $0x20, s2;
	[tilespmem:v61+s22+$0x0] =	vst.idx.add.f32.msk $0xffff, v3  }
0x1a5: {  	v62 =	vor.u32 s20, v1;
	v3 =	vld [tilespmem:s1+$0x1A0]  }
0x1a6: {  	(v2sf) =	vpush v2, $0xF;
	_ =	sdelay $0x3  }
0x1a7: {  	s2 =	sor.u32 $0x30, s2;
	[tilespmem:v62+s22+$0x0] =	vst.idx.add.f32.msk $0xffff, v3  }
0x1a8: {  	v63 =	vor.u32 s2, v1;
	v3 =	vld [tilespmem:s1+$0x1B0];
	_ =	sdelay $0x3  }
0x1a9: {  	v2 =	vbroadcast v2, $0xF  }
0x1aa: {  	[tilespmem:v63+s22+$0x0] =	vst.idx.add.f32.msk $0xffff, v3  }
0x1ab: {  	v2 =	vor.u32 v1, v2;
	v3 =	vld [tilespmem:s1+$0x1C0];
	_ =	sdelay $0x3  }
0x1ac: {  	s2 =	spop (v2sf)  }
0x1ad: {  	s20 =	sor.u32 $0x10, s2;
	[tilespmem:v2+s22+$0x0] =	vst.idx.add.f32.msk $0xffff, v3  }
0x1ae: {  	v3 =	vor.u32 s20, v1;
	v2 =	vld [tilespmem:s1+$0x1D0];
	_ =	sdelay $0x4  }
0x1af: {  	s20 =	sor.u32 $0x20, s2;
	[tilespmem:v3+s22+$0x0] =	vst.idx.add.f32.msk $0xffff, v2  }
0x1b0: {  	v3 =	vor.u32 s20, v1;
	v2 =	vld [tilespmem:s1+$0x1E0];
	_ =	sdelay $0x4  }
0x1b1: {  	s2 =	sor.u32 $0x30, s2;
	[tilespmem:v3+s22+$0x0] =	vst.idx.add.f32.msk $0xffff, v2  }
0x1b2: {  	p0 =	sne.s32 s0, $0x3C0;
	v3 =	vor.u32 s2, v1;
	v2 =	vld [tilespmem:s1+$0x1F0]  }
.Ltmp9:
0x1b3: {  	_ = 	snop;
	(pc) =	sbr.rel @p0 .LBB2_11-.Ltmp9, $2  }
0x1b4: {  	_ =	sdelay $0x2  }
0x1b5: {  	s0 =	sadd.s32 $0x40, s0;
	s1 =	sadd.s32 $0x400, s1;
	[tilespmem:v3+s22+$0x0] =	vst.idx.add.f32.msk $0xffff, v2  }
.Ltmp10:
0x1b6: {  	_ = 	snop;
	(pc) =	sbr.rel .LBB2_12-.Ltmp10, $1  }
0x1b7: {  	_ =	sdelay $0x3  }
.LBB2_13:
.Ltmp11:
0x1b8: {  	(pc) =	sbr.rel .LBB2_14-.Ltmp11, $4  }
0x1b9: {  	s31 =	simm.s32 $0x0  }
0x1ba: {  	[tilespmem:s24], [sflag:$0x1] =	stream.linear.gather [hbm4b:s12+s31], $0x200, $0x38;
	[tilespmem:$0x1C800] =	vst v63  }
0x1bb: {  	_ = 	snop  }
0x1bc: {  	[tilespmem:s25], [sflag:$0x1] =	stream.linear.gather [hbm4b:s13+s31], $0x4000, $0x38;
	[tilespmem:$0x1C800] =	vst v63  }
.LBB2_19:
0x1bd: {  	s31 =	sadd.s32 $0x1, s31  }
0x1be: {  	p0 =	sne.s32 s31, $0x31  }
.Ltmp12:
0x1bf: {  	_ = 	snop;
	(pc) =	sbr.rel @!p0 .LBB2_20-.Ltmp12, $1  }
0x1c0: {  	_ =	sdelay $0x3  }
.LBB2_14:
0x1c1: {  	s0 =	sshll.u32 s31, $0x6  }
0x1c2: {  	s1 =	sor.u32 s17, s0  }
0x1c3: {  	p0 =	sgt.u32 s1, $0xC34  }
0x1c4: {  	s2 =	sshll.u32 @!p0 s1, $0x6;
	s19 =	simm.s32 @!p0 $0x0  }
0x1c5: {  	s20 =	simm.s32 @!p0 $0x6400;
	s1 =	sshll.u32 @!p0 s1, $0xB;
	s2 =	sadd.s32 @!p0 s6, s2  }
0x1c6: {  	[tilespmem:s20], [sflag:$0x2] =	stream.linear.gather @!p0 [hbm4b:s2+s19], $0x200, $0x38;
	[tilespmem:$0x1C800] =	vst v63  }
0x1c7: {  	s1 =	sadd.s32 @!p0 s7, s1;
	s2 =	simm.s32 @!p0 $0xA600  }
0x1c8: {  	[tilespmem:s2], [sflag:$0x2] =	stream.linear.gather @!p0 [hbm4b:s1+s19], $0x4000, $0x38;
	[tilespmem:$0x1C800] =	vst v63  }
0x1c9: {  	_ =	swait.ge [sflag:s21], $0x200  }
0x1ca: {  	[sflag:s21] =	ssyncset.done $0x0  }
0x1cb: {  	[sflag:s21] =	ssyncadd.s32 $0xFFFFFE00  }
0x1cc: {  	_ =	swait.ge [sflag:s21], $0x4000  }
0x1cd: {  	s0 =	sadd.s32 s10, s0;
	[sflag:s21] =	ssyncset.done $0x0  }
0x1ce: {  	s1 =	simm.s32 $0x6700;
	s2 =	simm.s32 $0x0;
	[sflag:s21] =	ssyncadd.s32 $0xFFFFC000  }
.LBB2_15:
0x1cf: {  	s19 =	sshra.s32 s2, $0x2  }
0x1d0: {  	v2 =	vld [tilespmem:s19+$0x6200];
	_ =	sdelay $0x4  }
0x1d1: {  	v3 =	vshrl.u32 v2, $0x2;
	_ =	sdelay $0x4  }
0x1d2: {  	v3 =	vld.idx.msk [tilespmem:v3+s3+$0x0], $0xffff;
	_ =	sdelay $0x2  }
0x1d3: {  	v2 =	vshll.u32 v2, $0x3  }
0x1d4: {  	v2 =	vand.u32 $0x18, v2  }
0x1d5: {  	v2 =	vshrl.u32 v3, v2  }
0x1d6: {  	v2 =	vshll.u32 v2, $0x5  }
0x1d7: {  	v2 =	vand.u32 $0x1FE0, v2  }
0x1d8: {  	(v2sf) =	vpush v2, $0x0;
	_ =	sdelay $0x8  }
0x1d9: {  	v3 =	vbroadcast v2, $0x0;
	_ =	sdelay $0x1  }
0x1da: {  	v4 =	vld [tilespmem:s1+$0xFFFFFF00];
	v3 =	vor.u32 v1, v3  }
0x1db: {  	(v2sf) =	vpush v2, $0x1;
	_ =	sdelay $0x2  }
0x1dc: {  	s20 =	spop (v2sf)  }
0x1dd: {  	[tilespmem:v3+s26+$0x0] =	vst.idx.add.f32.msk $0xffff, v4;
	s19 =	sor.u32 $0x10, s20  }
0x1de: {  	v3 =	vld [tilespmem:s1+$0xFFFFFF10];
	v22 =	vor.u32 s19, v1;
	_ =	sdelay $0x3  }
0x1df: {  	v5 =	vbroadcast v2, $0x1  }
0x1e0: {  	[tilespmem:v22+s26+$0x0] =	vst.idx.add.f32.msk $0xffff, v3  }
0x1e1: {  	v23 =	vor.u32 v1, v5;
	v3 =	vld [tilespmem:s1+$0xFFFFFF20]  }
0x1e2: {  	(v2sf) =	vpush v2, $0x2;
	_ =	sdelay $0x2  }
0x1e3: {  	s20 =	spop (v2sf)  }
0x1e4: {  	s19 =	sor.u32 $0x10, s20;
	[tilespmem:v23+s26+$0x0] =	vst.idx.add.f32.msk $0xffff, v3  }
0x1e5: {  	v24 =	vor.u32 s19, v1;
	v3 =	vld [tilespmem:s1+$0xFFFFFF30];
	_ =	sdelay $0x3  }
0x1e6: {  	v25 =	vbroadcast v2, $0x2  }
0x1e7: {  	[tilespmem:v24+s26+$0x0] =	vst.idx.add.f32.msk $0xffff, v3  }
0x1e8: {  	v26 =	vor.u32 v1, v25;
	v3 =	vld [tilespmem:s1+$0xFFFFFF40]  }
0x1e9: {  	(v2sf) =	vpush v2, $0x3;
	_ =	sdelay $0x2  }
0x1ea: {  	s20 =	spop (v2sf)  }
0x1eb: {  	s19 =	sor.u32 $0x10, s20;
	[tilespmem:v26+s26+$0x0] =	vst.idx.add.f32.msk $0xffff, v3  }
0x1ec: {  	v27 =	vor.u32 s19, v1;
	v3 =	vld [tilespmem:s1+$0xFFFFFF50];
	_ =	sdelay $0x3  }
0x1ed: {  	v28 =	vbroadcast v2, $0x3  }
0x1ee: {  	[tilespmem:v27+s26+$0x0] =	vst.idx.add.f32.msk $0xffff, v3  }
0x1ef: {  	v29 =	vor.u32 v1, v28;
	v3 =	vld [tilespmem:s1+$0xFFFFFF60]  }
0x1f0: {  	(v2sf) =	vpush v2, $0x4;
	_ =	sdelay $0x2  }
0x1f1: {  	s20 =	spop (v2sf)  }
0x1f2: {  	s19 =	sor.u32 $0x10, s20;
	[tilespmem:v29+s26+$0x0] =	vst.idx.add.f32.msk $0xffff, v3  }
0x1f3: {  	v30 =	vor.u32 s19, v1;
	v3 =	vld [tilespmem:s1+$0xFFFFFF70];
	_ =	sdelay $0x3  }
0x1f4: {  	v31 =	vbroadcast v2, $0x4  }
0x1f5: {  	[tilespmem:v30+s26+$0x0] =	vst.idx.add.f32.msk $0xffff, v3  }
0x1f6: {  	v32 =	vor.u32 v1, v31;
	v3 =	vld [tilespmem:s1+$0xFFFFFF80]  }
0x1f7: {  	(v2sf) =	vpush v2, $0x5;
	_ =	sdelay $0x2  }
0x1f8: {  	s20 =	spop (v2sf)  }
0x1f9: {  	s19 =	sor.u32 $0x10, s20;
	[tilespmem:v32+s26+$0x0] =	vst.idx.add.f32.msk $0xffff, v3  }
0x1fa: {  	v33 =	vor.u32 s19, v1;
	v3 =	vld [tilespmem:s1+$0xFFFFFF90];
	_ =	sdelay $0x3  }
0x1fb: {  	v34 =	vbroadcast v2, $0x5  }
0x1fc: {  	[tilespmem:v33+s26+$0x0] =	vst.idx.add.f32.msk $0xffff, v3  }
0x1fd: {  	v35 =	vor.u32 v1, v34;
	v3 =	vld [tilespmem:s1+$0xFFFFFFA0]  }
0x1fe: {  	(v2sf) =	vpush v2, $0x6;
	_ =	sdelay $0x2  }
0x1ff: {  	s20 =	spop (v2sf)  }
0x200: {  	s19 =	sor.u32 $0x10, s20;
	[tilespmem:v35+s26+$0x0] =	vst.idx.add.f32.msk $0xffff, v3  }
0x201: {  	v36 =	vor.u32 s19, v1;
	v3 =	vld [tilespmem:s1+$0xFFFFFFB0];
	_ =	sdelay $0x3  }
0x202: {  	v37 =	vbroadcast v2, $0x6  }
0x203: {  	[tilespmem:v36+s26+$0x0] =	vst.idx.add.f32.msk $0xffff, v3  }
0x204: {  	v38 =	vor.u32 v1, v37;
	v3 =	vld [tilespmem:s1+$0xFFFFFFC0]  }
0x205: {  	(v2sf) =	vpush v2, $0x7;
	_ =	sdelay $0x2  }
0x206: {  	s20 =	spop (v2sf)  }
0x207: {  	s19 =	sor.u32 $0x10, s20;
	[tilespmem:v38+s26+$0x0] =	vst.idx.add.f32.msk $0xffff, v3  }
0x208: {  	v39 =	vor.u32 s19, v1;
	v3 =	vld [tilespmem:s1+$0xFFFFFFD0];
	_ =	sdelay $0x3  }
0x209: {  	v40 =	vbroadcast v2, $0x7  }
0x20a: {  	[tilespmem:v39+s26+$0x0] =	vst.idx.add.f32.msk $0xffff, v3  }
0x20b: {  	v41 =	vor.u32 v1, v40;
	v3 =	vld [tilespmem:s1+$0xFFFFFFE0]  }
0x20c: {  	(v2sf) =	vpush v2, $0x8;
	_ =	sdelay $0x2  }
0x20d: {  	s20 =	spop (v2sf)  }
0x20e: {  	s19 =	sor.u32 $0x10, s20;
	[tilespmem:v41+s26+$0x0] =	vst.idx.add.f32.msk $0xffff, v3  }
0x20f: {  	v42 =	vor.u32 s19, v1;
	v3 =	vld [tilespmem:s1+$0xFFFFFFF0];
	_ =	sdelay $0x3  }
0x210: {  	v43 =	vbroadcast v2, $0x8  }
0x211: {  	[tilespmem:v42+s26+$0x0] =	vst.idx.add.f32.msk $0xffff, v3  }
0x212: {  	v44 =	vor.u32 v1, v43;
	v3 =	vld [tilespmem:s1+$0x0]  }
0x213: {  	(v2sf) =	vpush v2, $0x9;
	_ =	sdelay $0x2  }
0x214: {  	s20 =	spop (v2sf)  }
0x215: {  	s19 =	sor.u32 $0x10, s20;
	[tilespmem:v44+s26+$0x0] =	vst.idx.add.f32.msk $0xffff, v3  }
0x216: {  	v45 =	vor.u32 s19, v1;
	v3 =	vld [tilespmem:s1+$0x10];
	_ =	sdelay $0x3  }
0x217: {  	v46 =	vbroadcast v2, $0x9  }
0x218: {  	[tilespmem:v45+s26+$0x0] =	vst.idx.add.f32.msk $0xffff, v3  }
0x219: {  	v47 =	vor.u32 v1, v46;
	v3 =	vld [tilespmem:s1+$0x20]  }
0x21a: {  	(v2sf) =	vpush v2, $0xA;
	_ =	sdelay $0x2  }
0x21b: {  	s20 =	spop (v2sf)  }
0x21c: {  	s19 =	sor.u32 $0x10, s20;
	[tilespmem:v47+s26+$0x0] =	vst.idx.add.f32.msk $0xffff, v3  }
0x21d: {  	v48 =	vor.u32 s19, v1;
	v3 =	vld [tilespmem:s1+$0x30];
	_ =	sdelay $0x3  }
0x21e: {  	v49 =	vbroadcast v2, $0xA  }
0x21f: {  	[tilespmem:v48+s26+$0x0] =	vst.idx.add.f32.msk $0xffff, v3  }
0x220: {  	v50 =	vor.u32 v1, v49;
	v3 =	vld [tilespmem:s1+$0x40]  }
0x221: {  	(v2sf) =	vpush v2, $0xB;
	_ =	sdelay $0x2  }
0x222: {  	s20 =	spop (v2sf)  }
0x223: {  	s19 =	sor.u32 $0x10, s20;
	[tilespmem:v50+s26+$0x0] =	vst.idx.add.f32.msk $0xffff, v3  }
0x224: {  	v51 =	vor.u32 s19, v1;
	v3 =	vld [tilespmem:s1+$0x50];
	_ =	sdelay $0x3  }
0x225: {  	v52 =	vbroadcast v2, $0xB  }
0x226: {  	[tilespmem:v51+s26+$0x0] =	vst.idx.add.f32.msk $0xffff, v3  }
0x227: {  	v53 =	vor.u32 v1, v52;
	v3 =	vld [tilespmem:s1+$0x60]  }
0x228: {  	(v2sf) =	vpush v2, $0xC;
	_ =	sdelay $0x2  }
0x229: {  	s20 =	spop (v2sf)  }
0x22a: {  	s19 =	sor.u32 $0x10, s20;
	[tilespmem:v53+s26+$0x0] =	vst.idx.add.f32.msk $0xffff, v3  }
0x22b: {  	v54 =	vor.u32 s19, v1;
	v3 =	vld [tilespmem:s1+$0x70];
	_ =	sdelay $0x3  }
0x22c: {  	v55 =	vbroadcast v2, $0xC  }
0x22d: {  	[tilespmem:v54+s26+$0x0] =	vst.idx.add.f32.msk $0xffff, v3  }
0x22e: {  	v56 =	vor.u32 v1, v55;
	v3 =	vld [tilespmem:s1+$0x80]  }
0x22f: {  	(v2sf) =	vpush v2, $0xD;
	_ =	sdelay $0x2  }
0x230: {  	s20 =	spop (v2sf)  }
0x231: {  	s19 =	sor.u32 $0x10, s20;
	[tilespmem:v56+s26+$0x0] =	vst.idx.add.f32.msk $0xffff, v3  }
0x232: {  	v57 =	vor.u32 s19, v1;
	v3 =	vld [tilespmem:s1+$0x90];
	_ =	sdelay $0x3  }
0x233: {  	v58 =	vbroadcast v2, $0xD  }
0x234: {  	[tilespmem:v57+s26+$0x0] =	vst.idx.add.f32.msk $0xffff, v3  }
0x235: {  	v59 =	vor.u32 v1, v58;
	v3 =	vld [tilespmem:s1+$0xA0]  }
0x236: {  	(v2sf) =	vpush v2, $0xE;
	_ =	sdelay $0x2  }
0x237: {  	s20 =	spop (v2sf)  }
0x238: {  	s19 =	sor.u32 $0x10, s20;
	[tilespmem:v59+s26+$0x0] =	vst.idx.add.f32.msk $0xffff, v3  }
0x239: {  	v60 =	vor.u32 s19, v1;
	v3 =	vld [tilespmem:s1+$0xB0];
	_ =	sdelay $0x3  }
0x23a: {  	v61 =	vbroadcast v2, $0xE  }
0x23b: {  	[tilespmem:v60+s26+$0x0] =	vst.idx.add.f32.msk $0xffff, v3  }
0x23c: {  	v62 =	vor.u32 v1, v61;
	v3 =	vld [tilespmem:s1+$0xC0]  }
0x23d: {  	(v2sf) =	vpush v2, $0xF;
	_ =	sdelay $0x2  }
0x23e: {  	s20 =	spop (v2sf)  }
0x23f: {  	s19 =	sor.u32 $0x10, s20;
	[tilespmem:v62+s26+$0x0] =	vst.idx.add.f32.msk $0xffff, v3  }
0x240: {  	v63 =	vor.u32 s19, v1;
	v3 =	vld [tilespmem:s1+$0xD0];
	_ =	sdelay $0x3  }
0x241: {  	v2 =	vbroadcast v2, $0xF  }
0x242: {  	[tilespmem:v63+s26+$0x0] =	vst.idx.add.f32.msk $0xffff, v3  }
0x243: {  	v2 =	vor.u32 v1, v2;
	v3 =	vld [tilespmem:s1+$0xE0];
	_ =	sdelay $0x3  }
0x244: {  	s20 =	spop (v2sf)  }
0x245: {  	s19 =	sor.u32 $0x10, s20;
	[tilespmem:v2+s26+$0x0] =	vst.idx.add.f32.msk $0xffff, v3  }
0x246: {  	p1 =	sne.s32 s2, $0x7C0;
	v3 =	vor.u32 s19, v1;
	v2 =	vld [tilespmem:s1+$0xF0]  }
.Ltmp13:
0x247: {  	_ = 	snop;
	(pc) =	sbr.rel @p1 .LBB2_15-.Ltmp13, $2  }
0x248: {  	_ =	sdelay $0x2  }
0x249: {  	s2 =	sadd.s32 $0x40, s2;
	s1 =	sadd.s32 $0x200, s1;
	[tilespmem:v3+s26+$0x0] =	vst.idx.add.f32.msk $0xffff, v2  }
0x24a: {  	p1 =	sgt.u32 s0, $0xC34  }
.Ltmp14:
0x24b: {  	s1 =	sshll.u32 @!p1 s0, $0x6;
	s2 =	simm.s32 @!p1 $0x0;
	(pc) =	sbr.rel @p0 .LBB2_19-.Ltmp14, $4  }
0x24c: {  	s19 =	simm.s32 @!p1 $0x6200;
	s0 =	sshll.u32 @!p1 s0, $0xB;
	s1 =	sadd.s32 @!p1 s6, s1  }
0x24d: {  	[tilespmem:s19], [sflag:$0x1] =	stream.linear.gather @!p1 [hbm4b:s1+s2], $0x200, $0x38;
	[tilespmem:$0x1C800] =	vst v63  }
0x24e: {  	s0 =	sadd.s32 @!p1 s7, s0;
	s1 =	simm.s32 @!p1 $0x6600  }
0x24f: {  	[tilespmem:s1], [sflag:$0x1] =	stream.linear.gather @!p1 [hbm4b:s0+s2], $0x4000, $0x38;
	[tilespmem:$0x1C800] =	vst v63  }
0x250: {  	_ =	swait.ge [sflag:s23], $0x200  }
0x251: {  	[sflag:s23] =	ssyncset.done $0x0  }
0x252: {  	[sflag:s23] =	ssyncadd.s32 $0xFFFFFE00  }
0x253: {  	_ =	swait.ge [sflag:s23], $0x4000  }
0x254: {  	[sflag:s23] =	ssyncset.done $0x0  }
0x255: {  	s0 =	simm.s32 $0x0;
	s1 =	simm.s32 $0xA700;
	[sflag:s23] =	ssyncadd.s32 $0xFFFFC000  }
.LBB2_18:
0x256: {  	s2 =	sshra.s32 s0, $0x2  }
0x257: {  	v2 =	vld [tilespmem:s2+$0x6400];
	_ =	sdelay $0x4  }
0x258: {  	v3 =	vshrl.u32 v2, $0x2;
	_ =	sdelay $0x4  }
0x259: {  	v3 =	vld.idx.msk [tilespmem:v3+s3+$0x0], $0xffff;
	_ =	sdelay $0x2  }
0x25a: {  	v2 =	vshll.u32 v2, $0x3  }
0x25b: {  	v2 =	vand.u32 $0x18, v2  }
0x25c: {  	v2 =	vshrl.u32 v3, v2  }
0x25d: {  	v2 =	vshll.u32 v2, $0x5  }
0x25e: {  	v2 =	vand.u32 $0x1FE0, v2  }
0x25f: {  	(v2sf) =	vpush v2, $0x0;
	_ =	sdelay $0x8  }
0x260: {  	v3 =	vbroadcast v2, $0x0;
	_ =	sdelay $0x1  }
0x261: {  	v4 =	vld [tilespmem:s1+$0xFFFFFF00];
	v3 =	vor.u32 v1, v3  }
0x262: {  	(v2sf) =	vpush v2, $0x1;
	_ =	sdelay $0x2  }
0x263: {  	s19 =	spop (v2sf)  }
0x264: {  	[tilespmem:v3+s26+$0x0] =	vst.idx.add.f32.msk $0xffff, v4;
	s2 =	sor.u32 $0x10, s19  }
0x265: {  	v3 =	vld [tilespmem:s1+$0xFFFFFF10];
	v22 =	vor.u32 s2, v1;
	_ =	sdelay $0x3  }
0x266: {  	v5 =	vbroadcast v2, $0x1  }
0x267: {  	[tilespmem:v22+s26+$0x0] =	vst.idx.add.f32.msk $0xffff, v3  }
0x268: {  	v23 =	vor.u32 v1, v5;
	v3 =	vld [tilespmem:s1+$0xFFFFFF20]  }
0x269: {  	(v2sf) =	vpush v2, $0x2;
	_ =	sdelay $0x2  }
0x26a: {  	s20 =	spop (v2sf)  }
0x26b: {  	s2 =	sor.u32 $0x10, s20;
	[tilespmem:v23+s26+$0x0] =	vst.idx.add.f32.msk $0xffff, v3  }
0x26c: {  	v24 =	vor.u32 s2, v1;
	v3 =	vld [tilespmem:s1+$0xFFFFFF30];
	_ =	sdelay $0x3  }
0x26d: {  	v25 =	vbroadcast v2, $0x2  }
0x26e: {  	[tilespmem:v24+s26+$0x0] =	vst.idx.add.f32.msk $0xffff, v3  }
0x26f: {  	v26 =	vor.u32 v1, v25;
	v3 =	vld [tilespmem:s1+$0xFFFFFF40]  }
0x270: {  	(v2sf) =	vpush v2, $0x3;
	_ =	sdelay $0x2  }
0x271: {  	s19 =	spop (v2sf)  }
0x272: {  	s2 =	sor.u32 $0x10, s19;
	[tilespmem:v26+s26+$0x0] =	vst.idx.add.f32.msk $0xffff, v3  }
0x273: {  	v27 =	vor.u32 s2, v1;
	v3 =	vld [tilespmem:s1+$0xFFFFFF50];
	_ =	sdelay $0x3  }
0x274: {  	v28 =	vbroadcast v2, $0x3  }
0x275: {  	[tilespmem:v27+s26+$0x0] =	vst.idx.add.f32.msk $0xffff, v3  }
0x276: {  	v29 =	vor.u32 v1, v28;
	v3 =	vld [tilespmem:s1+$0xFFFFFF60]  }
0x277: {  	(v2sf) =	vpush v2, $0x4;
	_ =	sdelay $0x2  }
0x278: {  	s20 =	spop (v2sf)  }
0x279: {  	s2 =	sor.u32 $0x10, s20;
	[tilespmem:v29+s26+$0x0] =	vst.idx.add.f32.msk $0xffff, v3  }
0x27a: {  	v30 =	vor.u32 s2, v1;
	v3 =	vld [tilespmem:s1+$0xFFFFFF70];
	_ =	sdelay $0x3  }
0x27b: {  	v31 =	vbroadcast v2, $0x4  }
0x27c: {  	[tilespmem:v30+s26+$0x0] =	vst.idx.add.f32.msk $0xffff, v3  }
0x27d: {  	v32 =	vor.u32 v1, v31;
	v3 =	vld [tilespmem:s1+$0xFFFFFF80]  }
0x27e: {  	(v2sf) =	vpush v2, $0x5;
	_ =	sdelay $0x2  }
0x27f: {  	s19 =	spop (v2sf)  }
0x280: {  	s2 =	sor.u32 $0x10, s19;
	[tilespmem:v32+s26+$0x0] =	vst.idx.add.f32.msk $0xffff, v3  }
0x281: {  	v33 =	vor.u32 s2, v1;
	v3 =	vld [tilespmem:s1+$0xFFFFFF90];
	_ =	sdelay $0x3  }
0x282: {  	v34 =	vbroadcast v2, $0x5  }
0x283: {  	[tilespmem:v33+s26+$0x0] =	vst.idx.add.f32.msk $0xffff, v3  }
0x284: {  	v35 =	vor.u32 v1, v34;
	v3 =	vld [tilespmem:s1+$0xFFFFFFA0]  }
0x285: {  	(v2sf) =	vpush v2, $0x6;
	_ =	sdelay $0x2  }
0x286: {  	s20 =	spop (v2sf)  }
0x287: {  	s2 =	sor.u32 $0x10, s20;
	[tilespmem:v35+s26+$0x0] =	vst.idx.add.f32.msk $0xffff, v3  }
0x288: {  	v36 =	vor.u32 s2, v1;
	v3 =	vld [tilespmem:s1+$0xFFFFFFB0];
	_ =	sdelay $0x3  }
0x289: {  	v37 =	vbroadcast v2, $0x6  }
0x28a: {  	[tilespmem:v36+s26+$0x0] =	vst.idx.add.f32.msk $0xffff, v3  }
0x28b: {  	v38 =	vor.u32 v1, v37;
	v3 =	vld [tilespmem:s1+$0xFFFFFFC0]  }
0x28c: {  	(v2sf) =	vpush v2, $0x7;
	_ =	sdelay $0x2  }
0x28d: {  	s19 =	spop (v2sf)  }
0x28e: {  	s2 =	sor.u32 $0x10, s19;
	[tilespmem:v38+s26+$0x0] =	vst.idx.add.f32.msk $0xffff, v3  }
0x28f: {  	v39 =	vor.u32 s2, v1;
	v3 =	vld [tilespmem:s1+$0xFFFFFFD0];
	_ =	sdelay $0x3  }
0x290: {  	v40 =	vbroadcast v2, $0x7  }
0x291: {  	[tilespmem:v39+s26+$0x0] =	vst.idx.add.f32.msk $0xffff, v3  }
0x292: {  	v41 =	vor.u32 v1, v40;
	v3 =	vld [tilespmem:s1+$0xFFFFFFE0]  }
0x293: {  	(v2sf) =	vpush v2, $0x8;
	_ =	sdelay $0x2  }
0x294: {  	s20 =	spop (v2sf)  }
0x295: {  	s2 =	sor.u32 $0x10, s20;
	[tilespmem:v41+s26+$0x0] =	vst.idx.add.f32.msk $0xffff, v3  }
0x296: {  	v42 =	vor.u32 s2, v1;
	v3 =	vld [tilespmem:s1+$0xFFFFFFF0];
	_ =	sdelay $0x3  }
0x297: {  	v43 =	vbroadcast v2, $0x8  }
0x298: {  	[tilespmem:v42+s26+$0x0] =	vst.idx.add.f32.msk $0xffff, v3  }
0x299: {  	v44 =	vor.u32 v1, v43;
	v3 =	vld [tilespmem:s1+$0x0]  }
0x29a: {  	(v2sf) =	vpush v2, $0x9;
	_ =	sdelay $0x2  }
0x29b: {  	s19 =	spop (v2sf)  }
0x29c: {  	s2 =	sor.u32 $0x10, s19;
	[tilespmem:v44+s26+$0x0] =	vst.idx.add.f32.msk $0xffff, v3  }
0x29d: {  	v45 =	vor.u32 s2, v1;
	v3 =	vld [tilespmem:s1+$0x10];
	_ =	sdelay $0x3  }
0x29e: {  	v46 =	vbroadcast v2, $0x9  }
0x29f: {  	[tilespmem:v45+s26+$0x0] =	vst.idx.add.f32.msk $0xffff, v3  }
0x2a0: {  	v47 =	vor.u32 v1, v46;
	v3 =	vld [tilespmem:s1+$0x20]  }
0x2a1: {  	(v2sf) =	vpush v2, $0xA;
	_ =	sdelay $0x2  }
0x2a2: {  	s20 =	spop (v2sf)  }
0x2a3: {  	s2 =	sor.u32 $0x10, s20;
	[tilespmem:v47+s26+$0x0] =	vst.idx.add.f32.msk $0xffff, v3  }
0x2a4: {  	v48 =	vor.u32 s2, v1;
	v3 =	vld [tilespmem:s1+$0x30];
	_ =	sdelay $0x3  }
0x2a5: {  	v49 =	vbroadcast v2, $0xA  }
0x2a6: {  	[tilespmem:v48+s26+$0x0] =	vst.idx.add.f32.msk $0xffff, v3  }
0x2a7: {  	v50 =	vor.u32 v1, v49;
	v3 =	vld [tilespmem:s1+$0x40]  }
0x2a8: {  	(v2sf) =	vpush v2, $0xB;
	_ =	sdelay $0x2  }
0x2a9: {  	s19 =	spop (v2sf)  }
0x2aa: {  	s2 =	sor.u32 $0x10, s19;
	[tilespmem:v50+s26+$0x0] =	vst.idx.add.f32.msk $0xffff, v3  }
0x2ab: {  	v51 =	vor.u32 s2, v1;
	v3 =	vld [tilespmem:s1+$0x50];
	_ =	sdelay $0x3  }
0x2ac: {  	v52 =	vbroadcast v2, $0xB  }
0x2ad: {  	[tilespmem:v51+s26+$0x0] =	vst.idx.add.f32.msk $0xffff, v3  }
0x2ae: {  	v53 =	vor.u32 v1, v52;
	v3 =	vld [tilespmem:s1+$0x60]  }
0x2af: {  	(v2sf) =	vpush v2, $0xC;
	_ =	sdelay $0x2  }
0x2b0: {  	s20 =	spop (v2sf)  }
0x2b1: {  	s2 =	sor.u32 $0x10, s20;
	[tilespmem:v53+s26+$0x0] =	vst.idx.add.f32.msk $0xffff, v3  }
0x2b2: {  	v54 =	vor.u32 s2, v1;
	v3 =	vld [tilespmem:s1+$0x70];
	_ =	sdelay $0x3  }
0x2b3: {  	v55 =	vbroadcast v2, $0xC  }
0x2b4: {  	[tilespmem:v54+s26+$0x0] =	vst.idx.add.f32.msk $0xffff, v3  }
0x2b5: {  	v56 =	vor.u32 v1, v55;
	v3 =	vld [tilespmem:s1+$0x80]  }
0x2b6: {  	(v2sf) =	vpush v2, $0xD;
	_ =	sdelay $0x2  }
0x2b7: {  	s19 =	spop (v2sf)  }
0x2b8: {  	s2 =	sor.u32 $0x10, s19;
	[tilespmem:v56+s26+$0x0] =	vst.idx.add.f32.msk $0xffff, v3  }
0x2b9: {  	v57 =	vor.u32 s2, v1;
	v3 =	vld [tilespmem:s1+$0x90];
	_ =	sdelay $0x3  }
0x2ba: {  	v58 =	vbroadcast v2, $0xD  }
0x2bb: {  	[tilespmem:v57+s26+$0x0] =	vst.idx.add.f32.msk $0xffff, v3  }
0x2bc: {  	v59 =	vor.u32 v1, v58;
	v3 =	vld [tilespmem:s1+$0xA0]  }
0x2bd: {  	(v2sf) =	vpush v2, $0xE;
	_ =	sdelay $0x2  }
0x2be: {  	s20 =	spop (v2sf)  }
0x2bf: {  	s2 =	sor.u32 $0x10, s20;
	[tilespmem:v59+s26+$0x0] =	vst.idx.add.f32.msk $0xffff, v3  }
0x2c0: {  	v60 =	vor.u32 s2, v1;
	v3 =	vld [tilespmem:s1+$0xB0];
	_ =	sdelay $0x3  }
0x2c1: {  	v61 =	vbroadcast v2, $0xE  }
0x2c2: {  	[tilespmem:v60+s26+$0x0] =	vst.idx.add.f32.msk $0xffff, v3  }
0x2c3: {  	v62 =	vor.u32 v1, v61;
	v3 =	vld [tilespmem:s1+$0xC0]  }
0x2c4: {  	(v2sf) =	vpush v2, $0xF;
	_ =	sdelay $0x2  }
0x2c5: {  	s19 =	spop (v2sf)  }
0x2c6: {  	s2 =	sor.u32 $0x10, s19;
	[tilespmem:v62+s26+$0x0] =	vst.idx.add.f32.msk $0xffff, v3  }
0x2c7: {  	v63 =	vor.u32 s2, v1;
	v3 =	vld [tilespmem:s1+$0xD0];
	_ =	sdelay $0x3  }
0x2c8: {  	v2 =	vbroadcast v2, $0xF  }
0x2c9: {  	[tilespmem:v63+s26+$0x0] =	vst.idx.add.f32.msk $0xffff, v3  }
0x2ca: {  	v2 =	vor.u32 v1, v2;
	v3 =	vld [tilespmem:s1+$0xE0];
	_ =	sdelay $0x3  }
0x2cb: {  	s20 =	spop (v2sf)  }
0x2cc: {  	s2 =	sor.u32 $0x10, s20;
	[tilespmem:v2+s26+$0x0] =	vst.idx.add.f32.msk $0xffff, v3  }
0x2cd: {  	p0 =	sne.s32 s0, $0x7C0;
	v3 =	vor.u32 s2, v1;
	v2 =	vld [tilespmem:s1+$0xF0]  }
.Ltmp15:
0x2ce: {  	_ = 	snop;
	(pc) =	sbr.rel @p0 .LBB2_18-.Ltmp15, $2  }
0x2cf: {  	_ =	sdelay $0x2  }
0x2d0: {  	s0 =	sadd.s32 $0x40, s0;
	s1 =	sadd.s32 $0x200, s1;
	[tilespmem:v3+s26+$0x0] =	vst.idx.add.f32.msk $0xffff, v2  }
.Ltmp16:
0x2d1: {  	_ = 	snop;
	(pc) =	sbr.rel .LBB2_19-.Ltmp16, $1  }
0x2d2: {  	_ =	sdelay $0x3  }
.LBB2_21:
0x2d3: {  	_ =	sfence.sel $0x180000  }
0x2d4: {  	[bflag:$0x0] =	sbarrier.arrive $0xFFFF  }
0x2d5: {  	_ =	strace $0x90000047  }
0x2d6: {  	s0 =	stileid.u32;
	[bflag:$0x2] =	sbarrier.arrive $0xFFFF  }
0x2d7: {  	p0 =	sne.s32 s0, $0x0;
	s0 =	rddreg [dreg:$0x2]  }
0x2d8: {  	s0 =	sadd.s32 @!p0 $0x100000, s0  }
0x2d9: {  	[sflag:s0] =	ssyncadd.tile.s32 @!p0 $0x1;
	_ =	shalt  }
.Lfunc_end2:
_tile_overlayer_lowered:
.L_overlay_start_2:
0x2da: {  	(tag) =	ssettag $0x2  }
0x2db: {  	s0 =	rddreg [dreg:$0x0];
	s2 =	stileid.u32  }
0x2dc: {  	s1 =	rddreg [dreg:$0x1];
	p0 =	sne.s32 s2, $0x0  }
0x2dd: {  	s3 =	rddreg [dreg:$0x2];
	[bflag:$0x3] =	sbarrier.arrive $0xFFFF;
	s2 =	simm.s32 @!p0 $0x1C03  }
0x2de: {  	[timem:s3], [sflag:s2] =	dma.local @!p0 [hbm:s0], s1  }
0x2df: {  	s0 =	simm.s32 @!p0 $0x3  }
0x2e0: {  	_ =	swait.ge @!p0 [sflag:s0], s1  }
0x2e1: {  	s1 =	ssub.s32 @!p0 $0x0, s1;
	[sflag:s0] =	ssyncset.done @!p0 $0x0  }
0x2e2: {  	[sflag:s0] =	ssyncadd.s32 @!p0 s1  }
0x2e3: {  	[bflag:$0x3] =	sbarrier.arrive $0xFFFF  }
0x2e4: {  	_ =	shalt  }

</sc_bundles>
